<compile_context>
chip_gen: v7x
topology: tpu7x:2x2x1
jax: 0.10.2.dev20260603
libtpu: 0.0.44.dev20260713+nightly
codegen_flags: <defaults>
</compile_context>

<pallas_src>
import functools

import jax
import jax.numpy as jnp
from jax import lax
from jax.experimental import pallas as pl
from jax.experimental.pallas import tpu as pltpu
from jax.experimental.pallas import tpu_sc as plsc

N = 4096
M = 16384
K = 8
NC, NS, L = 2, 16, 16
NW = NC * NS
QPW = N // NW
BIG = 3.4e38


def _bitonic_sort_body(xm_ref, out_ref):
    v = xm_ref[...]
    r = lax.broadcasted_iota(jnp.int32, (128, 128), 0)
    c = lax.broadcasted_iota(jnp.int32, (128, 128), 1)
    idx = c * 128 + r
    for lm in range(1, 15):
        mm = 1 << lm
        desc = (idx & mm) != 0
        for ls in range(lm - 1, -1, -1):
            s = 1 << ls
            bit = (idx & s) != 0
            if s < 128:
                up = jnp.roll(v, -s, axis=0)
                dn = jnp.roll(v, s, axis=0)
            else:
                up = jnp.roll(v, -(s // 128), axis=1)
                dn = jnp.roll(v, s // 128, axis=1)
            partner = jnp.where(bit, dn, up)
            lo = jnp.minimum(v, partner)
            hi = jnp.maximum(v, partner)
            v = jnp.where(bit != desc, hi, lo)
    out_ref[...] = v.T


_tc_sort = pl.pallas_call(
    _bitonic_sort_body,
    out_shape=jax.ShapeDtypeStruct((128, 128), jnp.float32),
)


def _sc_query_body(xs_hbm, x_hbm, out_hbm, xs_v, q_v, out_v, xs_sh, sem):
    sid = lax.axis_index("s")
    wid = sid * NC + lax.axis_index("c")
    base = wid * QPW
    @pl.when(sid == 0)
    def _stage_shared():
        pltpu.sync_copy(xs_hbm, xs_sh)
    plsc.subcore_barrier()
    nst = 4
    cps = [
        pltpu.async_copy(
            xs_sh.at[pl.ds(i * (M // nst), M // nst)],
            xs_v.at[pl.ds(i * (M // nst), M // nst)], sem)
        for i in range(nst)
    ]
    pltpu.sync_copy(x_hbm.at[pl.ds(base, QPW)], q_v)
    for cp in cps:
        cp.wait()
    lanes = lax.iota(jnp.int32, L)
    ng = QPW // L
    qs = [q_v[pl.ds(g * L, L)] for g in range(ng)]
    def _bs_round(cnts, s):
        idxs = [cnts[g] + (s - 1) for g in range(ng)]
        vals = [plsc.load_gather(xs_v, [idxs[g]]) for g in range(ng)]
        return [
            jnp.where(vals[g] < qs[g], cnts[g] + s, cnts[g])
            for g in range(ng)
        ]

    def _bs_step(i, cnts):
        cnts = list(cnts)
        cnts = _bs_round(cnts, M >> (2 * i + 1))
        cnts = _bs_round(cnts, M >> (2 * i + 2))
        return tuple(cnts)

    los = list(lax.fori_loop(
        0, 7, _bs_step,
        tuple(jnp.zeros((L,), jnp.int32) for _ in range(ng))))
    lefts = [los[g] - 1 for g in range(ng)]
    rights = los
    dls, drs = [], []
    for g in range(ng):
        lval = plsc.load_gather(xs_v, [jnp.maximum(lefts[g], 0)])
        rval = plsc.load_gather(xs_v, [jnp.minimum(rights[g], M - 1)])
        dls.append(jnp.where(lefts[g] >= 0, jnp.abs(qs[g] - lval), BIG))
        drs.append(jnp.where(rights[g] < M, jnp.abs(qs[g] - rval), BIG))
        plsc.store_scatter(
            out_v, [lanes + g * L, jnp.zeros((L,), jnp.int32)], qs[g])
    def _merge_step(t, carry):
        lefts, dls, drs = (list(c) for c in carry)
        col = jnp.zeros((L,), jnp.int32) + t
        takes = [dls[g] <= drs[g] for g in range(ng)]
        for g in range(ng):
            plsc.store_scatter(
                out_v, [lanes + g * L, col],
                jnp.where(takes[g], dls[g], drs[g]))
        for g in range(ng):
            lefts[g] = jnp.where(takes[g], lefts[g] - 1, lefts[g])
        rights = [lefts[g] + (t + 1) for g in range(ng)]
        moved = [jnp.where(takes[g], lefts[g], rights[g]) for g in range(ng)]
        vals = [
            plsc.load_gather(xs_v, [jnp.clip(moved[g], 0, M - 1)])
            for g in range(ng)
        ]
        for g in range(ng):
            valid = jnp.where(takes[g], lefts[g] >= 0, rights[g] < M)
            nd = jnp.where(valid, jnp.abs(qs[g] - vals[g]), BIG)
            dls[g] = jnp.where(takes[g], nd, dls[g])
            drs[g] = jnp.where(takes[g], drs[g], nd)
        return tuple(lefts), tuple(dls), tuple(drs)

    _, dls, drs = lax.fori_loop(
        1, K, _merge_step,
        (tuple(lefts), tuple(dls), tuple(drs)))
    colk = jnp.zeros((L,), jnp.int32) + K
    for g in range(ng):
        plsc.store_scatter(
            out_v, [lanes + g * L, colk],
            jnp.where(dls[g] <= drs[g], dls[g], drs[g]))
    pltpu.sync_copy(out_v, out_hbm.at[pl.ds(base, QPW)])


@functools.lru_cache(maxsize=1)
def _make_sc_query():
    return pl.kernel(
        _sc_query_body,
        out_type=jax.ShapeDtypeStruct((N, K + 1), jnp.float32),
        mesh=plsc.VectorSubcoreMesh(
            core_axis_name="c", subcore_axis_name="s",
            num_cores=NC, num_subcores=NS),
        scratch_types=[
            pltpu.VMEM((M,), jnp.float32),
            pltpu.VMEM((QPW,), jnp.float32),
            pltpu.VMEM((QPW, K + 1), jnp.float32),
            pltpu.VMEM_SHARED((M,), jnp.float32),
            pltpu.SemaphoreType.DMA,
        ],
        compiler_params=pltpu.CompilerParams(needs_layout_passes=False),
    )


@jax.jit
def kernel(x, x_measured):
    xs = _tc_sort(x_measured.reshape(128, 128)).reshape(M)
    return _make_sc_query()(xs, x)

# --- scband reference (transcript-rebuilt; emitter-appended) ---
"""Pipeline reference for scband-sldasnet-33921651704421 (READ-ONLY COPY).

The authoritative reference and input builder live on the scoring server;
editing this copy changes nothing except your own understanding.
"""

import jax, jax.numpy as jnp
import numpy as np

N_NEIGHBORS = 8

def setup_inputs(seed: int = 0) -> dict:
    key = jax.random.key(seed)
    k1, k2 = jax.random.split(key)
    x = jax.random.normal(k1, (4096,), dtype=jnp.float32)
    x_measured = jax.random.normal(k2, (16384,), dtype=jnp.float32)
    return {"x": x, "x_measured": x_measured}

def reference(x, x_measured):
    # generate_k_nearest_neighbor_distance_feature
    dists = jnp.abs(x.reshape(-1, 1) - x_measured)          # [N, M]
    dists = jnp.sort(dists, axis=1)                          # ascending, like torch.sort(...).values
    dists = jnp.nan_to_num(dists, nan=1.0)
    # x_measured has M=16384 >= n_neighbors, so the replicate-pad branch is not taken
    feat_knn_dists = dists[:, :N_NEIGHBORS]                  # [N, k]
    xc = x.reshape(-1, 1)
    feat = jnp.concatenate([xc, feat_knn_dists], axis=1)     # [N, 1+k]
    return feat

if __name__ == "__main__":
    import jax
    _d = setup_inputs()
    print(jax.jit(kernel)(*tuple(_d.values())))

</pallas_src>

<mosaic_0001>
#map = affine_map<(d0, d1) -> (0)>
#map1 = affine_map<(d0, d1) -> (0, 0)>
module attributes {stable_mosaic.version = 14 : i64} {
  func.func @_sc_query_body(%arg0: i32, %arg1: i32, %arg2: memref<16384xf32, #tpu.memory_space<hbm>>, %arg3: memref<4096xf32, #tpu.memory_space<hbm>>, %arg4: memref<4096x9xf32, #tpu.memory_space<hbm>>, %arg5: memref<16384xf32, #tpu.memory_space<vmem>>, %arg6: memref<128xf32, #tpu.memory_space<vmem>>, %arg7: memref<128x9xf32, #tpu.memory_space<vmem>>, %arg8: memref<16384xf32, #tpu.memory_space<vmem_shared>>, %arg9: memref<!tpu.dma_semaphore, #tpu.memory_space<semaphore_mem>>) attributes {dimension_semantics = [#tpu.dimension_semantics<core_parallel>, #tpu.dimension_semantics<subcore_parallel>], iteration_bounds = array<i64: 2, 16>, scalar_prefetch = 0 : i64, scratch_operands = 5 : i64, tpu.core_type = #tpu.core_type<sc_vector_subcore>, window_params = [{transform_indices = #map}, {transform_indices = #map}, {transform_indices = #map1}]} {
    %mul3A = arith.constant 2 : i32
    %mul3A_0 = arith.muli %arg1, %mul3A : i32
    %add3A = arith.addi %mul3A_0, %arg0 : i32
    %mul3A_1 = arith.constant 128 : i32
    %mul3A_2 = arith.muli %add3A, %mul3A_1 : i32
    %eq3A = arith.constant 0 : i32
    %eq3A_3 = arith.cmpi eq, %arg1, %eq3A : i32
    %convert_element_type3A = arith.extui %eq3A_3 : i1 to i32
    %cond3A = arith.constant 0 : i32
    %cond3A_4 = arith.cmpi ne, %convert_element_type3A, %cond3A : i32
    scf.if %cond3A_4 {
      "tpu.region"() ({
        %run_scoped3A = tpu.sem_alloc : memref<!tpu.dma_semaphore, #tpu.memory_space<semaphore_mem>>
        tpu.enqueue_dma source(%arg2 : memref<16384xf32, #tpu.memory_space<hbm>>) target(%arg8 : memref<16384xf32, #tpu.memory_space<vmem_shared>>) target_semaphore(%run_scoped3A : memref<!tpu.dma_semaphore, #tpu.memory_space<semaphore_mem>>)
        tpu.wait_dma2 semaphore(%run_scoped3A : memref<!tpu.dma_semaphore, #tpu.memory_space<semaphore_mem>>) src(%arg2 : memref<16384xf32, #tpu.memory_space<hbm>>) dst(%arg8 : memref<16384xf32, #tpu.memory_space<vmem_shared>>)
        tpu.yield
      }) : () -> ()
    } else {
    }
    %barrier3A = arith.constant 0 : index
    tpu.barrier barrier_id(%barrier3A)
    %dma_start3A = arith.constant 0 : i32
    %dma_start3A_5 = tpu.memref_slice %arg5[%dma_start3A] : memref<16384xf32, #tpu.memory_space<vmem>> -> memref<4096xf32, #tpu.memory_space<vmem>>
    %dma_start3A_6 = arith.constant 0 : i32
    %dma_start3A_7 = tpu.memref_slice %arg8[%dma_start3A_6] : memref<16384xf32, #tpu.memory_space<vmem_shared>> -> memref<4096xf32, #tpu.memory_space<vmem_shared>>
    %dma_start3A_8 = arith.constant 0 : i32
    %dma_start3A_9 = tpu.memref_slice %arg5[%dma_start3A_8] : memref<16384xf32, #tpu.memory_space<vmem>> -> memref<4096xf32, #tpu.memory_space<vmem>>
    %dma_start3A_10 = arith.constant 0 : i32
    %dma_start3A_11 = tpu.memref_slice %arg8[%dma_start3A_10] : memref<16384xf32, #tpu.memory_space<vmem_shared>> -> memref<4096xf32, #tpu.memory_space<vmem_shared>>
    tpu.enqueue_dma source(%dma_start3A_11 : memref<4096xf32, #tpu.memory_space<vmem_shared>>) target(%dma_start3A_9 : memref<4096xf32, #tpu.memory_space<vmem>>) target_semaphore(%arg9 : memref<!tpu.dma_semaphore, #tpu.memory_space<semaphore_mem>>)
    %dma_start3A_12 = arith.constant 4096 : i32
    %dma_start3A_13 = tpu.memref_slice %arg5[%dma_start3A_12] : memref<16384xf32, #tpu.memory_space<vmem>> -> memref<4096xf32, #tpu.memory_space<vmem>>
    %dma_start3A_14 = arith.constant 4096 : i32
    %dma_start3A_15 = tpu.memref_slice %arg8[%dma_start3A_14] : memref<16384xf32, #tpu.memory_space<vmem_shared>> -> memref<4096xf32, #tpu.memory_space<vmem_shared>>
    %dma_start3A_16 = arith.constant 4096 : i32
    %dma_start3A_17 = tpu.memref_slice %arg5[%dma_start3A_16] : memref<16384xf32, #tpu.memory_space<vmem>> -> memref<4096xf32, #tpu.memory_space<vmem>>
    %dma_start3A_18 = arith.constant 4096 : i32
    %dma_start3A_19 = tpu.memref_slice %arg8[%dma_start3A_18] : memref<16384xf32, #tpu.memory_space<vmem_shared>> -> memref<4096xf32, #tpu.memory_space<vmem_shared>>
    tpu.enqueue_dma source(%dma_start3A_19 : memref<4096xf32, #tpu.memory_space<vmem_shared>>) target(%dma_start3A_17 : memref<4096xf32, #tpu.memory_space<vmem>>) target_semaphore(%arg9 : memref<!tpu.dma_semaphore, #tpu.memory_space<semaphore_mem>>)
    %dma_start3A_20 = arith.constant 8192 : i32
    %dma_start3A_21 = tpu.memref_slice %arg5[%dma_start3A_20] : memref<16384xf32, #tpu.memory_space<vmem>> -> memref<4096xf32, #tpu.memory_space<vmem>>
    %dma_start3A_22 = arith.constant 8192 : i32
    %dma_start3A_23 = tpu.memref_slice %arg8[%dma_start3A_22] : memref<16384xf32, #tpu.memory_space<vmem_shared>> -> memref<4096xf32, #tpu.memory_space<vmem_shared>>
    %dma_start3A_24 = arith.constant 8192 : i32
    %dma_start3A_25 = tpu.memref_slice %arg5[%dma_start3A_24] : memref<16384xf32, #tpu.memory_space<vmem>> -> memref<4096xf32, #tpu.memory_space<vmem>>
    %dma_start3A_26 = arith.constant 8192 : i32
    %dma_start3A_27 = tpu.memref_slice %arg8[%dma_start3A_26] : memref<16384xf32, #tpu.memory_space<vmem_shared>> -> memref<4096xf32, #tpu.memory_space<vmem_shared>>
    tpu.enqueue_dma source(%dma_start3A_27 : memref<4096xf32, #tpu.memory_space<vmem_shared>>) target(%dma_start3A_25 : memref<4096xf32, #tpu.memory_space<vmem>>) target_semaphore(%arg9 : memref<!tpu.dma_semaphore, #tpu.memory_space<semaphore_mem>>)
    %dma_start3A_28 = arith.constant 12288 : i32
    %dma_start3A_29 = tpu.memref_slice %arg5[%dma_start3A_28] : memref<16384xf32, #tpu.memory_space<vmem>> -> memref<4096xf32, #tpu.memory_space<vmem>>
    %dma_start3A_30 = arith.constant 12288 : i32
    %dma_start3A_31 = tpu.memref_slice %arg8[%dma_start3A_30] : memref<16384xf32, #tpu.memory_space<vmem_shared>> -> memref<4096xf32, #tpu.memory_space<vmem_shared>>
    %dma_start3A_32 = arith.constant 12288 : i32
    %dma_start3A_33 = tpu.memref_slice %arg5[%dma_start3A_32] : memref<16384xf32, #tpu.memory_space<vmem>> -> memref<4096xf32, #tpu.memory_space<vmem>>
    %dma_start3A_34 = arith.constant 12288 : i32
    %dma_start3A_35 = tpu.memref_slice %arg8[%dma_start3A_34] : memref<16384xf32, #tpu.memory_space<vmem_shared>> -> memref<4096xf32, #tpu.memory_space<vmem_shared>>
    tpu.enqueue_dma source(%dma_start3A_35 : memref<4096xf32, #tpu.memory_space<vmem_shared>>) target(%dma_start3A_33 : memref<4096xf32, #tpu.memory_space<vmem>>) target_semaphore(%arg9 : memref<!tpu.dma_semaphore, #tpu.memory_space<semaphore_mem>>)
    "tpu.region"() ({
      %run_scoped3A = tpu.sem_alloc : memref<!tpu.dma_semaphore, #tpu.memory_space<semaphore_mem>>
      %dma_start3A_399 = tpu.memref_slice %arg3[%mul3A_2] : memref<4096xf32, #tpu.memory_space<hbm>> -> memref<128xf32, #tpu.memory_space<hbm>>
      %dma_start3A_400 = tpu.memref_slice %arg3[%mul3A_2] : memref<4096xf32, #tpu.memory_space<hbm>> -> memref<128xf32, #tpu.memory_space<hbm>>
      tpu.enqueue_dma source(%dma_start3A_400 : memref<128xf32, #tpu.memory_space<hbm>>) target(%arg6 : memref<128xf32, #tpu.memory_space<vmem>>) target_semaphore(%run_scoped3A : memref<!tpu.dma_semaphore, #tpu.memory_space<semaphore_mem>>)
      %dma_wait3A_401 = tpu.memref_slice %arg3[%mul3A_2] : memref<4096xf32, #tpu.memory_space<hbm>> -> memref<128xf32, #tpu.memory_space<hbm>>
      %dma_wait3A_402 = tpu.memref_slice %arg3[%mul3A_2] : memref<4096xf32, #tpu.memory_space<hbm>> -> memref<128xf32, #tpu.memory_space<hbm>>
      tpu.wait_dma2 semaphore(%run_scoped3A : memref<!tpu.dma_semaphore, #tpu.memory_space<semaphore_mem>>) src(%dma_wait3A_402 : memref<128xf32, #tpu.memory_space<hbm>>) dst(%arg6 : memref<128xf32, #tpu.memory_space<vmem>>)
      tpu.yield
    }) : () -> ()
    %dma_wait3A = arith.constant 0 : i32
    %dma_wait3A_36 = tpu.memref_slice %arg5[%dma_wait3A] : memref<16384xf32, #tpu.memory_space<vmem>> -> memref<4096xf32, #tpu.memory_space<vmem>>
    %dma_wait3A_37 = arith.constant 0 : i32
    %dma_wait3A_38 = tpu.memref_slice %arg8[%dma_wait3A_37] : memref<16384xf32, #tpu.memory_space<vmem_shared>> -> memref<4096xf32, #tpu.memory_space<vmem_shared>>
    %dma_wait3A_39 = arith.constant 0 : i32
    %dma_wait3A_40 = tpu.memref_slice %arg5[%dma_wait3A_39] : memref<16384xf32, #tpu.memory_space<vmem>> -> memref<4096xf32, #tpu.memory_space<vmem>>
    %dma_wait3A_41 = arith.constant 0 : i32
    %dma_wait3A_42 = tpu.memref_slice %arg8[%dma_wait3A_41] : memref<16384xf32, #tpu.memory_space<vmem_shared>> -> memref<4096xf32, #tpu.memory_space<vmem_shared>>
    tpu.wait_dma2 semaphore(%arg9 : memref<!tpu.dma_semaphore, #tpu.memory_space<semaphore_mem>>) src(%dma_wait3A_42 : memref<4096xf32, #tpu.memory_space<vmem_shared>>) dst(%dma_wait3A_40 : memref<4096xf32, #tpu.memory_space<vmem>>)
    %dma_wait3A_43 = arith.constant 4096 : i32
    %dma_wait3A_44 = tpu.memref_slice %arg5[%dma_wait3A_43] : memref<16384xf32, #tpu.memory_space<vmem>> -> memref<4096xf32, #tpu.memory_space<vmem>>
    %dma_wait3A_45 = arith.constant 4096 : i32
    %dma_wait3A_46 = tpu.memref_slice %arg8[%dma_wait3A_45] : memref<16384xf32, #tpu.memory_space<vmem_shared>> -> memref<4096xf32, #tpu.memory_space<vmem_shared>>
    %dma_wait3A_47 = arith.constant 4096 : i32
    %dma_wait3A_48 = tpu.memref_slice %arg5[%dma_wait3A_47] : memref<16384xf32, #tpu.memory_space<vmem>> -> memref<4096xf32, #tpu.memory_space<vmem>>
    %dma_wait3A_49 = arith.constant 4096 : i32
    %dma_wait3A_50 = tpu.memref_slice %arg8[%dma_wait3A_49] : memref<16384xf32, #tpu.memory_space<vmem_shared>> -> memref<4096xf32, #tpu.memory_space<vmem_shared>>
    tpu.wait_dma2 semaphore(%arg9 : memref<!tpu.dma_semaphore, #tpu.memory_space<semaphore_mem>>) src(%dma_wait3A_50 : memref<4096xf32, #tpu.memory_space<vmem_shared>>) dst(%dma_wait3A_48 : memref<4096xf32, #tpu.memory_space<vmem>>)
    %dma_wait3A_51 = arith.constant 8192 : i32
    %dma_wait3A_52 = tpu.memref_slice %arg5[%dma_wait3A_51] : memref<16384xf32, #tpu.memory_space<vmem>> -> memref<4096xf32, #tpu.memory_space<vmem>>
    %dma_wait3A_53 = arith.constant 8192 : i32
    %dma_wait3A_54 = tpu.memref_slice %arg8[%dma_wait3A_53] : memref<16384xf32, #tpu.memory_space<vmem_shared>> -> memref<4096xf32, #tpu.memory_space<vmem_shared>>
    %dma_wait3A_55 = arith.constant 8192 : i32
    %dma_wait3A_56 = tpu.memref_slice %arg5[%dma_wait3A_55] : memref<16384xf32, #tpu.memory_space<vmem>> -> memref<4096xf32, #tpu.memory_space<vmem>>
    %dma_wait3A_57 = arith.constant 8192 : i32
    %dma_wait3A_58 = tpu.memref_slice %arg8[%dma_wait3A_57] : memref<16384xf32, #tpu.memory_space<vmem_shared>> -> memref<4096xf32, #tpu.memory_space<vmem_shared>>
    tpu.wait_dma2 semaphore(%arg9 : memref<!tpu.dma_semaphore, #tpu.memory_space<semaphore_mem>>) src(%dma_wait3A_58 : memref<4096xf32, #tpu.memory_space<vmem_shared>>) dst(%dma_wait3A_56 : memref<4096xf32, #tpu.memory_space<vmem>>)
    %dma_wait3A_59 = arith.constant 12288 : i32
    %dma_wait3A_60 = tpu.memref_slice %arg5[%dma_wait3A_59] : memref<16384xf32, #tpu.memory_space<vmem>> -> memref<4096xf32, #tpu.memory_space<vmem>>
    %dma_wait3A_61 = arith.constant 12288 : i32
    %dma_wait3A_62 = tpu.memref_slice %arg8[%dma_wait3A_61] : memref<16384xf32, #tpu.memory_space<vmem_shared>> -> memref<4096xf32, #tpu.memory_space<vmem_shared>>
    %dma_wait3A_63 = arith.constant 12288 : i32
    %dma_wait3A_64 = tpu.memref_slice %arg5[%dma_wait3A_63] : memref<16384xf32, #tpu.memory_space<vmem>> -> memref<4096xf32, #tpu.memory_space<vmem>>
    %dma_wait3A_65 = arith.constant 12288 : i32
    %dma_wait3A_66 = tpu.memref_slice %arg8[%dma_wait3A_65] : memref<16384xf32, #tpu.memory_space<vmem_shared>> -> memref<4096xf32, #tpu.memory_space<vmem_shared>>
    tpu.wait_dma2 semaphore(%arg9 : memref<!tpu.dma_semaphore, #tpu.memory_space<semaphore_mem>>) src(%dma_wait3A_66 : memref<4096xf32, #tpu.memory_space<vmem_shared>>) dst(%dma_wait3A_64 : memref<4096xf32, #tpu.memory_space<vmem>>)
    %iota3A = tpu.iota {dimensions = array<i32: 0>} : vector<16xi32>
    %get3A = arith.constant 0 : index
    %get3A_67 = tpu.vector_load %arg6[%get3A] {strides = array<i32>} : memref<128xf32, #tpu.memory_space<vmem>>, vector<16xf32>,
    %get3A_68 = arith.constant 16 : index
    %get3A_69 = tpu.vector_load %arg6[%get3A_68] {strides = array<i32>} : memref<128xf32, #tpu.memory_space<vmem>>, vector<16xf32>,
    %get3A_70 = arith.constant 32 : index
    %get3A_71 = tpu.vector_load %arg6[%get3A_70] {strides = array<i32>} : memref<128xf32, #tpu.memory_space<vmem>>, vector<16xf32>,
    %get3A_72 = arith.constant 48 : index
    %get3A_73 = tpu.vector_load %arg6[%get3A_72] {strides = array<i32>} : memref<128xf32, #tpu.memory_space<vmem>>, vector<16xf32>,
    %get3A_74 = arith.constant 64 : index
    %get3A_75 = tpu.vector_load %arg6[%get3A_74] {strides = array<i32>} : memref<128xf32, #tpu.memory_space<vmem>>, vector<16xf32>,
    %get3A_76 = arith.constant 80 : index
    %get3A_77 = tpu.vector_load %arg6[%get3A_76] {strides = array<i32>} : memref<128xf32, #tpu.memory_space<vmem>>, vector<16xf32>,
    %get3A_78 = arith.constant 96 : index
    %get3A_79 = tpu.vector_load %arg6[%get3A_78] {strides = array<i32>} : memref<128xf32, #tpu.memory_space<vmem>>, vector<16xf32>,
    %get3A_80 = arith.constant 112 : index
    %get3A_81 = tpu.vector_load %arg6[%get3A_80] {strides = array<i32>} : memref<128xf32, #tpu.memory_space<vmem>>, vector<16xf32>,
    %broadcast_in_dim3A = arith.constant 0 : i32
    %broadcast_in_dim3A_82 = vector.broadcast %broadcast_in_dim3A : i32 to vector<16xi32>
    %broadcast_in_dim3A_83 = arith.constant 0 : i32
    %broadcast_in_dim3A_84 = vector.broadcast %broadcast_in_dim3A_83 : i32 to vector<16xi32>
    %broadcast_in_dim3A_85 = arith.constant 0 : i32
    %broadcast_in_dim3A_86 = vector.broadcast %broadcast_in_dim3A_85 : i32 to vector<16xi32>
    %broadcast_in_dim3A_87 = arith.constant 0 : i32
    %broadcast_in_dim3A_88 = vector.broadcast %broadcast_in_dim3A_87 : i32 to vector<16xi32>
    %broadcast_in_dim3A_89 = arith.constant 0 : i32
    %broadcast_in_dim3A_90 = vector.broadcast %broadcast_in_dim3A_89 : i32 to vector<16xi32>
    %broadcast_in_dim3A_91 = arith.constant 0 : i32
    %broadcast_in_dim3A_92 = vector.broadcast %broadcast_in_dim3A_91 : i32 to vector<16xi32>
    %broadcast_in_dim3A_93 = arith.constant 0 : i32
    %broadcast_in_dim3A_94 = vector.broadcast %broadcast_in_dim3A_93 : i32 to vector<16xi32>
    %broadcast_in_dim3A_95 = arith.constant 0 : i32
    %broadcast_in_dim3A_96 = vector.broadcast %broadcast_in_dim3A_95 : i32 to vector<16xi32>
    %scan3A = arith.constant 0 : i32
    %scan3A_97 = arith.constant 7 : i32
    %scan3A_98 = arith.addi %scan3A, %scan3A_97 : i32
    %scan3A_99 = arith.constant 1 : i32
    %scan3A_100:8 = scf.for %scan3A_399 = %scan3A to %scan3A_98 step %scan3A_99 iter_args(%scan3A_400 = %broadcast_in_dim3A_82, %scan3A_401 = %broadcast_in_dim3A_84, %scan3A_402 = %broadcast_in_dim3A_86, %scan3A_403 = %broadcast_in_dim3A_88, %scan3A_404 = %broadcast_in_dim3A_90, %scan3A_405 = %broadcast_in_dim3A_92, %scan3A_406 = %broadcast_in_dim3A_94, %scan3A_407 = %broadcast_in_dim3A_96) -> (vector<16xi32>, vector<16xi32>, vector<16xi32>, vector<16xi32>, vector<16xi32>, vector<16xi32>, vector<16xi32>, vector<16xi32>)  : i32 {
      %mul3A_408 = arith.constant 2 : i32
      %mul3A_409 = arith.muli %mul3A_408, %scan3A_399 : i32
      %add3A_410 = arith.constant 1 : i32
      %add3A_411 = arith.addi %mul3A_409, %add3A_410 : i32
      %shift_right_arithmetic3A = arith.constant 16384 : i32
      %shift_right_arithmetic3A_412 = arith.shrsi %shift_right_arithmetic3A, %add3A_411 : i32
      %sub3A_413 = arith.constant 1 : i32
      %sub3A_414 = arith.subi %shift_right_arithmetic3A_412, %sub3A_413 : i32
      %add3A_415 = vector.broadcast %sub3A_414 : i32 to vector<16xi32>
      %add3A_416 = arith.addi %scan3A_400, %add3A_415 : vector<16xi32>
      %sub3A_417 = arith.constant 1 : i32
      %sub3A_418 = arith.subi %shift_right_arithmetic3A_412, %sub3A_417 : i32
      %add3A_419 = vector.broadcast %sub3A_418 : i32 to vector<16xi32>
      %add3A_420 = arith.addi %scan3A_401, %add3A_419 : vector<16xi32>
      %sub3A_421 = arith.constant 1 : i32
      %sub3A_422 = arith.subi %shift_right_arithmetic3A_412, %sub3A_421 : i32
      %add3A_423 = vector.broadcast %sub3A_422 : i32 to vector<16xi32>
      %add3A_424 = arith.addi %scan3A_402, %add3A_423 : vector<16xi32>
      %sub3A_425 = arith.constant 1 : i32
      %sub3A_426 = arith.subi %shift_right_arithmetic3A_412, %sub3A_425 : i32
      %add3A_427 = vector.broadcast %sub3A_426 : i32 to vector<16xi32>
      %add3A_428 = arith.addi %scan3A_403, %add3A_427 : vector<16xi32>
      %sub3A_429 = arith.constant 1 : i32
      %sub3A_430 = arith.subi %shift_right_arithmetic3A_412, %sub3A_429 : i32
      %add3A_431 = vector.broadcast %sub3A_430 : i32 to vector<16xi32>
      %add3A_432 = arith.addi %scan3A_404, %add3A_431 : vector<16xi32>
      %sub3A_433 = arith.constant 1 : i32
      %sub3A_434 = arith.subi %shift_right_arithmetic3A_412, %sub3A_433 : i32
      %add3A_435 = vector.broadcast %sub3A_434 : i32 to vector<16xi32>
      %add3A_436 = arith.addi %scan3A_405, %add3A_435 : vector<16xi32>
      %sub3A_437 = arith.constant 1 : i32
      %sub3A_438 = arith.subi %shift_right_arithmetic3A_412, %sub3A_437 : i32
      %add3A_439 = vector.broadcast %sub3A_438 : i32 to vector<16xi32>
      %add3A_440 = arith.addi %scan3A_406, %add3A_439 : vector<16xi32>
      %sub3A_441 = arith.constant 1 : i32
      %sub3A_442 = arith.subi %shift_right_arithmetic3A_412, %sub3A_441 : i32
      %add3A_443 = vector.broadcast %sub3A_442 : i32 to vector<16xi32>
      %add3A_444 = arith.addi %scan3A_407, %add3A_443 : vector<16xi32>
      %gather3A_445 = tpu.vector_load_idx %arg5[%add3A_416] : memref<16384xf32, #tpu.memory_space<vmem>>[vector<16xi32>], vector<16xf32>,
      %gather3A_446 = tpu.vector_load_idx %arg5[%add3A_420] : memref<16384xf32, #tpu.memory_space<vmem>>[vector<16xi32>], vector<16xf32>,
      %gather3A_447 = tpu.vector_load_idx %arg5[%add3A_424] : memref<16384xf32, #tpu.memory_space<vmem>>[vector<16xi32>], vector<16xf32>,
      %gather3A_448 = tpu.vector_load_idx %arg5[%add3A_428] : memref<16384xf32, #tpu.memory_space<vmem>>[vector<16xi32>], vector<16xf32>,
      %gather3A_449 = tpu.vector_load_idx %arg5[%add3A_432] : memref<16384xf32, #tpu.memory_space<vmem>>[vector<16xi32>], vector<16xf32>,
      %gather3A_450 = tpu.vector_load_idx %arg5[%add3A_436] : memref<16384xf32, #tpu.memory_space<vmem>>[vector<16xi32>], vector<16xf32>,
      %gather3A_451 = tpu.vector_load_idx %arg5[%add3A_440] : memref<16384xf32, #tpu.memory_space<vmem>>[vector<16xi32>], vector<16xf32>,
      %gather3A_452 = tpu.vector_load_idx %arg5[%add3A_444] : memref<16384xf32, #tpu.memory_space<vmem>>[vector<16xi32>], vector<16xf32>,
      %lt3A_453 = arith.cmpf olt, %gather3A_445, %get3A_67 : vector<16xf32>
      %add3A_454 = vector.broadcast %shift_right_arithmetic3A_412 : i32 to vector<16xi32>
      %add3A_455 = arith.addi %scan3A_400, %add3A_454 : vector<16xi32>
      %select_n3A_456 = arith.select %lt3A_453, %add3A_455, %scan3A_400 : vector<16xi1>, vector<16xi32>
      %lt3A_457 = arith.cmpf olt, %gather3A_446, %get3A_69 : vector<16xf32>
      %add3A_458 = vector.broadcast %shift_right_arithmetic3A_412 : i32 to vector<16xi32>
      %add3A_459 = arith.addi %scan3A_401, %add3A_458 : vector<16xi32>
      %select_n3A_460 = arith.select %lt3A_457, %add3A_459, %scan3A_401 : vector<16xi1>, vector<16xi32>
      %lt3A_461 = arith.cmpf olt, %gather3A_447, %get3A_71 : vector<16xf32>
      %add3A_462 = vector.broadcast %shift_right_arithmetic3A_412 : i32 to vector<16xi32>
      %add3A_463 = arith.addi %scan3A_402, %add3A_462 : vector<16xi32>
      %select_n3A_464 = arith.select %lt3A_461, %add3A_463, %scan3A_402 : vector<16xi1>, vector<16xi32>
      %lt3A_465 = arith.cmpf olt, %gather3A_448, %get3A_73 : vector<16xf32>
      %add3A_466 = vector.broadcast %shift_right_arithmetic3A_412 : i32 to vector<16xi32>
      %add3A_467 = arith.addi %scan3A_403, %add3A_466 : vector<16xi32>
      %select_n3A_468 = arith.select %lt3A_465, %add3A_467, %scan3A_403 : vector<16xi1>, vector<16xi32>
      %lt3A_469 = arith.cmpf olt, %gather3A_449, %get3A_75 : vector<16xf32>
      %add3A_470 = vector.broadcast %shift_right_arithmetic3A_412 : i32 to vector<16xi32>
      %add3A_471 = arith.addi %scan3A_404, %add3A_470 : vector<16xi32>
      %select_n3A_472 = arith.select %lt3A_469, %add3A_471, %scan3A_404 : vector<16xi1>, vector<16xi32>
      %lt3A_473 = arith.cmpf olt, %gather3A_450, %get3A_77 : vector<16xf32>
      %add3A_474 = vector.broadcast %shift_right_arithmetic3A_412 : i32 to vector<16xi32>
      %add3A_475 = arith.addi %scan3A_405, %add3A_474 : vector<16xi32>
      %select_n3A_476 = arith.select %lt3A_473, %add3A_475, %scan3A_405 : vector<16xi1>, vector<16xi32>
      %lt3A_477 = arith.cmpf olt, %gather3A_451, %get3A_79 : vector<16xf32>
      %add3A_478 = vector.broadcast %shift_right_arithmetic3A_412 : i32 to vector<16xi32>
      %add3A_479 = arith.addi %scan3A_406, %add3A_478 : vector<16xi32>
      %select_n3A_480 = arith.select %lt3A_477, %add3A_479, %scan3A_406 : vector<16xi1>, vector<16xi32>
      %lt3A_481 = arith.cmpf olt, %gather3A_452, %get3A_81 : vector<16xf32>
      %add3A_482 = vector.broadcast %shift_right_arithmetic3A_412 : i32 to vector<16xi32>
      %add3A_483 = arith.addi %scan3A_407, %add3A_482 : vector<16xi32>
      %select_n3A_484 = arith.select %lt3A_481, %add3A_483, %scan3A_407 : vector<16xi1>, vector<16xi32>
      %mul3A_485 = arith.constant 2 : i32
      %mul3A_486 = arith.muli %mul3A_485, %scan3A_399 : i32
      %add3A_487 = arith.constant 2 : i32
      %add3A_488 = arith.addi %mul3A_486, %add3A_487 : i32
      %shift_right_arithmetic3A_489 = arith.constant 16384 : i32
      %shift_right_arithmetic3A_490 = arith.shrsi %shift_right_arithmetic3A_489, %add3A_488 : i32
      %sub3A_491 = arith.constant 1 : i32
      %sub3A_492 = arith.subi %shift_right_arithmetic3A_490, %sub3A_491 : i32
      %add3A_493 = vector.broadcast %sub3A_492 : i32 to vector<16xi32>
      %add3A_494 = arith.addi %select_n3A_456, %add3A_493 : vector<16xi32>
      %sub3A_495 = arith.constant 1 : i32
      %sub3A_496 = arith.subi %shift_right_arithmetic3A_490, %sub3A_495 : i32
      %add3A_497 = vector.broadcast %sub3A_496 : i32 to vector<16xi32>
      %add3A_498 = arith.addi %select_n3A_460, %add3A_497 : vector<16xi32>
      %sub3A_499 = arith.constant 1 : i32
      %sub3A_500 = arith.subi %shift_right_arithmetic3A_490, %sub3A_499 : i32
      %add3A_501 = vector.broadcast %sub3A_500 : i32 to vector<16xi32>
      %add3A_502 = arith.addi %select_n3A_464, %add3A_501 : vector<16xi32>
      %sub3A_503 = arith.constant 1 : i32
      %sub3A_504 = arith.subi %shift_right_arithmetic3A_490, %sub3A_503 : i32
      %add3A_505 = vector.broadcast %sub3A_504 : i32 to vector<16xi32>
      %add3A_506 = arith.addi %select_n3A_468, %add3A_505 : vector<16xi32>
      %sub3A_507 = arith.constant 1 : i32
      %sub3A_508 = arith.subi %shift_right_arithmetic3A_490, %sub3A_507 : i32
      %add3A_509 = vector.broadcast %sub3A_508 : i32 to vector<16xi32>
      %add3A_510 = arith.addi %select_n3A_472, %add3A_509 : vector<16xi32>
      %sub3A_511 = arith.constant 1 : i32
      %sub3A_512 = arith.subi %shift_right_arithmetic3A_490, %sub3A_511 : i32
      %add3A_513 = vector.broadcast %sub3A_512 : i32 to vector<16xi32>
      %add3A_514 = arith.addi %select_n3A_476, %add3A_513 : vector<16xi32>
      %sub3A_515 = arith.constant 1 : i32
      %sub3A_516 = arith.subi %shift_right_arithmetic3A_490, %sub3A_515 : i32
      %add3A_517 = vector.broadcast %sub3A_516 : i32 to vector<16xi32>
      %add3A_518 = arith.addi %select_n3A_480, %add3A_517 : vector<16xi32>
      %sub3A_519 = arith.constant 1 : i32
      %sub3A_520 = arith.subi %shift_right_arithmetic3A_490, %sub3A_519 : i32
      %add3A_521 = vector.broadcast %sub3A_520 : i32 to vector<16xi32>
      %add3A_522 = arith.addi %select_n3A_484, %add3A_521 : vector<16xi32>
      %gather3A_523 = tpu.vector_load_idx %arg5[%add3A_494] : memref<16384xf32, #tpu.memory_space<vmem>>[vector<16xi32>], vector<16xf32>,
      %gather3A_524 = tpu.vector_load_idx %arg5[%add3A_498] : memref<16384xf32, #tpu.memory_space<vmem>>[vector<16xi32>], vector<16xf32>,
      %gather3A_525 = tpu.vector_load_idx %arg5[%add3A_502] : memref<16384xf32, #tpu.memory_space<vmem>>[vector<16xi32>], vector<16xf32>,
      %gather3A_526 = tpu.vector_load_idx %arg5[%add3A_506] : memref<16384xf32, #tpu.memory_space<vmem>>[vector<16xi32>], vector<16xf32>,
      %gather3A_527 = tpu.vector_load_idx %arg5[%add3A_510] : memref<16384xf32, #tpu.memory_space<vmem>>[vector<16xi32>], vector<16xf32>,
      %gather3A_528 = tpu.vector_load_idx %arg5[%add3A_514] : memref<16384xf32, #tpu.memory_space<vmem>>[vector<16xi32>], vector<16xf32>,
      %gather3A_529 = tpu.vector_load_idx %arg5[%add3A_518] : memref<16384xf32, #tpu.memory_space<vmem>>[vector<16xi32>], vector<16xf32>,
      %gather3A_530 = tpu.vector_load_idx %arg5[%add3A_522] : memref<16384xf32, #tpu.memory_space<vmem>>[vector<16xi32>], vector<16xf32>,
      %lt3A_531 = arith.cmpf olt, %gather3A_523, %get3A_67 : vector<16xf32>
      %add3A_532 = vector.broadcast %shift_right_arithmetic3A_490 : i32 to vector<16xi32>
      %add3A_533 = arith.addi %select_n3A_456, %add3A_532 : vector<16xi32>
      %select_n3A_534 = arith.select %lt3A_531, %add3A_533, %select_n3A_456 : vector<16xi1>, vector<16xi32>
      %lt3A_535 = arith.cmpf olt, %gather3A_524, %get3A_69 : vector<16xf32>
      %add3A_536 = vector.broadcast %shift_right_arithmetic3A_490 : i32 to vector<16xi32>
      %add3A_537 = arith.addi %select_n3A_460, %add3A_536 : vector<16xi32>
      %select_n3A_538 = arith.select %lt3A_535, %add3A_537, %select_n3A_460 : vector<16xi1>, vector<16xi32>
      %lt3A_539 = arith.cmpf olt, %gather3A_525, %get3A_71 : vector<16xf32>
      %add3A_540 = vector.broadcast %shift_right_arithmetic3A_490 : i32 to vector<16xi32>
      %add3A_541 = arith.addi %select_n3A_464, %add3A_540 : vector<16xi32>
      %select_n3A_542 = arith.select %lt3A_539, %add3A_541, %select_n3A_464 : vector<16xi1>, vector<16xi32>
      %lt3A_543 = arith.cmpf olt, %gather3A_526, %get3A_73 : vector<16xf32>
      %add3A_544 = vector.broadcast %shift_right_arithmetic3A_490 : i32 to vector<16xi32>
      %add3A_545 = arith.addi %select_n3A_468, %add3A_544 : vector<16xi32>
      %select_n3A_546 = arith.select %lt3A_543, %add3A_545, %select_n3A_468 : vector<16xi1>, vector<16xi32>
      %lt3A_547 = arith.cmpf olt, %gather3A_527, %get3A_75 : vector<16xf32>
      %add3A_548 = vector.broadcast %shift_right_arithmetic3A_490 : i32 to vector<16xi32>
      %add3A_549 = arith.addi %select_n3A_472, %add3A_548 : vector<16xi32>
      %select_n3A_550 = arith.select %lt3A_547, %add3A_549, %select_n3A_472 : vector<16xi1>, vector<16xi32>
      %lt3A_551 = arith.cmpf olt, %gather3A_528, %get3A_77 : vector<16xf32>
      %add3A_552 = vector.broadcast %shift_right_arithmetic3A_490 : i32 to vector<16xi32>
      %add3A_553 = arith.addi %select_n3A_476, %add3A_552 : vector<16xi32>
      %select_n3A_554 = arith.select %lt3A_551, %add3A_553, %select_n3A_476 : vector<16xi1>, vector<16xi32>
      %lt3A_555 = arith.cmpf olt, %gather3A_529, %get3A_79 : vector<16xf32>
      %add3A_556 = vector.broadcast %shift_right_arithmetic3A_490 : i32 to vector<16xi32>
      %add3A_557 = arith.addi %select_n3A_480, %add3A_556 : vector<16xi32>
      %select_n3A_558 = arith.select %lt3A_555, %add3A_557, %select_n3A_480 : vector<16xi1>, vector<16xi32>
      %lt3A_559 = arith.cmpf olt, %gather3A_530, %get3A_81 : vector<16xf32>
      %add3A_560 = vector.broadcast %shift_right_arithmetic3A_490 : i32 to vector<16xi32>
      %add3A_561 = arith.addi %select_n3A_484, %add3A_560 : vector<16xi32>
      %select_n3A_562 = arith.select %lt3A_559, %add3A_561, %select_n3A_484 : vector<16xi1>, vector<16xi32>
      scf.yield %select_n3A_534, %select_n3A_538, %select_n3A_542, %select_n3A_546, %select_n3A_550, %select_n3A_554, %select_n3A_558, %select_n3A_562 : vector<16xi32>, vector<16xi32>, vector<16xi32>, vector<16xi32>, vector<16xi32>, vector<16xi32>, vector<16xi32>, vector<16xi32>
    }
    %scan3A_101 = arith.constant 7 : i32
    %sub3A = arith.constant 1 : i32
    %sub3A_102 = vector.broadcast %sub3A : i32 to vector<16xi32>
    %sub3A_103 = arith.subi %scan3A_100#0, %sub3A_102 : vector<16xi32>
    %sub3A_104 = arith.constant 1 : i32
    %sub3A_105 = vector.broadcast %sub3A_104 : i32 to vector<16xi32>
    %sub3A_106 = arith.subi %scan3A_100#1, %sub3A_105 : vector<16xi32>
    %sub3A_107 = arith.constant 1 : i32
    %sub3A_108 = vector.broadcast %sub3A_107 : i32 to vector<16xi32>
    %sub3A_109 = arith.subi %scan3A_100#2, %sub3A_108 : vector<16xi32>
    %sub3A_110 = arith.constant 1 : i32
    %sub3A_111 = vector.broadcast %sub3A_110 : i32 to vector<16xi32>
    %sub3A_112 = arith.subi %scan3A_100#3, %sub3A_111 : vector<16xi32>
    %sub3A_113 = arith.constant 1 : i32
    %sub3A_114 = vector.broadcast %sub3A_113 : i32 to vector<16xi32>
    %sub3A_115 = arith.subi %scan3A_100#4, %sub3A_114 : vector<16xi32>
    %sub3A_116 = arith.constant 1 : i32
    %sub3A_117 = vector.broadcast %sub3A_116 : i32 to vector<16xi32>
    %sub3A_118 = arith.subi %scan3A_100#5, %sub3A_117 : vector<16xi32>
    %sub3A_119 = arith.constant 1 : i32
    %sub3A_120 = vector.broadcast %sub3A_119 : i32 to vector<16xi32>
    %sub3A_121 = arith.subi %scan3A_100#6, %sub3A_120 : vector<16xi32>
    %sub3A_122 = arith.constant 1 : i32
    %sub3A_123 = vector.broadcast %sub3A_122 : i32 to vector<16xi32>
    %sub3A_124 = arith.subi %scan3A_100#7, %sub3A_123 : vector<16xi32>
    %max3A = arith.constant 0 : i32
    %max3A_125 = vector.broadcast %max3A : i32 to vector<16xi32>
    %max3A_126 = arith.maxsi %sub3A_103, %max3A_125 : vector<16xi32>
    %gather3A = tpu.vector_load_idx %arg5[%max3A_126] : memref<16384xf32, #tpu.memory_space<vmem>>[vector<16xi32>], vector<16xf32>,
    %min3A = arith.constant 16383 : i32
    %min3A_127 = vector.broadcast %min3A : i32 to vector<16xi32>
    %min3A_128 = arith.minsi %scan3A_100#0, %min3A_127 : vector<16xi32>
    %gather3A_129 = tpu.vector_load_idx %arg5[%min3A_128] : memref<16384xf32, #tpu.memory_space<vmem>>[vector<16xi32>], vector<16xf32>,
    %ge3A = arith.constant 0 : i32
    %ge3A_130 = vector.broadcast %ge3A : i32 to vector<16xi32>
    %ge3A_131 = arith.cmpi sge, %sub3A_103, %ge3A_130 : vector<16xi32>
    %sub3A_132 = arith.subf %get3A_67, %gather3A : vector<16xf32>
    %abs3A = math.absf %sub3A_132 : vector<16xf32>
    %jit3A = arith.constant 3.400000e+38 : f32
    %broadcast_in_dim3A_133 = vector.broadcast %jit3A : f32 to vector<16xf32>
    %select_n3A = arith.select %ge3A_131, %abs3A, %broadcast_in_dim3A_133 : vector<16xi1>, vector<16xf32>
    %lt3A = arith.constant 16384 : i32
    %lt3A_134 = vector.broadcast %lt3A : i32 to vector<16xi32>
    %lt3A_135 = arith.cmpi slt, %scan3A_100#0, %lt3A_134 : vector<16xi32>
    %sub3A_136 = arith.subf %get3A_67, %gather3A_129 : vector<16xf32>
    %abs3A_137 = math.absf %sub3A_136 : vector<16xf32>
    %jit3A_138 = arith.constant 3.400000e+38 : f32
    %broadcast_in_dim3A_139 = vector.broadcast %jit3A_138 : f32 to vector<16xf32>
    %select_n3A_140 = arith.select %lt3A_135, %abs3A_137, %broadcast_in_dim3A_139 : vector<16xi1>, vector<16xf32>
    %add3A_141 = arith.constant 0 : i32
    %add3A_142 = vector.broadcast %add3A_141 : i32 to vector<16xi32>
    %add3A_143 = arith.addi %iota3A, %add3A_142 : vector<16xi32>
    %broadcast_in_dim3A_144 = arith.constant 0 : i32
    %broadcast_in_dim3A_145 = vector.broadcast %broadcast_in_dim3A_144 : i32 to vector<16xi32>
    tpu.vector_store_idx %arg7[%add3A_143, %broadcast_in_dim3A_145], %get3A_67 : memref<128x9xf32, #tpu.memory_space<vmem>>[vector<16xi32>, vector<16xi32>], vector<16xf32>,
    %max3A_146 = arith.constant 0 : i32
    %max3A_147 = vector.broadcast %max3A_146 : i32 to vector<16xi32>
    %max3A_148 = arith.maxsi %sub3A_106, %max3A_147 : vector<16xi32>
    %gather3A_149 = tpu.vector_load_idx %arg5[%max3A_148] : memref<16384xf32, #tpu.memory_space<vmem>>[vector<16xi32>], vector<16xf32>,
    %min3A_150 = arith.constant 16383 : i32
    %min3A_151 = vector.broadcast %min3A_150 : i32 to vector<16xi32>
    %min3A_152 = arith.minsi %scan3A_100#1, %min3A_151 : vector<16xi32>
    %gather3A_153 = tpu.vector_load_idx %arg5[%min3A_152] : memref<16384xf32, #tpu.memory_space<vmem>>[vector<16xi32>], vector<16xf32>,
    %ge3A_154 = arith.constant 0 : i32
    %ge3A_155 = vector.broadcast %ge3A_154 : i32 to vector<16xi32>
    %ge3A_156 = arith.cmpi sge, %sub3A_106, %ge3A_155 : vector<16xi32>
    %sub3A_157 = arith.subf %get3A_69, %gather3A_149 : vector<16xf32>
    %abs3A_158 = math.absf %sub3A_157 : vector<16xf32>
    %jit3A_159 = arith.constant 3.400000e+38 : f32
    %broadcast_in_dim3A_160 = vector.broadcast %jit3A_159 : f32 to vector<16xf32>
    %select_n3A_161 = arith.select %ge3A_156, %abs3A_158, %broadcast_in_dim3A_160 : vector<16xi1>, vector<16xf32>
    %lt3A_162 = arith.constant 16384 : i32
    %lt3A_163 = vector.broadcast %lt3A_162 : i32 to vector<16xi32>
    %lt3A_164 = arith.cmpi slt, %scan3A_100#1, %lt3A_163 : vector<16xi32>
    %sub3A_165 = arith.subf %get3A_69, %gather3A_153 : vector<16xf32>
    %abs3A_166 = math.absf %sub3A_165 : vector<16xf32>
    %jit3A_167 = arith.constant 3.400000e+38 : f32
    %broadcast_in_dim3A_168 = vector.broadcast %jit3A_167 : f32 to vector<16xf32>
    %select_n3A_169 = arith.select %lt3A_164, %abs3A_166, %broadcast_in_dim3A_168 : vector<16xi1>, vector<16xf32>
    %add3A_170 = arith.constant 16 : i32
    %add3A_171 = vector.broadcast %add3A_170 : i32 to vector<16xi32>
    %add3A_172 = arith.addi %iota3A, %add3A_171 : vector<16xi32>
    %broadcast_in_dim3A_173 = arith.constant 0 : i32
    %broadcast_in_dim3A_174 = vector.broadcast %broadcast_in_dim3A_173 : i32 to vector<16xi32>
    tpu.vector_store_idx %arg7[%add3A_172, %broadcast_in_dim3A_174], %get3A_69 : memref<128x9xf32, #tpu.memory_space<vmem>>[vector<16xi32>, vector<16xi32>], vector<16xf32>,
    %max3A_175 = arith.constant 0 : i32
    %max3A_176 = vector.broadcast %max3A_175 : i32 to vector<16xi32>
    %max3A_177 = arith.maxsi %sub3A_109, %max3A_176 : vector<16xi32>
    %gather3A_178 = tpu.vector_load_idx %arg5[%max3A_177] : memref<16384xf32, #tpu.memory_space<vmem>>[vector<16xi32>], vector<16xf32>,
    %min3A_179 = arith.constant 16383 : i32
    %min3A_180 = vector.broadcast %min3A_179 : i32 to vector<16xi32>
    %min3A_181 = arith.minsi %scan3A_100#2, %min3A_180 : vector<16xi32>
    %gather3A_182 = tpu.vector_load_idx %arg5[%min3A_181] : memref<16384xf32, #tpu.memory_space<vmem>>[vector<16xi32>], vector<16xf32>,
    %ge3A_183 = arith.constant 0 : i32
    %ge3A_184 = vector.broadcast %ge3A_183 : i32 to vector<16xi32>
    %ge3A_185 = arith.cmpi sge, %sub3A_109, %ge3A_184 : vector<16xi32>
    %sub3A_186 = arith.subf %get3A_71, %gather3A_178 : vector<16xf32>
    %abs3A_187 = math.absf %sub3A_186 : vector<16xf32>
    %jit3A_188 = arith.constant 3.400000e+38 : f32
    %broadcast_in_dim3A_189 = vector.broadcast %jit3A_188 : f32 to vector<16xf32>
    %select_n3A_190 = arith.select %ge3A_185, %abs3A_187, %broadcast_in_dim3A_189 : vector<16xi1>, vector<16xf32>
    %lt3A_191 = arith.constant 16384 : i32
    %lt3A_192 = vector.broadcast %lt3A_191 : i32 to vector<16xi32>
    %lt3A_193 = arith.cmpi slt, %scan3A_100#2, %lt3A_192 : vector<16xi32>
    %sub3A_194 = arith.subf %get3A_71, %gather3A_182 : vector<16xf32>
    %abs3A_195 = math.absf %sub3A_194 : vector<16xf32>
    %jit3A_196 = arith.constant 3.400000e+38 : f32
    %broadcast_in_dim3A_197 = vector.broadcast %jit3A_196 : f32 to vector<16xf32>
    %select_n3A_198 = arith.select %lt3A_193, %abs3A_195, %broadcast_in_dim3A_197 : vector<16xi1>, vector<16xf32>
    %add3A_199 = arith.constant 32 : i32
    %add3A_200 = vector.broadcast %add3A_199 : i32 to vector<16xi32>
    %add3A_201 = arith.addi %iota3A, %add3A_200 : vector<16xi32>
    %broadcast_in_dim3A_202 = arith.constant 0 : i32
    %broadcast_in_dim3A_203 = vector.broadcast %broadcast_in_dim3A_202 : i32 to vector<16xi32>
    tpu.vector_store_idx %arg7[%add3A_201, %broadcast_in_dim3A_203], %get3A_71 : memref<128x9xf32, #tpu.memory_space<vmem>>[vector<16xi32>, vector<16xi32>], vector<16xf32>,
    %max3A_204 = arith.constant 0 : i32
    %max3A_205 = vector.broadcast %max3A_204 : i32 to vector<16xi32>
    %max3A_206 = arith.maxsi %sub3A_112, %max3A_205 : vector<16xi32>
    %gather3A_207 = tpu.vector_load_idx %arg5[%max3A_206] : memref<16384xf32, #tpu.memory_space<vmem>>[vector<16xi32>], vector<16xf32>,
    %min3A_208 = arith.constant 16383 : i32
    %min3A_209 = vector.broadcast %min3A_208 : i32 to vector<16xi32>
    %min3A_210 = arith.minsi %scan3A_100#3, %min3A_209 : vector<16xi32>
    %gather3A_211 = tpu.vector_load_idx %arg5[%min3A_210] : memref<16384xf32, #tpu.memory_space<vmem>>[vector<16xi32>], vector<16xf32>,
    %ge3A_212 = arith.constant 0 : i32
    %ge3A_213 = vector.broadcast %ge3A_212 : i32 to vector<16xi32>
    %ge3A_214 = arith.cmpi sge, %sub3A_112, %ge3A_213 : vector<16xi32>
    %sub3A_215 = arith.subf %get3A_73, %gather3A_207 : vector<16xf32>
    %abs3A_216 = math.absf %sub3A_215 : vector<16xf32>
    %jit3A_217 = arith.constant 3.400000e+38 : f32
    %broadcast_in_dim3A_218 = vector.broadcast %jit3A_217 : f32 to vector<16xf32>
    %select_n3A_219 = arith.select %ge3A_214, %abs3A_216, %broadcast_in_dim3A_218 : vector<16xi1>, vector<16xf32>
    %lt3A_220 = arith.constant 16384 : i32
    %lt3A_221 = vector.broadcast %lt3A_220 : i32 to vector<16xi32>
    %lt3A_222 = arith.cmpi slt, %scan3A_100#3, %lt3A_221 : vector<16xi32>
    %sub3A_223 = arith.subf %get3A_73, %gather3A_211 : vector<16xf32>
    %abs3A_224 = math.absf %sub3A_223 : vector<16xf32>
    %jit3A_225 = arith.constant 3.400000e+38 : f32
    %broadcast_in_dim3A_226 = vector.broadcast %jit3A_225 : f32 to vector<16xf32>
    %select_n3A_227 = arith.select %lt3A_222, %abs3A_224, %broadcast_in_dim3A_226 : vector<16xi1>, vector<16xf32>
    %add3A_228 = arith.constant 48 : i32
    %add3A_229 = vector.broadcast %add3A_228 : i32 to vector<16xi32>
    %add3A_230 = arith.addi %iota3A, %add3A_229 : vector<16xi32>
    %broadcast_in_dim3A_231 = arith.constant 0 : i32
    %broadcast_in_dim3A_232 = vector.broadcast %broadcast_in_dim3A_231 : i32 to vector<16xi32>
    tpu.vector_store_idx %arg7[%add3A_230, %broadcast_in_dim3A_232], %get3A_73 : memref<128x9xf32, #tpu.memory_space<vmem>>[vector<16xi32>, vector<16xi32>], vector<16xf32>,
    %max3A_233 = arith.constant 0 : i32
    %max3A_234 = vector.broadcast %max3A_233 : i32 to vector<16xi32>
    %max3A_235 = arith.maxsi %sub3A_115, %max3A_234 : vector<16xi32>
    %gather3A_236 = tpu.vector_load_idx %arg5[%max3A_235] : memref<16384xf32, #tpu.memory_space<vmem>>[vector<16xi32>], vector<16xf32>,
    %min3A_237 = arith.constant 16383 : i32
    %min3A_238 = vector.broadcast %min3A_237 : i32 to vector<16xi32>
    %min3A_239 = arith.minsi %scan3A_100#4, %min3A_238 : vector<16xi32>
    %gather3A_240 = tpu.vector_load_idx %arg5[%min3A_239] : memref<16384xf32, #tpu.memory_space<vmem>>[vector<16xi32>], vector<16xf32>,
    %ge3A_241 = arith.constant 0 : i32
    %ge3A_242 = vector.broadcast %ge3A_241 : i32 to vector<16xi32>
    %ge3A_243 = arith.cmpi sge, %sub3A_115, %ge3A_242 : vector<16xi32>
    %sub3A_244 = arith.subf %get3A_75, %gather3A_236 : vector<16xf32>
    %abs3A_245 = math.absf %sub3A_244 : vector<16xf32>
    %jit3A_246 = arith.constant 3.400000e+38 : f32
    %broadcast_in_dim3A_247 = vector.broadcast %jit3A_246 : f32 to vector<16xf32>
    %select_n3A_248 = arith.select %ge3A_243, %abs3A_245, %broadcast_in_dim3A_247 : vector<16xi1>, vector<16xf32>
    %lt3A_249 = arith.constant 16384 : i32
    %lt3A_250 = vector.broadcast %lt3A_249 : i32 to vector<16xi32>
    %lt3A_251 = arith.cmpi slt, %scan3A_100#4, %lt3A_250 : vector<16xi32>
    %sub3A_252 = arith.subf %get3A_75, %gather3A_240 : vector<16xf32>
    %abs3A_253 = math.absf %sub3A_252 : vector<16xf32>
    %jit3A_254 = arith.constant 3.400000e+38 : f32
    %broadcast_in_dim3A_255 = vector.broadcast %jit3A_254 : f32 to vector<16xf32>
    %select_n3A_256 = arith.select %lt3A_251, %abs3A_253, %broadcast_in_dim3A_255 : vector<16xi1>, vector<16xf32>
    %add3A_257 = arith.constant 64 : i32
    %add3A_258 = vector.broadcast %add3A_257 : i32 to vector<16xi32>
    %add3A_259 = arith.addi %iota3A, %add3A_258 : vector<16xi32>
    %broadcast_in_dim3A_260 = arith.constant 0 : i32
    %broadcast_in_dim3A_261 = vector.broadcast %broadcast_in_dim3A_260 : i32 to vector<16xi32>
    tpu.vector_store_idx %arg7[%add3A_259, %broadcast_in_dim3A_261], %get3A_75 : memref<128x9xf32, #tpu.memory_space<vmem>>[vector<16xi32>, vector<16xi32>], vector<16xf32>,
    %max3A_262 = arith.constant 0 : i32
    %max3A_263 = vector.broadcast %max3A_262 : i32 to vector<16xi32>
    %max3A_264 = arith.maxsi %sub3A_118, %max3A_263 : vector<16xi32>
    %gather3A_265 = tpu.vector_load_idx %arg5[%max3A_264] : memref<16384xf32, #tpu.memory_space<vmem>>[vector<16xi32>], vector<16xf32>,
    %min3A_266 = arith.constant 16383 : i32
    %min3A_267 = vector.broadcast %min3A_266 : i32 to vector<16xi32>
    %min3A_268 = arith.minsi %scan3A_100#5, %min3A_267 : vector<16xi32>
    %gather3A_269 = tpu.vector_load_idx %arg5[%min3A_268] : memref<16384xf32, #tpu.memory_space<vmem>>[vector<16xi32>], vector<16xf32>,
    %ge3A_270 = arith.constant 0 : i32
    %ge3A_271 = vector.broadcast %ge3A_270 : i32 to vector<16xi32>
    %ge3A_272 = arith.cmpi sge, %sub3A_118, %ge3A_271 : vector<16xi32>
    %sub3A_273 = arith.subf %get3A_77, %gather3A_265 : vector<16xf32>
    %abs3A_274 = math.absf %sub3A_273 : vector<16xf32>
    %jit3A_275 = arith.constant 3.400000e+38 : f32
    %broadcast_in_dim3A_276 = vector.broadcast %jit3A_275 : f32 to vector<16xf32>
    %select_n3A_277 = arith.select %ge3A_272, %abs3A_274, %broadcast_in_dim3A_276 : vector<16xi1>, vector<16xf32>
    %lt3A_278 = arith.constant 16384 : i32
    %lt3A_279 = vector.broadcast %lt3A_278 : i32 to vector<16xi32>
    %lt3A_280 = arith.cmpi slt, %scan3A_100#5, %lt3A_279 : vector<16xi32>
    %sub3A_281 = arith.subf %get3A_77, %gather3A_269 : vector<16xf32>
    %abs3A_282 = math.absf %sub3A_281 : vector<16xf32>
    %jit3A_283 = arith.constant 3.400000e+38 : f32
    %broadcast_in_dim3A_284 = vector.broadcast %jit3A_283 : f32 to vector<16xf32>
    %select_n3A_285 = arith.select %lt3A_280, %abs3A_282, %broadcast_in_dim3A_284 : vector<16xi1>, vector<16xf32>
    %add3A_286 = arith.constant 80 : i32
    %add3A_287 = vector.broadcast %add3A_286 : i32 to vector<16xi32>
    %add3A_288 = arith.addi %iota3A, %add3A_287 : vector<16xi32>
    %broadcast_in_dim3A_289 = arith.constant 0 : i32
    %broadcast_in_dim3A_290 = vector.broadcast %broadcast_in_dim3A_289 : i32 to vector<16xi32>
    tpu.vector_store_idx %arg7[%add3A_288, %broadcast_in_dim3A_290], %get3A_77 : memref<128x9xf32, #tpu.memory_space<vmem>>[vector<16xi32>, vector<16xi32>], vector<16xf32>,
    %max3A_291 = arith.constant 0 : i32
    %max3A_292 = vector.broadcast %max3A_291 : i32 to vector<16xi32>
    %max3A_293 = arith.maxsi %sub3A_121, %max3A_292 : vector<16xi32>
    %gather3A_294 = tpu.vector_load_idx %arg5[%max3A_293] : memref<16384xf32, #tpu.memory_space<vmem>>[vector<16xi32>], vector<16xf32>,
    %min3A_295 = arith.constant 16383 : i32
    %min3A_296 = vector.broadcast %min3A_295 : i32 to vector<16xi32>
    %min3A_297 = arith.minsi %scan3A_100#6, %min3A_296 : vector<16xi32>
    %gather3A_298 = tpu.vector_load_idx %arg5[%min3A_297] : memref<16384xf32, #tpu.memory_space<vmem>>[vector<16xi32>], vector<16xf32>,
    %ge3A_299 = arith.constant 0 : i32
    %ge3A_300 = vector.broadcast %ge3A_299 : i32 to vector<16xi32>
    %ge3A_301 = arith.cmpi sge, %sub3A_121, %ge3A_300 : vector<16xi32>
    %sub3A_302 = arith.subf %get3A_79, %gather3A_294 : vector<16xf32>
    %abs3A_303 = math.absf %sub3A_302 : vector<16xf32>
    %jit3A_304 = arith.constant 3.400000e+38 : f32
    %broadcast_in_dim3A_305 = vector.broadcast %jit3A_304 : f32 to vector<16xf32>
    %select_n3A_306 = arith.select %ge3A_301, %abs3A_303, %broadcast_in_dim3A_305 : vector<16xi1>, vector<16xf32>
    %lt3A_307 = arith.constant 16384 : i32
    %lt3A_308 = vector.broadcast %lt3A_307 : i32 to vector<16xi32>
    %lt3A_309 = arith.cmpi slt, %scan3A_100#6, %lt3A_308 : vector<16xi32>
    %sub3A_310 = arith.subf %get3A_79, %gather3A_298 : vector<16xf32>
    %abs3A_311 = math.absf %sub3A_310 : vector<16xf32>
    %jit3A_312 = arith.constant 3.400000e+38 : f32
    %broadcast_in_dim3A_313 = vector.broadcast %jit3A_312 : f32 to vector<16xf32>
    %select_n3A_314 = arith.select %lt3A_309, %abs3A_311, %broadcast_in_dim3A_313 : vector<16xi1>, vector<16xf32>
    %add3A_315 = arith.constant 96 : i32
    %add3A_316 = vector.broadcast %add3A_315 : i32 to vector<16xi32>
    %add3A_317 = arith.addi %iota3A, %add3A_316 : vector<16xi32>
    %broadcast_in_dim3A_318 = arith.constant 0 : i32
    %broadcast_in_dim3A_319 = vector.broadcast %broadcast_in_dim3A_318 : i32 to vector<16xi32>
    tpu.vector_store_idx %arg7[%add3A_317, %broadcast_in_dim3A_319], %get3A_79 : memref<128x9xf32, #tpu.memory_space<vmem>>[vector<16xi32>, vector<16xi32>], vector<16xf32>,
    %max3A_320 = arith.constant 0 : i32
    %max3A_321 = vector.broadcast %max3A_320 : i32 to vector<16xi32>
    %max3A_322 = arith.maxsi %sub3A_124, %max3A_321 : vector<16xi32>
    %gather3A_323 = tpu.vector_load_idx %arg5[%max3A_322] : memref<16384xf32, #tpu.memory_space<vmem>>[vector<16xi32>], vector<16xf32>,
    %min3A_324 = arith.constant 16383 : i32
    %min3A_325 = vector.broadcast %min3A_324 : i32 to vector<16xi32>
    %min3A_326 = arith.minsi %scan3A_100#7, %min3A_325 : vector<16xi32>
    %gather3A_327 = tpu.vector_load_idx %arg5[%min3A_326] : memref<16384xf32, #tpu.memory_space<vmem>>[vector<16xi32>], vector<16xf32>,
    %ge3A_328 = arith.constant 0 : i32
    %ge3A_329 = vector.broadcast %ge3A_328 : i32 to vector<16xi32>
    %ge3A_330 = arith.cmpi sge, %sub3A_124, %ge3A_329 : vector<16xi32>
    %sub3A_331 = arith.subf %get3A_81, %gather3A_323 : vector<16xf32>
    %abs3A_332 = math.absf %sub3A_331 : vector<16xf32>
    %jit3A_333 = arith.constant 3.400000e+38 : f32
    %broadcast_in_dim3A_334 = vector.broadcast %jit3A_333 : f32 to vector<16xf32>
    %select_n3A_335 = arith.select %ge3A_330, %abs3A_332, %broadcast_in_dim3A_334 : vector<16xi1>, vector<16xf32>
    %lt3A_336 = arith.constant 16384 : i32
    %lt3A_337 = vector.broadcast %lt3A_336 : i32 to vector<16xi32>
    %lt3A_338 = arith.cmpi slt, %scan3A_100#7, %lt3A_337 : vector<16xi32>
    %sub3A_339 = arith.subf %get3A_81, %gather3A_327 : vector<16xf32>
    %abs3A_340 = math.absf %sub3A_339 : vector<16xf32>
    %jit3A_341 = arith.constant 3.400000e+38 : f32
    %broadcast_in_dim3A_342 = vector.broadcast %jit3A_341 : f32 to vector<16xf32>
    %select_n3A_343 = arith.select %lt3A_338, %abs3A_340, %broadcast_in_dim3A_342 : vector<16xi1>, vector<16xf32>
    %add3A_344 = arith.constant 112 : i32
    %add3A_345 = vector.broadcast %add3A_344 : i32 to vector<16xi32>
    %add3A_346 = arith.addi %iota3A, %add3A_345 : vector<16xi32>
    %broadcast_in_dim3A_347 = arith.constant 0 : i32
    %broadcast_in_dim3A_348 = vector.broadcast %broadcast_in_dim3A_347 : i32 to vector<16xi32>
    tpu.vector_store_idx %arg7[%add3A_346, %broadcast_in_dim3A_348], %get3A_81 : memref<128x9xf32, #tpu.memory_space<vmem>>[vector<16xi32>, vector<16xi32>], vector<16xf32>,
    %scan3A_349 = arith.constant 1 : i32
    %scan3A_350 = arith.constant 7 : i32
    %scan3A_351 = arith.addi %scan3A_349, %scan3A_350 : i32
    %scan3A_352 = arith.constant 1 : i32
    %scan3A_353:24 = scf.for %scan3A_399 = %scan3A_349 to %scan3A_351 step %scan3A_352 iter_args(%scan3A_400 = %sub3A_103, %scan3A_401 = %sub3A_106, %scan3A_402 = %sub3A_109, %scan3A_403 = %sub3A_112, %scan3A_404 = %sub3A_115, %scan3A_405 = %sub3A_118, %scan3A_406 = %sub3A_121, %scan3A_407 = %sub3A_124, %scan3A_408 = %select_n3A, %scan3A_409 = %select_n3A_161, %scan3A_410 = %select_n3A_190, %scan3A_411 = %select_n3A_219, %scan3A_412 = %select_n3A_248, %scan3A_413 = %select_n3A_277, %scan3A_414 = %select_n3A_306, %scan3A_415 = %select_n3A_335, %scan3A_416 = %select_n3A_140, %scan3A_417 = %select_n3A_169, %scan3A_418 = %select_n3A_198, %scan3A_419 = %select_n3A_227, %scan3A_420 = %select_n3A_256, %scan3A_421 = %select_n3A_285, %scan3A_422 = %select_n3A_314, %scan3A_423 = %select_n3A_343) -> (vector<16xi32>, vector<16xi32>, vector<16xi32>, vector<16xi32>, vector<16xi32>, vector<16xi32>, vector<16xi32>, vector<16xi32>, vector<16xf32>, vector<16xf32>, vector<16xf32>, vector<16xf32>, vector<16xf32>, vector<16xf32>, vector<16xf32>, vector<16xf32>, vector<16xf32>, vector<16xf32>, vector<16xf32>, vector<16xf32>, vector<16xf32>, vector<16xf32>, vector<16xf32>, vector<16xf32>)  : i32 {
      %broadcast_in_dim3A_424 = arith.constant 0 : i32
      %broadcast_in_dim3A_425 = vector.broadcast %broadcast_in_dim3A_424 : i32 to vector<16xi32>
      %add3A_426 = vector.broadcast %scan3A_399 : i32 to vector<16xi32>
      %add3A_427 = arith.addi %broadcast_in_dim3A_425, %add3A_426 : vector<16xi32>
      %le3A_428 = arith.cmpf ole, %scan3A_408, %scan3A_416 : vector<16xf32>
      %le3A_429 = arith.cmpf ole, %scan3A_409, %scan3A_417 : vector<16xf32>
      %le3A_430 = arith.cmpf ole, %scan3A_410, %scan3A_418 : vector<16xf32>
      %le3A_431 = arith.cmpf ole, %scan3A_411, %scan3A_419 : vector<16xf32>
      %le3A_432 = arith.cmpf ole, %scan3A_412, %scan3A_420 : vector<16xf32>
      %le3A_433 = arith.cmpf ole, %scan3A_413, %scan3A_421 : vector<16xf32>
      %le3A_434 = arith.cmpf ole, %scan3A_414, %scan3A_422 : vector<16xf32>
      %le3A_435 = arith.cmpf ole, %scan3A_415, %scan3A_423 : vector<16xf32>
      %add3A_436 = arith.constant 0 : i32
      %add3A_437 = vector.broadcast %add3A_436 : i32 to vector<16xi32>
      %add3A_438 = arith.addi %iota3A, %add3A_437 : vector<16xi32>
      %select_n3A_439 = arith.select %le3A_428, %scan3A_408, %scan3A_416 : vector<16xi1>, vector<16xf32>
      tpu.vector_store_idx %arg7[%add3A_438, %add3A_427], %select_n3A_439 : memref<128x9xf32, #tpu.memory_space<vmem>>[vector<16xi32>, vector<16xi32>], vector<16xf32>,
      %add3A_440 = arith.constant 16 : i32
      %add3A_441 = vector.broadcast %add3A_440 : i32 to vector<16xi32>
      %add3A_442 = arith.addi %iota3A, %add3A_441 : vector<16xi32>
      %select_n3A_443 = arith.select %le3A_429, %scan3A_409, %scan3A_417 : vector<16xi1>, vector<16xf32>
      tpu.vector_store_idx %arg7[%add3A_442, %add3A_427], %select_n3A_443 : memref<128x9xf32, #tpu.memory_space<vmem>>[vector<16xi32>, vector<16xi32>], vector<16xf32>,
      %add3A_444 = arith.constant 32 : i32
      %add3A_445 = vector.broadcast %add3A_444 : i32 to vector<16xi32>
      %add3A_446 = arith.addi %iota3A, %add3A_445 : vector<16xi32>
      %select_n3A_447 = arith.select %le3A_430, %scan3A_410, %scan3A_418 : vector<16xi1>, vector<16xf32>
      tpu.vector_store_idx %arg7[%add3A_446, %add3A_427], %select_n3A_447 : memref<128x9xf32, #tpu.memory_space<vmem>>[vector<16xi32>, vector<16xi32>], vector<16xf32>,
      %add3A_448 = arith.constant 48 : i32
      %add3A_449 = vector.broadcast %add3A_448 : i32 to vector<16xi32>
      %add3A_450 = arith.addi %iota3A, %add3A_449 : vector<16xi32>
      %select_n3A_451 = arith.select %le3A_431, %scan3A_411, %scan3A_419 : vector<16xi1>, vector<16xf32>
      tpu.vector_store_idx %arg7[%add3A_450, %add3A_427], %select_n3A_451 : memref<128x9xf32, #tpu.memory_space<vmem>>[vector<16xi32>, vector<16xi32>], vector<16xf32>,
      %add3A_452 = arith.constant 64 : i32
      %add3A_453 = vector.broadcast %add3A_452 : i32 to vector<16xi32>
      %add3A_454 = arith.addi %iota3A, %add3A_453 : vector<16xi32>
      %select_n3A_455 = arith.select %le3A_432, %scan3A_412, %scan3A_420 : vector<16xi1>, vector<16xf32>
      tpu.vector_store_idx %arg7[%add3A_454, %add3A_427], %select_n3A_455 : memref<128x9xf32, #tpu.memory_space<vmem>>[vector<16xi32>, vector<16xi32>], vector<16xf32>,
      %add3A_456 = arith.constant 80 : i32
      %add3A_457 = vector.broadcast %add3A_456 : i32 to vector<16xi32>
      %add3A_458 = arith.addi %iota3A, %add3A_457 : vector<16xi32>
      %select_n3A_459 = arith.select %le3A_433, %scan3A_413, %scan3A_421 : vector<16xi1>, vector<16xf32>
      tpu.vector_store_idx %arg7[%add3A_458, %add3A_427], %select_n3A_459 : memref<128x9xf32, #tpu.memory_space<vmem>>[vector<16xi32>, vector<16xi32>], vector<16xf32>,
      %add3A_460 = arith.constant 96 : i32
      %add3A_461 = vector.broadcast %add3A_460 : i32 to vector<16xi32>
      %add3A_462 = arith.addi %iota3A, %add3A_461 : vector<16xi32>
      %select_n3A_463 = arith.select %le3A_434, %scan3A_414, %scan3A_422 : vector<16xi1>, vector<16xf32>
      tpu.vector_store_idx %arg7[%add3A_462, %add3A_427], %select_n3A_463 : memref<128x9xf32, #tpu.memory_space<vmem>>[vector<16xi32>, vector<16xi32>], vector<16xf32>,
      %add3A_464 = arith.constant 112 : i32
      %add3A_465 = vector.broadcast %add3A_464 : i32 to vector<16xi32>
      %add3A_466 = arith.addi %iota3A, %add3A_465 : vector<16xi32>
      %select_n3A_467 = arith.select %le3A_435, %scan3A_415, %scan3A_423 : vector<16xi1>, vector<16xf32>
      tpu.vector_store_idx %arg7[%add3A_466, %add3A_427], %select_n3A_467 : memref<128x9xf32, #tpu.memory_space<vmem>>[vector<16xi32>, vector<16xi32>], vector<16xf32>,
      %sub3A_468 = arith.constant 1 : i32
      %sub3A_469 = vector.broadcast %sub3A_468 : i32 to vector<16xi32>
      %sub3A_470 = arith.subi %scan3A_400, %sub3A_469 : vector<16xi32>
      %select_n3A_471 = arith.select %le3A_428, %sub3A_470, %scan3A_400 : vector<16xi1>, vector<16xi32>
      %sub3A_472 = arith.constant 1 : i32
      %sub3A_473 = vector.broadcast %sub3A_472 : i32 to vector<16xi32>
      %sub3A_474 = arith.subi %scan3A_401, %sub3A_473 : vector<16xi32>
      %select_n3A_475 = arith.select %le3A_429, %sub3A_474, %scan3A_401 : vector<16xi1>, vector<16xi32>
      %sub3A_476 = arith.constant 1 : i32
      %sub3A_477 = vector.broadcast %sub3A_476 : i32 to vector<16xi32>
      %sub3A_478 = arith.subi %scan3A_402, %sub3A_477 : vector<16xi32>
      %select_n3A_479 = arith.select %le3A_430, %sub3A_478, %scan3A_402 : vector<16xi1>, vector<16xi32>
      %sub3A_480 = arith.constant 1 : i32
      %sub3A_481 = vector.broadcast %sub3A_480 : i32 to vector<16xi32>
      %sub3A_482 = arith.subi %scan3A_403, %sub3A_481 : vector<16xi32>
      %select_n3A_483 = arith.select %le3A_431, %sub3A_482, %scan3A_403 : vector<16xi1>, vector<16xi32>
      %sub3A_484 = arith.constant 1 : i32
      %sub3A_485 = vector.broadcast %sub3A_484 : i32 to vector<16xi32>
      %sub3A_486 = arith.subi %scan3A_404, %sub3A_485 : vector<16xi32>
      %select_n3A_487 = arith.select %le3A_432, %sub3A_486, %scan3A_404 : vector<16xi1>, vector<16xi32>
      %sub3A_488 = arith.constant 1 : i32
      %sub3A_489 = vector.broadcast %sub3A_488 : i32 to vector<16xi32>
      %sub3A_490 = arith.subi %scan3A_405, %sub3A_489 : vector<16xi32>
      %select_n3A_491 = arith.select %le3A_433, %sub3A_490, %scan3A_405 : vector<16xi1>, vector<16xi32>
      %sub3A_492 = arith.constant 1 : i32
      %sub3A_493 = vector.broadcast %sub3A_492 : i32 to vector<16xi32>
      %sub3A_494 = arith.subi %scan3A_406, %sub3A_493 : vector<16xi32>
      %select_n3A_495 = arith.select %le3A_434, %sub3A_494, %scan3A_406 : vector<16xi1>, vector<16xi32>
      %sub3A_496 = arith.constant 1 : i32
      %sub3A_497 = vector.broadcast %sub3A_496 : i32 to vector<16xi32>
      %sub3A_498 = arith.subi %scan3A_407, %sub3A_497 : vector<16xi32>
      %select_n3A_499 = arith.select %le3A_435, %sub3A_498, %scan3A_407 : vector<16xi1>, vector<16xi32>
      %add3A_500 = arith.constant 1 : i32
      %add3A_501 = arith.addi %scan3A_399, %add3A_500 : i32
      %add3A_502 = vector.broadcast %add3A_501 : i32 to vector<16xi32>
      %add3A_503 = arith.addi %select_n3A_471, %add3A_502 : vector<16xi32>
      %add3A_504 = arith.constant 1 : i32
      %add3A_505 = arith.addi %scan3A_399, %add3A_504 : i32
      %add3A_506 = vector.broadcast %add3A_505 : i32 to vector<16xi32>
      %add3A_507 = arith.addi %select_n3A_475, %add3A_506 : vector<16xi32>
      %add3A_508 = arith.constant 1 : i32
      %add3A_509 = arith.addi %scan3A_399, %add3A_508 : i32
      %add3A_510 = vector.broadcast %add3A_509 : i32 to vector<16xi32>
      %add3A_511 = arith.addi %select_n3A_479, %add3A_510 : vector<16xi32>
      %add3A_512 = arith.constant 1 : i32
      %add3A_513 = arith.addi %scan3A_399, %add3A_512 : i32
      %add3A_514 = vector.broadcast %add3A_513 : i32 to vector<16xi32>
      %add3A_515 = arith.addi %select_n3A_483, %add3A_514 : vector<16xi32>
      %add3A_516 = arith.constant 1 : i32
      %add3A_517 = arith.addi %scan3A_399, %add3A_516 : i32
      %add3A_518 = vector.broadcast %add3A_517 : i32 to vector<16xi32>
      %add3A_519 = arith.addi %select_n3A_487, %add3A_518 : vector<16xi32>
      %add3A_520 = arith.constant 1 : i32
      %add3A_521 = arith.addi %scan3A_399, %add3A_520 : i32
      %add3A_522 = vector.broadcast %add3A_521 : i32 to vector<16xi32>
      %add3A_523 = arith.addi %select_n3A_491, %add3A_522 : vector<16xi32>
      %add3A_524 = arith.constant 1 : i32
      %add3A_525 = arith.addi %scan3A_399, %add3A_524 : i32
      %add3A_526 = vector.broadcast %add3A_525 : i32 to vector<16xi32>
      %add3A_527 = arith.addi %select_n3A_495, %add3A_526 : vector<16xi32>
      %add3A_528 = arith.constant 1 : i32
      %add3A_529 = arith.addi %scan3A_399, %add3A_528 : i32
      %add3A_530 = vector.broadcast %add3A_529 : i32 to vector<16xi32>
      %add3A_531 = arith.addi %select_n3A_499, %add3A_530 : vector<16xi32>
      %select_n3A_532 = arith.select %le3A_428, %select_n3A_471, %add3A_503 : vector<16xi1>, vector<16xi32>
      %select_n3A_533 = arith.select %le3A_429, %select_n3A_475, %add3A_507 : vector<16xi1>, vector<16xi32>
      %select_n3A_534 = arith.select %le3A_430, %select_n3A_479, %add3A_511 : vector<16xi1>, vector<16xi32>
      %select_n3A_535 = arith.select %le3A_431, %select_n3A_483, %add3A_515 : vector<16xi1>, vector<16xi32>
      %select_n3A_536 = arith.select %le3A_432, %select_n3A_487, %add3A_519 : vector<16xi1>, vector<16xi32>
      %select_n3A_537 = arith.select %le3A_433, %select_n3A_491, %add3A_523 : vector<16xi1>, vector<16xi32>
      %select_n3A_538 = arith.select %le3A_434, %select_n3A_495, %add3A_527 : vector<16xi1>, vector<16xi32>
      %select_n3A_539 = arith.select %le3A_435, %select_n3A_499, %add3A_531 : vector<16xi1>, vector<16xi32>
      %jit3A_540 = arith.constant 0 : i32
      %jit3A_541 = arith.constant 16383 : i32
      %max3A_542 = vector.broadcast %jit3A_540 : i32 to vector<16xi32>
      %max3A_543 = arith.maxsi %max3A_542, %select_n3A_532 : vector<16xi32>
      %min3A_544 = vector.broadcast %jit3A_541 : i32 to vector<16xi32>
      %min3A_545 = arith.minsi %min3A_544, %max3A_543 : vector<16xi32>
      %gather3A_546 = tpu.vector_load_idx %arg5[%min3A_545] : memref<16384xf32, #tpu.memory_space<vmem>>[vector<16xi32>], vector<16xf32>,
      %jit3A_547 = arith.constant 0 : i32
      %jit3A_548 = arith.constant 16383 : i32
      %max3A_549 = vector.broadcast %jit3A_547 : i32 to vector<16xi32>
      %max3A_550 = arith.maxsi %max3A_549, %select_n3A_533 : vector<16xi32>
      %min3A_551 = vector.broadcast %jit3A_548 : i32 to vector<16xi32>
      %min3A_552 = arith.minsi %min3A_551, %max3A_550 : vector<16xi32>
      %gather3A_553 = tpu.vector_load_idx %arg5[%min3A_552] : memref<16384xf32, #tpu.memory_space<vmem>>[vector<16xi32>], vector<16xf32>,
      %jit3A_554 = arith.constant 0 : i32
      %jit3A_555 = arith.constant 16383 : i32
      %max3A_556 = vector.broadcast %jit3A_554 : i32 to vector<16xi32>
      %max3A_557 = arith.maxsi %max3A_556, %select_n3A_534 : vector<16xi32>
      %min3A_558 = vector.broadcast %jit3A_555 : i32 to vector<16xi32>
      %min3A_559 = arith.minsi %min3A_558, %max3A_557 : vector<16xi32>
      %gather3A_560 = tpu.vector_load_idx %arg5[%min3A_559] : memref<16384xf32, #tpu.memory_space<vmem>>[vector<16xi32>], vector<16xf32>,
      %jit3A_561 = arith.constant 0 : i32
      %jit3A_562 = arith.constant 16383 : i32
      %max3A_563 = vector.broadcast %jit3A_561 : i32 to vector<16xi32>
      %max3A_564 = arith.maxsi %max3A_563, %select_n3A_535 : vector<16xi32>
      %min3A_565 = vector.broadcast %jit3A_562 : i32 to vector<16xi32>
      %min3A_566 = arith.minsi %min3A_565, %max3A_564 : vector<16xi32>
      %gather3A_567 = tpu.vector_load_idx %arg5[%min3A_566] : memref<16384xf32, #tpu.memory_space<vmem>>[vector<16xi32>], vector<16xf32>,
      %jit3A_568 = arith.constant 0 : i32
      %jit3A_569 = arith.constant 16383 : i32
      %max3A_570 = vector.broadcast %jit3A_568 : i32 to vector<16xi32>
      %max3A_571 = arith.maxsi %max3A_570, %select_n3A_536 : vector<16xi32>
      %min3A_572 = vector.broadcast %jit3A_569 : i32 to vector<16xi32>
      %min3A_573 = arith.minsi %min3A_572, %max3A_571 : vector<16xi32>
      %gather3A_574 = tpu.vector_load_idx %arg5[%min3A_573] : memref<16384xf32, #tpu.memory_space<vmem>>[vector<16xi32>], vector<16xf32>,
      %jit3A_575 = arith.constant 0 : i32
      %jit3A_576 = arith.constant 16383 : i32
      %max3A_577 = vector.broadcast %jit3A_575 : i32 to vector<16xi32>
      %max3A_578 = arith.maxsi %max3A_577, %select_n3A_537 : vector<16xi32>
      %min3A_579 = vector.broadcast %jit3A_576 : i32 to vector<16xi32>
      %min3A_580 = arith.minsi %min3A_579, %max3A_578 : vector<16xi32>
      %gather3A_581 = tpu.vector_load_idx %arg5[%min3A_580] : memref<16384xf32, #tpu.memory_space<vmem>>[vector<16xi32>], vector<16xf32>,
      %jit3A_582 = arith.constant 0 : i32
      %jit3A_583 = arith.constant 16383 : i32
      %max3A_584 = vector.broadcast %jit3A_582 : i32 to vector<16xi32>
      %max3A_585 = arith.maxsi %max3A_584, %select_n3A_538 : vector<16xi32>
      %min3A_586 = vector.broadcast %jit3A_583 : i32 to vector<16xi32>
      %min3A_587 = arith.minsi %min3A_586, %max3A_585 : vector<16xi32>
      %gather3A_588 = tpu.vector_load_idx %arg5[%min3A_587] : memref<16384xf32, #tpu.memory_space<vmem>>[vector<16xi32>], vector<16xf32>,
      %jit3A_589 = arith.constant 0 : i32
      %jit3A_590 = arith.constant 16383 : i32
      %max3A_591 = vector.broadcast %jit3A_589 : i32 to vector<16xi32>
      %max3A_592 = arith.maxsi %max3A_591, %select_n3A_539 : vector<16xi32>
      %min3A_593 = vector.broadcast %jit3A_590 : i32 to vector<16xi32>
      %min3A_594 = arith.minsi %min3A_593, %max3A_592 : vector<16xi32>
      %gather3A_595 = tpu.vector_load_idx %arg5[%min3A_594] : memref<16384xf32, #tpu.memory_space<vmem>>[vector<16xi32>], vector<16xf32>,
      %ge3A_596 = arith.constant 0 : i32
      %ge3A_597 = vector.broadcast %ge3A_596 : i32 to vector<16xi32>
      %ge3A_598 = arith.cmpi sge, %select_n3A_471, %ge3A_597 : vector<16xi32>
      %lt3A_599 = arith.constant 16384 : i32
      %lt3A_600 = vector.broadcast %lt3A_599 : i32 to vector<16xi32>
      %lt3A_601 = arith.cmpi slt, %add3A_503, %lt3A_600 : vector<16xi32>
      %select_n3A_602 = arith.select %le3A_428, %ge3A_598, %lt3A_601 : vector<16xi1>, vector<16xi1>
      %sub3A_603 = arith.subf %get3A_67, %gather3A_546 : vector<16xf32>
      %abs3A_604 = math.absf %sub3A_603 : vector<16xf32>
      %jit3A_605 = arith.constant 3.400000e+38 : f32
      %broadcast_in_dim3A_606 = vector.broadcast %jit3A_605 : f32 to vector<16xf32>
      %select_n3A_607 = arith.select %select_n3A_602, %abs3A_604, %broadcast_in_dim3A_606 : vector<16xi1>, vector<16xf32>
      %select_n3A_608 = arith.select %le3A_428, %select_n3A_607, %scan3A_408 : vector<16xi1>, vector<16xf32>
      %select_n3A_609 = arith.select %le3A_428, %scan3A_416, %select_n3A_607 : vector<16xi1>, vector<16xf32>
      %ge3A_610 = arith.constant 0 : i32
      %ge3A_611 = vector.broadcast %ge3A_610 : i32 to vector<16xi32>
      %ge3A_612 = arith.cmpi sge, %select_n3A_475, %ge3A_611 : vector<16xi32>
      %lt3A_613 = arith.constant 16384 : i32
      %lt3A_614 = vector.broadcast %lt3A_613 : i32 to vector<16xi32>
      %lt3A_615 = arith.cmpi slt, %add3A_507, %lt3A_614 : vector<16xi32>
      %select_n3A_616 = arith.select %le3A_429, %ge3A_612, %lt3A_615 : vector<16xi1>, vector<16xi1>
      %sub3A_617 = arith.subf %get3A_69, %gather3A_553 : vector<16xf32>
      %abs3A_618 = math.absf %sub3A_617 : vector<16xf32>
      %jit3A_619 = arith.constant 3.400000e+38 : f32
      %broadcast_in_dim3A_620 = vector.broadcast %jit3A_619 : f32 to vector<16xf32>
      %select_n3A_621 = arith.select %select_n3A_616, %abs3A_618, %broadcast_in_dim3A_620 : vector<16xi1>, vector<16xf32>
      %select_n3A_622 = arith.select %le3A_429, %select_n3A_621, %scan3A_409 : vector<16xi1>, vector<16xf32>
      %select_n3A_623 = arith.select %le3A_429, %scan3A_417, %select_n3A_621 : vector<16xi1>, vector<16xf32>
      %ge3A_624 = arith.constant 0 : i32
      %ge3A_625 = vector.broadcast %ge3A_624 : i32 to vector<16xi32>
      %ge3A_626 = arith.cmpi sge, %select_n3A_479, %ge3A_625 : vector<16xi32>
      %lt3A_627 = arith.constant 16384 : i32
      %lt3A_628 = vector.broadcast %lt3A_627 : i32 to vector<16xi32>
      %lt3A_629 = arith.cmpi slt, %add3A_511, %lt3A_628 : vector<16xi32>
      %select_n3A_630 = arith.select %le3A_430, %ge3A_626, %lt3A_629 : vector<16xi1>, vector<16xi1>
      %sub3A_631 = arith.subf %get3A_71, %gather3A_560 : vector<16xf32>
      %abs3A_632 = math.absf %sub3A_631 : vector<16xf32>
      %jit3A_633 = arith.constant 3.400000e+38 : f32
      %broadcast_in_dim3A_634 = vector.broadcast %jit3A_633 : f32 to vector<16xf32>
      %select_n3A_635 = arith.select %select_n3A_630, %abs3A_632, %broadcast_in_dim3A_634 : vector<16xi1>, vector<16xf32>
      %select_n3A_636 = arith.select %le3A_430, %select_n3A_635, %scan3A_410 : vector<16xi1>, vector<16xf32>
      %select_n3A_637 = arith.select %le3A_430, %scan3A_418, %select_n3A_635 : vector<16xi1>, vector<16xf32>
      %ge3A_638 = arith.constant 0 : i32
      %ge3A_639 = vector.broadcast %ge3A_638 : i32 to vector<16xi32>
      %ge3A_640 = arith.cmpi sge, %select_n3A_483, %ge3A_639 : vector<16xi32>
      %lt3A_641 = arith.constant 16384 : i32
      %lt3A_642 = vector.broadcast %lt3A_641 : i32 to vector<16xi32>
      %lt3A_643 = arith.cmpi slt, %add3A_515, %lt3A_642 : vector<16xi32>
      %select_n3A_644 = arith.select %le3A_431, %ge3A_640, %lt3A_643 : vector<16xi1>, vector<16xi1>
      %sub3A_645 = arith.subf %get3A_73, %gather3A_567 : vector<16xf32>
      %abs3A_646 = math.absf %sub3A_645 : vector<16xf32>
      %jit3A_647 = arith.constant 3.400000e+38 : f32
      %broadcast_in_dim3A_648 = vector.broadcast %jit3A_647 : f32 to vector<16xf32>
      %select_n3A_649 = arith.select %select_n3A_644, %abs3A_646, %broadcast_in_dim3A_648 : vector<16xi1>, vector<16xf32>
      %select_n3A_650 = arith.select %le3A_431, %select_n3A_649, %scan3A_411 : vector<16xi1>, vector<16xf32>
      %select_n3A_651 = arith.select %le3A_431, %scan3A_419, %select_n3A_649 : vector<16xi1>, vector<16xf32>
      %ge3A_652 = arith.constant 0 : i32
      %ge3A_653 = vector.broadcast %ge3A_652 : i32 to vector<16xi32>
      %ge3A_654 = arith.cmpi sge, %select_n3A_487, %ge3A_653 : vector<16xi32>
      %lt3A_655 = arith.constant 16384 : i32
      %lt3A_656 = vector.broadcast %lt3A_655 : i32 to vector<16xi32>
      %lt3A_657 = arith.cmpi slt, %add3A_519, %lt3A_656 : vector<16xi32>
      %select_n3A_658 = arith.select %le3A_432, %ge3A_654, %lt3A_657 : vector<16xi1>, vector<16xi1>
      %sub3A_659 = arith.subf %get3A_75, %gather3A_574 : vector<16xf32>
      %abs3A_660 = math.absf %sub3A_659 : vector<16xf32>
      %jit3A_661 = arith.constant 3.400000e+38 : f32
      %broadcast_in_dim3A_662 = vector.broadcast %jit3A_661 : f32 to vector<16xf32>
      %select_n3A_663 = arith.select %select_n3A_658, %abs3A_660, %broadcast_in_dim3A_662 : vector<16xi1>, vector<16xf32>
      %select_n3A_664 = arith.select %le3A_432, %select_n3A_663, %scan3A_412 : vector<16xi1>, vector<16xf32>
      %select_n3A_665 = arith.select %le3A_432, %scan3A_420, %select_n3A_663 : vector<16xi1>, vector<16xf32>
      %ge3A_666 = arith.constant 0 : i32
      %ge3A_667 = vector.broadcast %ge3A_666 : i32 to vector<16xi32>
      %ge3A_668 = arith.cmpi sge, %select_n3A_491, %ge3A_667 : vector<16xi32>
      %lt3A_669 = arith.constant 16384 : i32
      %lt3A_670 = vector.broadcast %lt3A_669 : i32 to vector<16xi32>
      %lt3A_671 = arith.cmpi slt, %add3A_523, %lt3A_670 : vector<16xi32>
      %select_n3A_672 = arith.select %le3A_433, %ge3A_668, %lt3A_671 : vector<16xi1>, vector<16xi1>
      %sub3A_673 = arith.subf %get3A_77, %gather3A_581 : vector<16xf32>
      %abs3A_674 = math.absf %sub3A_673 : vector<16xf32>
      %jit3A_675 = arith.constant 3.400000e+38 : f32
      %broadcast_in_dim3A_676 = vector.broadcast %jit3A_675 : f32 to vector<16xf32>
      %select_n3A_677 = arith.select %select_n3A_672, %abs3A_674, %broadcast_in_dim3A_676 : vector<16xi1>, vector<16xf32>
      %select_n3A_678 = arith.select %le3A_433, %select_n3A_677, %scan3A_413 : vector<16xi1>, vector<16xf32>
      %select_n3A_679 = arith.select %le3A_433, %scan3A_421, %select_n3A_677 : vector<16xi1>, vector<16xf32>
      %ge3A_680 = arith.constant 0 : i32
      %ge3A_681 = vector.broadcast %ge3A_680 : i32 to vector<16xi32>
      %ge3A_682 = arith.cmpi sge, %select_n3A_495, %ge3A_681 : vector<16xi32>
      %lt3A_683 = arith.constant 16384 : i32
      %lt3A_684 = vector.broadcast %lt3A_683 : i32 to vector<16xi32>
      %lt3A_685 = arith.cmpi slt, %add3A_527, %lt3A_684 : vector<16xi32>
      %select_n3A_686 = arith.select %le3A_434, %ge3A_682, %lt3A_685 : vector<16xi1>, vector<16xi1>
      %sub3A_687 = arith.subf %get3A_79, %gather3A_588 : vector<16xf32>
      %abs3A_688 = math.absf %sub3A_687 : vector<16xf32>
      %jit3A_689 = arith.constant 3.400000e+38 : f32
      %broadcast_in_dim3A_690 = vector.broadcast %jit3A_689 : f32 to vector<16xf32>
      %select_n3A_691 = arith.select %select_n3A_686, %abs3A_688, %broadcast_in_dim3A_690 : vector<16xi1>, vector<16xf32>
      %select_n3A_692 = arith.select %le3A_434, %select_n3A_691, %scan3A_414 : vector<16xi1>, vector<16xf32>
      %select_n3A_693 = arith.select %le3A_434, %scan3A_422, %select_n3A_691 : vector<16xi1>, vector<16xf32>
      %ge3A_694 = arith.constant 0 : i32
      %ge3A_695 = vector.broadcast %ge3A_694 : i32 to vector<16xi32>
      %ge3A_696 = arith.cmpi sge, %select_n3A_499, %ge3A_695 : vector<16xi32>
      %lt3A_697 = arith.constant 16384 : i32
      %lt3A_698 = vector.broadcast %lt3A_697 : i32 to vector<16xi32>
      %lt3A_699 = arith.cmpi slt, %add3A_531, %lt3A_698 : vector<16xi32>
      %select_n3A_700 = arith.select %le3A_435, %ge3A_696, %lt3A_699 : vector<16xi1>, vector<16xi1>
      %sub3A_701 = arith.subf %get3A_81, %gather3A_595 : vector<16xf32>
      %abs3A_702 = math.absf %sub3A_701 : vector<16xf32>
      %jit3A_703 = arith.constant 3.400000e+38 : f32
      %broadcast_in_dim3A_704 = vector.broadcast %jit3A_703 : f32 to vector<16xf32>
      %select_n3A_705 = arith.select %select_n3A_700, %abs3A_702, %broadcast_in_dim3A_704 : vector<16xi1>, vector<16xf32>
      %select_n3A_706 = arith.select %le3A_435, %select_n3A_705, %scan3A_415 : vector<16xi1>, vector<16xf32>
      %select_n3A_707 = arith.select %le3A_435, %scan3A_423, %select_n3A_705 : vector<16xi1>, vector<16xf32>
      scf.yield %select_n3A_471, %select_n3A_475, %select_n3A_479, %select_n3A_483, %select_n3A_487, %select_n3A_491, %select_n3A_495, %select_n3A_499, %select_n3A_608, %select_n3A_622, %select_n3A_636, %select_n3A_650, %select_n3A_664, %select_n3A_678, %select_n3A_692, %select_n3A_706, %select_n3A_609, %select_n3A_623, %select_n3A_637, %select_n3A_651, %select_n3A_665, %select_n3A_679, %select_n3A_693, %select_n3A_707 : vector<16xi32>, vector<16xi32>, vector<16xi32>, vector<16xi32>, vector<16xi32>, vector<16xi32>, vector<16xi32>, vector<16xi32>, vector<16xf32>, vector<16xf32>, vector<16xf32>, vector<16xf32>, vector<16xf32>, vector<16xf32>, vector<16xf32>, vector<16xf32>, vector<16xf32>, vector<16xf32>, vector<16xf32>, vector<16xf32>, vector<16xf32>, vector<16xf32>, vector<16xf32>, vector<16xf32>
    }
    %scan3A_354 = arith.constant 7 : i32
    %broadcast_in_dim3A_355 = arith.constant 0 : i32
    %broadcast_in_dim3A_356 = vector.broadcast %broadcast_in_dim3A_355 : i32 to vector<16xi32>
    %add3A_357 = arith.constant 8 : i32
    %add3A_358 = vector.broadcast %add3A_357 : i32 to vector<16xi32>
    %add3A_359 = arith.addi %broadcast_in_dim3A_356, %add3A_358 : vector<16xi32>
    %add3A_360 = arith.constant 0 : i32
    %add3A_361 = vector.broadcast %add3A_360 : i32 to vector<16xi32>
    %add3A_362 = arith.addi %iota3A, %add3A_361 : vector<16xi32>
    %le3A = arith.cmpf ole, %scan3A_353#8, %scan3A_353#16 : vector<16xf32>
    %select_n3A_363 = arith.select %le3A, %scan3A_353#8, %scan3A_353#16 : vector<16xi1>, vector<16xf32>
    tpu.vector_store_idx %arg7[%add3A_362, %add3A_359], %select_n3A_363 : memref<128x9xf32, #tpu.memory_space<vmem>>[vector<16xi32>, vector<16xi32>], vector<16xf32>,
    %add3A_364 = arith.constant 16 : i32
    %add3A_365 = vector.broadcast %add3A_364 : i32 to vector<16xi32>
    %add3A_366 = arith.addi %iota3A, %add3A_365 : vector<16xi32>
    %le3A_367 = arith.cmpf ole, %scan3A_353#9, %scan3A_353#17 : vector<16xf32>
    %select_n3A_368 = arith.select %le3A_367, %scan3A_353#9, %scan3A_353#17 : vector<16xi1>, vector<16xf32>
    tpu.vector_store_idx %arg7[%add3A_366, %add3A_359], %select_n3A_368 : memref<128x9xf32, #tpu.memory_space<vmem>>[vector<16xi32>, vector<16xi32>], vector<16xf32>,
    %add3A_369 = arith.constant 32 : i32
    %add3A_370 = vector.broadcast %add3A_369 : i32 to vector<16xi32>
    %add3A_371 = arith.addi %iota3A, %add3A_370 : vector<16xi32>
    %le3A_372 = arith.cmpf ole, %scan3A_353#10, %scan3A_353#18 : vector<16xf32>
    %select_n3A_373 = arith.select %le3A_372, %scan3A_353#10, %scan3A_353#18 : vector<16xi1>, vector<16xf32>
    tpu.vector_store_idx %arg7[%add3A_371, %add3A_359], %select_n3A_373 : memref<128x9xf32, #tpu.memory_space<vmem>>[vector<16xi32>, vector<16xi32>], vector<16xf32>,
    %add3A_374 = arith.constant 48 : i32
    %add3A_375 = vector.broadcast %add3A_374 : i32 to vector<16xi32>
    %add3A_376 = arith.addi %iota3A, %add3A_375 : vector<16xi32>
    %le3A_377 = arith.cmpf ole, %scan3A_353#11, %scan3A_353#19 : vector<16xf32>
    %select_n3A_378 = arith.select %le3A_377, %scan3A_353#11, %scan3A_353#19 : vector<16xi1>, vector<16xf32>
    tpu.vector_store_idx %arg7[%add3A_376, %add3A_359], %select_n3A_378 : memref<128x9xf32, #tpu.memory_space<vmem>>[vector<16xi32>, vector<16xi32>], vector<16xf32>,
    %add3A_379 = arith.constant 64 : i32
    %add3A_380 = vector.broadcast %add3A_379 : i32 to vector<16xi32>
    %add3A_381 = arith.addi %iota3A, %add3A_380 : vector<16xi32>
    %le3A_382 = arith.cmpf ole, %scan3A_353#12, %scan3A_353#20 : vector<16xf32>
    %select_n3A_383 = arith.select %le3A_382, %scan3A_353#12, %scan3A_353#20 : vector<16xi1>, vector<16xf32>
    tpu.vector_store_idx %arg7[%add3A_381, %add3A_359], %select_n3A_383 : memref<128x9xf32, #tpu.memory_space<vmem>>[vector<16xi32>, vector<16xi32>], vector<16xf32>,
    %add3A_384 = arith.constant 80 : i32
    %add3A_385 = vector.broadcast %add3A_384 : i32 to vector<16xi32>
    %add3A_386 = arith.addi %iota3A, %add3A_385 : vector<16xi32>
    %le3A_387 = arith.cmpf ole, %scan3A_353#13, %scan3A_353#21 : vector<16xf32>
    %select_n3A_388 = arith.select %le3A_387, %scan3A_353#13, %scan3A_353#21 : vector<16xi1>, vector<16xf32>
    tpu.vector_store_idx %arg7[%add3A_386, %add3A_359], %select_n3A_388 : memref<128x9xf32, #tpu.memory_space<vmem>>[vector<16xi32>, vector<16xi32>], vector<16xf32>,
    %add3A_389 = arith.constant 96 : i32
    %add3A_390 = vector.broadcast %add3A_389 : i32 to vector<16xi32>
    %add3A_391 = arith.addi %iota3A, %add3A_390 : vector<16xi32>
    %le3A_392 = arith.cmpf ole, %scan3A_353#14, %scan3A_353#22 : vector<16xf32>
    %select_n3A_393 = arith.select %le3A_392, %scan3A_353#14, %scan3A_353#22 : vector<16xi1>, vector<16xf32>
    tpu.vector_store_idx %arg7[%add3A_391, %add3A_359], %select_n3A_393 : memref<128x9xf32, #tpu.memory_space<vmem>>[vector<16xi32>, vector<16xi32>], vector<16xf32>,
    %add3A_394 = arith.constant 112 : i32
    %add3A_395 = vector.broadcast %add3A_394 : i32 to vector<16xi32>
    %add3A_396 = arith.addi %iota3A, %add3A_395 : vector<16xi32>
    %le3A_397 = arith.cmpf ole, %scan3A_353#15, %scan3A_353#23 : vector<16xf32>
    %select_n3A_398 = arith.select %le3A_397, %scan3A_353#15, %scan3A_353#23 : vector<16xi1>, vector<16xf32>
    tpu.vector_store_idx %arg7[%add3A_396, %add3A_359], %select_n3A_398 : memref<128x9xf32, #tpu.memory_space<vmem>>[vector<16xi32>, vector<16xi32>], vector<16xf32>,
    "tpu.region"() ({
      %run_scoped3A = tpu.sem_alloc : memref<!tpu.dma_semaphore, #tpu.memory_space<semaphore_mem>>
      %dma_start3A_399 = arith.constant 0 : i32
      %dma_start3A_400 = tpu.memref_slice %arg4[%mul3A_2, %dma_start3A_399] : memref<4096x9xf32, #tpu.memory_space<hbm>> -> memref<128x9xf32, #tpu.memory_space<hbm>>
      %dma_start3A_401 = arith.constant 0 : i32
      %dma_start3A_402 = tpu.memref_slice %arg4[%mul3A_2, %dma_start3A_401] : memref<4096x9xf32, #tpu.memory_space<hbm>> -> memref<128x9xf32, #tpu.memory_space<hbm>>
      tpu.enqueue_dma source(%arg7 : memref<128x9xf32, #tpu.memory_space<vmem>>) target(%dma_start3A_402 : memref<128x9xf32, #tpu.memory_space<hbm>>) target_semaphore(%run_scoped3A : memref<!tpu.dma_semaphore, #tpu.memory_space<semaphore_mem>>)
      %dma_wait3A_403 = arith.constant 0 : i32
      %dma_wait3A_404 = tpu.memref_slice %arg4[%mul3A_2, %dma_wait3A_403] : memref<4096x9xf32, #tpu.memory_space<hbm>> -> memref<128x9xf32, #tpu.memory_space<hbm>>
      %dma_wait3A_405 = arith.constant 0 : i32
      %dma_wait3A_406 = tpu.memref_slice %arg4[%mul3A_2, %dma_wait3A_405] : memref<4096x9xf32, #tpu.memory_space<hbm>> -> memref<128x9xf32, #tpu.memory_space<hbm>>
      tpu.wait_dma2 semaphore(%run_scoped3A : memref<!tpu.dma_semaphore, #tpu.memory_space<semaphore_mem>>) src(%arg7 : memref<128x9xf32, #tpu.memory_space<vmem>>) dst(%dma_wait3A_406 : memref<128x9xf32, #tpu.memory_space<hbm>>)
      tpu.yield
    }) : () -> ()
    return
  }
}

module attributes {stable_mosaic.version = 14 : i64} {
  func.func @_bitonic_sort_body(%arg0: memref<128x128xf32, #tpu.memory_space<vmem>>, %arg1: memref<128x128xf32, #tpu.memory_space<vmem>>) attributes {dimension_semantics = [], scalar_prefetch = 0 : i64, scratch_operands = 0 : i64, tpu.core_type = #tpu.core_type<tc>} {
    %get3A = arith.constant 0 : index
    %get3A_0 = arith.constant 0 : index
    %get3A_1 = vector.load %arg0[%get3A, %get3A_0] : memref<128x128xf32, #tpu.memory_space<vmem>>, vector<128x128xf32>
    %iota3A = tpu.iota {dimensions = array<i32: 0>} : vector<128x128xi32>
    %iota3A_2 = tpu.iota {dimensions = array<i32: 1>} : vector<128x128xi32>
    %mul3A = arith.constant 128 : i32
    %mul3A_3 = vector.broadcast %mul3A : i32 to vector<128x128xi32>
    %mul3A_4 = arith.muli %iota3A_2, %mul3A_3 : vector<128x128xi32>
    %add3A = arith.addi %mul3A_4, %iota3A : vector<128x128xi32>
    %and3A = arith.constant 2 : i32
    %and3A_5 = vector.broadcast %and3A : i32 to vector<128x128xi32>
    %and3A_6 = arith.andi %add3A, %and3A_5 : vector<128x128xi32>
    %ne3A = arith.constant 0 : i32
    %ne3A_7 = vector.broadcast %ne3A : i32 to vector<128x128xi32>
    %ne3A_8 = arith.cmpi ne, %and3A_6, %ne3A_7 : vector<128x128xi32>
    %and3A_9 = arith.constant 1 : i32
    %and3A_10 = vector.broadcast %and3A_9 : i32 to vector<128x128xi32>
    %and3A_11 = arith.andi %add3A, %and3A_10 : vector<128x128xi32>
    %ne3A_12 = arith.constant 0 : i32
    %ne3A_13 = vector.broadcast %ne3A_12 : i32 to vector<128x128xi32>
    %ne3A_14 = arith.cmpi ne, %and3A_11, %ne3A_13 : vector<128x128xi32>
    %slice3A = vector.extract_strided_slice %get3A_1 {offsets = [1, 0], sizes = [127, 128], strides = [1, 1]} : vector<128x128xf32> to vector<127x128xf32>
    %slice3A_15 = vector.extract_strided_slice %get3A_1 {offsets = [0, 0], sizes = [1, 128], strides = [1, 1]} : vector<128x128xf32> to vector<1x128xf32>
    %concatenate3A = tpu.concatenate %slice3A, %slice3A_15 in 0 : vector<127x128xf32>, vector<1x128xf32> -> vector<128x128xf32>
    %slice3A_16 = vector.extract_strided_slice %get3A_1 {offsets = [127, 0], sizes = [1, 128], strides = [1, 1]} : vector<128x128xf32> to vector<1x128xf32>
    %slice3A_17 = vector.extract_strided_slice %get3A_1 {offsets = [0, 0], sizes = [127, 128], strides = [1, 1]} : vector<128x128xf32> to vector<127x128xf32>
    %concatenate3A_18 = tpu.concatenate %slice3A_16, %slice3A_17 in 0 : vector<1x128xf32>, vector<127x128xf32> -> vector<128x128xf32>
    %select_n3A = arith.select %ne3A_14, %concatenate3A_18, %concatenate3A : vector<128x128xi1>, vector<128x128xf32>
    %min3A = arith.minimumf %get3A_1, %select_n3A : vector<128x128xf32>
    %max3A = arith.maximumf %get3A_1, %select_n3A : vector<128x128xf32>
    %ne3A_19 = arith.xori %ne3A_14, %ne3A_8 : vector<128x128xi1>
    %select_n3A_20 = arith.select %ne3A_19, %max3A, %min3A : vector<128x128xi1>, vector<128x128xf32>
    %and3A_21 = arith.constant 4 : i32
    %and3A_22 = vector.broadcast %and3A_21 : i32 to vector<128x128xi32>
    %and3A_23 = arith.andi %add3A, %and3A_22 : vector<128x128xi32>
    %ne3A_24 = arith.constant 0 : i32
    %ne3A_25 = vector.broadcast %ne3A_24 : i32 to vector<128x128xi32>
    %ne3A_26 = arith.cmpi ne, %and3A_23, %ne3A_25 : vector<128x128xi32>
    %and3A_27 = arith.constant 2 : i32
    %and3A_28 = vector.broadcast %and3A_27 : i32 to vector<128x128xi32>
    %and3A_29 = arith.andi %add3A, %and3A_28 : vector<128x128xi32>
    %ne3A_30 = arith.constant 0 : i32
    %ne3A_31 = vector.broadcast %ne3A_30 : i32 to vector<128x128xi32>
    %ne3A_32 = arith.cmpi ne, %and3A_29, %ne3A_31 : vector<128x128xi32>
    %slice3A_33 = vector.extract_strided_slice %select_n3A_20 {offsets = [2, 0], sizes = [126, 128], strides = [1, 1]} : vector<128x128xf32> to vector<126x128xf32>
    %slice3A_34 = vector.extract_strided_slice %select_n3A_20 {offsets = [0, 0], sizes = [2, 128], strides = [1, 1]} : vector<128x128xf32> to vector<2x128xf32>
    %concatenate3A_35 = tpu.concatenate %slice3A_33, %slice3A_34 in 0 : vector<126x128xf32>, vector<2x128xf32> -> vector<128x128xf32>
    %slice3A_36 = vector.extract_strided_slice %select_n3A_20 {offsets = [126, 0], sizes = [2, 128], strides = [1, 1]} : vector<128x128xf32> to vector<2x128xf32>
    %slice3A_37 = vector.extract_strided_slice %select_n3A_20 {offsets = [0, 0], sizes = [126, 128], strides = [1, 1]} : vector<128x128xf32> to vector<126x128xf32>
    %concatenate3A_38 = tpu.concatenate %slice3A_36, %slice3A_37 in 0 : vector<2x128xf32>, vector<126x128xf32> -> vector<128x128xf32>
    %select_n3A_39 = arith.select %ne3A_32, %concatenate3A_38, %concatenate3A_35 : vector<128x128xi1>, vector<128x128xf32>
    %min3A_40 = arith.minimumf %select_n3A_20, %select_n3A_39 : vector<128x128xf32>
    %max3A_41 = arith.maximumf %select_n3A_20, %select_n3A_39 : vector<128x128xf32>
    %ne3A_42 = arith.xori %ne3A_32, %ne3A_26 : vector<128x128xi1>
    %select_n3A_43 = arith.select %ne3A_42, %max3A_41, %min3A_40 : vector<128x128xi1>, vector<128x128xf32>
    %and3A_44 = arith.constant 1 : i32
    %and3A_45 = vector.broadcast %and3A_44 : i32 to vector<128x128xi32>
    %and3A_46 = arith.andi %add3A, %and3A_45 : vector<128x128xi32>
    %ne3A_47 = arith.constant 0 : i32
    %ne3A_48 = vector.broadcast %ne3A_47 : i32 to vector<128x128xi32>
    %ne3A_49 = arith.cmpi ne, %and3A_46, %ne3A_48 : vector<128x128xi32>
    %slice3A_50 = vector.extract_strided_slice %select_n3A_43 {offsets = [1, 0], sizes = [127, 128], strides = [1, 1]} : vector<128x128xf32> to vector<127x128xf32>
    %slice3A_51 = vector.extract_strided_slice %select_n3A_43 {offsets = [0, 0], sizes = [1, 128], strides = [1, 1]} : vector<128x128xf32> to vector<1x128xf32>
    %concatenate3A_52 = tpu.concatenate %slice3A_50, %slice3A_51 in 0 : vector<127x128xf32>, vector<1x128xf32> -> vector<128x128xf32>
    %slice3A_53 = vector.extract_strided_slice %select_n3A_43 {offsets = [127, 0], sizes = [1, 128], strides = [1, 1]} : vector<128x128xf32> to vector<1x128xf32>
    %slice3A_54 = vector.extract_strided_slice %select_n3A_43 {offsets = [0, 0], sizes = [127, 128], strides = [1, 1]} : vector<128x128xf32> to vector<127x128xf32>
    %concatenate3A_55 = tpu.concatenate %slice3A_53, %slice3A_54 in 0 : vector<1x128xf32>, vector<127x128xf32> -> vector<128x128xf32>
    %select_n3A_56 = arith.select %ne3A_49, %concatenate3A_55, %concatenate3A_52 : vector<128x128xi1>, vector<128x128xf32>
    %min3A_57 = arith.minimumf %select_n3A_43, %select_n3A_56 : vector<128x128xf32>
    %max3A_58 = arith.maximumf %select_n3A_43, %select_n3A_56 : vector<128x128xf32>
    %ne3A_59 = arith.xori %ne3A_49, %ne3A_26 : vector<128x128xi1>
    %select_n3A_60 = arith.select %ne3A_59, %max3A_58, %min3A_57 : vector<128x128xi1>, vector<128x128xf32>
    %and3A_61 = arith.constant 8 : i32
    %and3A_62 = vector.broadcast %and3A_61 : i32 to vector<128x128xi32>
    %and3A_63 = arith.andi %add3A, %and3A_62 : vector<128x128xi32>
    %ne3A_64 = arith.constant 0 : i32
    %ne3A_65 = vector.broadcast %ne3A_64 : i32 to vector<128x128xi32>
    %ne3A_66 = arith.cmpi ne, %and3A_63, %ne3A_65 : vector<128x128xi32>
    %and3A_67 = arith.constant 4 : i32
    %and3A_68 = vector.broadcast %and3A_67 : i32 to vector<128x128xi32>
    %and3A_69 = arith.andi %add3A, %and3A_68 : vector<128x128xi32>
    %ne3A_70 = arith.constant 0 : i32
    %ne3A_71 = vector.broadcast %ne3A_70 : i32 to vector<128x128xi32>
    %ne3A_72 = arith.cmpi ne, %and3A_69, %ne3A_71 : vector<128x128xi32>
    %slice3A_73 = vector.extract_strided_slice %select_n3A_60 {offsets = [4, 0], sizes = [124, 128], strides = [1, 1]} : vector<128x128xf32> to vector<124x128xf32>
    %slice3A_74 = vector.extract_strided_slice %select_n3A_60 {offsets = [0, 0], sizes = [4, 128], strides = [1, 1]} : vector<128x128xf32> to vector<4x128xf32>
    %concatenate3A_75 = tpu.concatenate %slice3A_73, %slice3A_74 in 0 : vector<124x128xf32>, vector<4x128xf32> -> vector<128x128xf32>
    %slice3A_76 = vector.extract_strided_slice %select_n3A_60 {offsets = [124, 0], sizes = [4, 128], strides = [1, 1]} : vector<128x128xf32> to vector<4x128xf32>
    %slice3A_77 = vector.extract_strided_slice %select_n3A_60 {offsets = [0, 0], sizes = [124, 128], strides = [1, 1]} : vector<128x128xf32> to vector<124x128xf32>
    %concatenate3A_78 = tpu.concatenate %slice3A_76, %slice3A_77 in 0 : vector<4x128xf32>, vector<124x128xf32> -> vector<128x128xf32>
    %select_n3A_79 = arith.select %ne3A_72, %concatenate3A_78, %concatenate3A_75 : vector<128x128xi1>, vector<128x128xf32>
    %min3A_80 = arith.minimumf %select_n3A_60, %select_n3A_79 : vector<128x128xf32>
    %max3A_81 = arith.maximumf %select_n3A_60, %select_n3A_79 : vector<128x128xf32>
    %ne3A_82 = arith.xori %ne3A_72, %ne3A_66 : vector<128x128xi1>
    %select_n3A_83 = arith.select %ne3A_82, %max3A_81, %min3A_80 : vector<128x128xi1>, vector<128x128xf32>
    %and3A_84 = arith.constant 2 : i32
    %and3A_85 = vector.broadcast %and3A_84 : i32 to vector<128x128xi32>
    %and3A_86 = arith.andi %add3A, %and3A_85 : vector<128x128xi32>
    %ne3A_87 = arith.constant 0 : i32
    %ne3A_88 = vector.broadcast %ne3A_87 : i32 to vector<128x128xi32>
    %ne3A_89 = arith.cmpi ne, %and3A_86, %ne3A_88 : vector<128x128xi32>
    %slice3A_90 = vector.extract_strided_slice %select_n3A_83 {offsets = [2, 0], sizes = [126, 128], strides = [1, 1]} : vector<128x128xf32> to vector<126x128xf32>
    %slice3A_91 = vector.extract_strided_slice %select_n3A_83 {offsets = [0, 0], sizes = [2, 128], strides = [1, 1]} : vector<128x128xf32> to vector<2x128xf32>
    %concatenate3A_92 = tpu.concatenate %slice3A_90, %slice3A_91 in 0 : vector<126x128xf32>, vector<2x128xf32> -> vector<128x128xf32>
    %slice3A_93 = vector.extract_strided_slice %select_n3A_83 {offsets = [126, 0], sizes = [2, 128], strides = [1, 1]} : vector<128x128xf32> to vector<2x128xf32>
    %slice3A_94 = vector.extract_strided_slice %select_n3A_83 {offsets = [0, 0], sizes = [126, 128], strides = [1, 1]} : vector<128x128xf32> to vector<126x128xf32>
    %concatenate3A_95 = tpu.concatenate %slice3A_93, %slice3A_94 in 0 : vector<2x128xf32>, vector<126x128xf32> -> vector<128x128xf32>
    %select_n3A_96 = arith.select %ne3A_89, %concatenate3A_95, %concatenate3A_92 : vector<128x128xi1>, vector<128x128xf32>
    %min3A_97 = arith.minimumf %select_n3A_83, %select_n3A_96 : vector<128x128xf32>
    %max3A_98 = arith.maximumf %select_n3A_83, %select_n3A_96 : vector<128x128xf32>
    %ne3A_99 = arith.xori %ne3A_89, %ne3A_66 : vector<128x128xi1>
    %select_n3A_100 = arith.select %ne3A_99, %max3A_98, %min3A_97 : vector<128x128xi1>, vector<128x128xf32>
    %and3A_101 = arith.constant 1 : i32
    %and3A_102 = vector.broadcast %and3A_101 : i32 to vector<128x128xi32>
    %and3A_103 = arith.andi %add3A, %and3A_102 : vector<128x128xi32>
    %ne3A_104 = arith.constant 0 : i32
    %ne3A_105 = vector.broadcast %ne3A_104 : i32 to vector<128x128xi32>
    %ne3A_106 = arith.cmpi ne, %and3A_103, %ne3A_105 : vector<128x128xi32>
    %slice3A_107 = vector.extract_strided_slice %select_n3A_100 {offsets = [1, 0], sizes = [127, 128], strides = [1, 1]} : vector<128x128xf32> to vector<127x128xf32>
    %slice3A_108 = vector.extract_strided_slice %select_n3A_100 {offsets = [0, 0], sizes = [1, 128], strides = [1, 1]} : vector<128x128xf32> to vector<1x128xf32>
    %concatenate3A_109 = tpu.concatenate %slice3A_107, %slice3A_108 in 0 : vector<127x128xf32>, vector<1x128xf32> -> vector<128x128xf32>
    %slice3A_110 = vector.extract_strided_slice %select_n3A_100 {offsets = [127, 0], sizes = [1, 128], strides = [1, 1]} : vector<128x128xf32> to vector<1x128xf32>
    %slice3A_111 = vector.extract_strided_slice %select_n3A_100 {offsets = [0, 0], sizes = [127, 128], strides = [1, 1]} : vector<128x128xf32> to vector<127x128xf32>
    %concatenate3A_112 = tpu.concatenate %slice3A_110, %slice3A_111 in 0 : vector<1x128xf32>, vector<127x128xf32> -> vector<128x128xf32>
    %select_n3A_113 = arith.select %ne3A_106, %concatenate3A_112, %concatenate3A_109 : vector<128x128xi1>, vector<128x128xf32>
    %min3A_114 = arith.minimumf %select_n3A_100, %select_n3A_113 : vector<128x128xf32>
    %max3A_115 = arith.maximumf %select_n3A_100, %select_n3A_113 : vector<128x128xf32>
    %ne3A_116 = arith.xori %ne3A_106, %ne3A_66 : vector<128x128xi1>
    %select_n3A_117 = arith.select %ne3A_116, %max3A_115, %min3A_114 : vector<128x128xi1>, vector<128x128xf32>
    %and3A_118 = arith.constant 16 : i32
    %and3A_119 = vector.broadcast %and3A_118 : i32 to vector<128x128xi32>
    %and3A_120 = arith.andi %add3A, %and3A_119 : vector<128x128xi32>
    %ne3A_121 = arith.constant 0 : i32
    %ne3A_122 = vector.broadcast %ne3A_121 : i32 to vector<128x128xi32>
    %ne3A_123 = arith.cmpi ne, %and3A_120, %ne3A_122 : vector<128x128xi32>
    %and3A_124 = arith.constant 8 : i32
    %and3A_125 = vector.broadcast %and3A_124 : i32 to vector<128x128xi32>
    %and3A_126 = arith.andi %add3A, %and3A_125 : vector<128x128xi32>
    %ne3A_127 = arith.constant 0 : i32
    %ne3A_128 = vector.broadcast %ne3A_127 : i32 to vector<128x128xi32>
    %ne3A_129 = arith.cmpi ne, %and3A_126, %ne3A_128 : vector<128x128xi32>
    %slice3A_130 = vector.extract_strided_slice %select_n3A_117 {offsets = [8, 0], sizes = [120, 128], strides = [1, 1]} : vector<128x128xf32> to vector<120x128xf32>
    %slice3A_131 = vector.extract_strided_slice %select_n3A_117 {offsets = [0, 0], sizes = [8, 128], strides = [1, 1]} : vector<128x128xf32> to vector<8x128xf32>
    %concatenate3A_132 = tpu.concatenate %slice3A_130, %slice3A_131 in 0 : vector<120x128xf32>, vector<8x128xf32> -> vector<128x128xf32>
    %slice3A_133 = vector.extract_strided_slice %select_n3A_117 {offsets = [120, 0], sizes = [8, 128], strides = [1, 1]} : vector<128x128xf32> to vector<8x128xf32>
    %slice3A_134 = vector.extract_strided_slice %select_n3A_117 {offsets = [0, 0], sizes = [120, 128], strides = [1, 1]} : vector<128x128xf32> to vector<120x128xf32>
    %concatenate3A_135 = tpu.concatenate %slice3A_133, %slice3A_134 in 0 : vector<8x128xf32>, vector<120x128xf32> -> vector<128x128xf32>
    %select_n3A_136 = arith.select %ne3A_129, %concatenate3A_135, %concatenate3A_132 : vector<128x128xi1>, vector<128x128xf32>
    %min3A_137 = arith.minimumf %select_n3A_117, %select_n3A_136 : vector<128x128xf32>
    %max3A_138 = arith.maximumf %select_n3A_117, %select_n3A_136 : vector<128x128xf32>
    %ne3A_139 = arith.xori %ne3A_129, %ne3A_123 : vector<128x128xi1>
    %select_n3A_140 = arith.select %ne3A_139, %max3A_138, %min3A_137 : vector<128x128xi1>, vector<128x128xf32>
    %and3A_141 = arith.constant 4 : i32
    %and3A_142 = vector.broadcast %and3A_141 : i32 to vector<128x128xi32>
    %and3A_143 = arith.andi %add3A, %and3A_142 : vector<128x128xi32>
    %ne3A_144 = arith.constant 0 : i32
    %ne3A_145 = vector.broadcast %ne3A_144 : i32 to vector<128x128xi32>
    %ne3A_146 = arith.cmpi ne, %and3A_143, %ne3A_145 : vector<128x128xi32>
    %slice3A_147 = vector.extract_strided_slice %select_n3A_140 {offsets = [4, 0], sizes = [124, 128], strides = [1, 1]} : vector<128x128xf32> to vector<124x128xf32>
    %slice3A_148 = vector.extract_strided_slice %select_n3A_140 {offsets = [0, 0], sizes = [4, 128], strides = [1, 1]} : vector<128x128xf32> to vector<4x128xf32>
    %concatenate3A_149 = tpu.concatenate %slice3A_147, %slice3A_148 in 0 : vector<124x128xf32>, vector<4x128xf32> -> vector<128x128xf32>
    %slice3A_150 = vector.extract_strided_slice %select_n3A_140 {offsets = [124, 0], sizes = [4, 128], strides = [1, 1]} : vector<128x128xf32> to vector<4x128xf32>
    %slice3A_151 = vector.extract_strided_slice %select_n3A_140 {offsets = [0, 0], sizes = [124, 128], strides = [1, 1]} : vector<128x128xf32> to vector<124x128xf32>
    %concatenate3A_152 = tpu.concatenate %slice3A_150, %slice3A_151 in 0 : vector<4x128xf32>, vector<124x128xf32> -> vector<128x128xf32>
    %select_n3A_153 = arith.select %ne3A_146, %concatenate3A_152, %concatenate3A_149 : vector<128x128xi1>, vector<128x128xf32>
    %min3A_154 = arith.minimumf %select_n3A_140, %select_n3A_153 : vector<128x128xf32>
    %max3A_155 = arith.maximumf %select_n3A_140, %select_n3A_153 : vector<128x128xf32>
    %ne3A_156 = arith.xori %ne3A_146, %ne3A_123 : vector<128x128xi1>
    %select_n3A_157 = arith.select %ne3A_156, %max3A_155, %min3A_154 : vector<128x128xi1>, vector<128x128xf32>
    %and3A_158 = arith.constant 2 : i32
    %and3A_159 = vector.broadcast %and3A_158 : i32 to vector<128x128xi32>
    %and3A_160 = arith.andi %add3A, %and3A_159 : vector<128x128xi32>
    %ne3A_161 = arith.constant 0 : i32
    %ne3A_162 = vector.broadcast %ne3A_161 : i32 to vector<128x128xi32>
    %ne3A_163 = arith.cmpi ne, %and3A_160, %ne3A_162 : vector<128x128xi32>
    %slice3A_164 = vector.extract_strided_slice %select_n3A_157 {offsets = [2, 0], sizes = [126, 128], strides = [1, 1]} : vector<128x128xf32> to vector<126x128xf32>
    %slice3A_165 = vector.extract_strided_slice %select_n3A_157 {offsets = [0, 0], sizes = [2, 128], strides = [1, 1]} : vector<128x128xf32> to vector<2x128xf32>
    %concatenate3A_166 = tpu.concatenate %slice3A_164, %slice3A_165 in 0 : vector<126x128xf32>, vector<2x128xf32> -> vector<128x128xf32>
    %slice3A_167 = vector.extract_strided_slice %select_n3A_157 {offsets = [126, 0], sizes = [2, 128], strides = [1, 1]} : vector<128x128xf32> to vector<2x128xf32>
    %slice3A_168 = vector.extract_strided_slice %select_n3A_157 {offsets = [0, 0], sizes = [126, 128], strides = [1, 1]} : vector<128x128xf32> to vector<126x128xf32>
    %concatenate3A_169 = tpu.concatenate %slice3A_167, %slice3A_168 in 0 : vector<2x128xf32>, vector<126x128xf32> -> vector<128x128xf32>
    %select_n3A_170 = arith.select %ne3A_163, %concatenate3A_169, %concatenate3A_166 : vector<128x128xi1>, vector<128x128xf32>
    %min3A_171 = arith.minimumf %select_n3A_157, %select_n3A_170 : vector<128x128xf32>
    %max3A_172 = arith.maximumf %select_n3A_157, %select_n3A_170 : vector<128x128xf32>
    %ne3A_173 = arith.xori %ne3A_163, %ne3A_123 : vector<128x128xi1>
    %select_n3A_174 = arith.select %ne3A_173, %max3A_172, %min3A_171 : vector<128x128xi1>, vector<128x128xf32>
    %and3A_175 = arith.constant 1 : i32
    %and3A_176 = vector.broadcast %and3A_175 : i32 to vector<128x128xi32>
    %and3A_177 = arith.andi %add3A, %and3A_176 : vector<128x128xi32>
    %ne3A_178 = arith.constant 0 : i32
    %ne3A_179 = vector.broadcast %ne3A_178 : i32 to vector<128x128xi32>
    %ne3A_180 = arith.cmpi ne, %and3A_177, %ne3A_179 : vector<128x128xi32>
    %slice3A_181 = vector.extract_strided_slice %select_n3A_174 {offsets = [1, 0], sizes = [127, 128], strides = [1, 1]} : vector<128x128xf32> to vector<127x128xf32>
    %slice3A_182 = vector.extract_strided_slice %select_n3A_174 {offsets = [0, 0], sizes = [1, 128], strides = [1, 1]} : vector<128x128xf32> to vector<1x128xf32>
    %concatenate3A_183 = tpu.concatenate %slice3A_181, %slice3A_182 in 0 : vector<127x128xf32>, vector<1x128xf32> -> vector<128x128xf32>
    %slice3A_184 = vector.extract_strided_slice %select_n3A_174 {offsets = [127, 0], sizes = [1, 128], strides = [1, 1]} : vector<128x128xf32> to vector<1x128xf32>
    %slice3A_185 = vector.extract_strided_slice %select_n3A_174 {offsets = [0, 0], sizes = [127, 128], strides = [1, 1]} : vector<128x128xf32> to vector<127x128xf32>
    %concatenate3A_186 = tpu.concatenate %slice3A_184, %slice3A_185 in 0 : vector<1x128xf32>, vector<127x128xf32> -> vector<128x128xf32>
    %select_n3A_187 = arith.select %ne3A_180, %concatenate3A_186, %concatenate3A_183 : vector<128x128xi1>, vector<128x128xf32>
    %min3A_188 = arith.minimumf %select_n3A_174, %select_n3A_187 : vector<128x128xf32>
    %max3A_189 = arith.maximumf %select_n3A_174, %select_n3A_187 : vector<128x128xf32>
    %ne3A_190 = arith.xori %ne3A_180, %ne3A_123 : vector<128x128xi1>
    %select_n3A_191 = arith.select %ne3A_190, %max3A_189, %min3A_188 : vector<128x128xi1>, vector<128x128xf32>
    %and3A_192 = arith.constant 32 : i32
    %and3A_193 = vector.broadcast %and3A_192 : i32 to vector<128x128xi32>
    %and3A_194 = arith.andi %add3A, %and3A_193 : vector<128x128xi32>
    %ne3A_195 = arith.constant 0 : i32
    %ne3A_196 = vector.broadcast %ne3A_195 : i32 to vector<128x128xi32>
    %ne3A_197 = arith.cmpi ne, %and3A_194, %ne3A_196 : vector<128x128xi32>
    %and3A_198 = arith.constant 16 : i32
    %and3A_199 = vector.broadcast %and3A_198 : i32 to vector<128x128xi32>
    %and3A_200 = arith.andi %add3A, %and3A_199 : vector<128x128xi32>
    %ne3A_201 = arith.constant 0 : i32
    %ne3A_202 = vector.broadcast %ne3A_201 : i32 to vector<128x128xi32>
    %ne3A_203 = arith.cmpi ne, %and3A_200, %ne3A_202 : vector<128x128xi32>
    %slice3A_204 = vector.extract_strided_slice %select_n3A_191 {offsets = [16, 0], sizes = [112, 128], strides = [1, 1]} : vector<128x128xf32> to vector<112x128xf32>
    %slice3A_205 = vector.extract_strided_slice %select_n3A_191 {offsets = [0, 0], sizes = [16, 128], strides = [1, 1]} : vector<128x128xf32> to vector<16x128xf32>
    %concatenate3A_206 = tpu.concatenate %slice3A_204, %slice3A_205 in 0 : vector<112x128xf32>, vector<16x128xf32> -> vector<128x128xf32>
    %slice3A_207 = vector.extract_strided_slice %select_n3A_191 {offsets = [112, 0], sizes = [16, 128], strides = [1, 1]} : vector<128x128xf32> to vector<16x128xf32>
    %slice3A_208 = vector.extract_strided_slice %select_n3A_191 {offsets = [0, 0], sizes = [112, 128], strides = [1, 1]} : vector<128x128xf32> to vector<112x128xf32>
    %concatenate3A_209 = tpu.concatenate %slice3A_207, %slice3A_208 in 0 : vector<16x128xf32>, vector<112x128xf32> -> vector<128x128xf32>
    %select_n3A_210 = arith.select %ne3A_203, %concatenate3A_209, %concatenate3A_206 : vector<128x128xi1>, vector<128x128xf32>
    %min3A_211 = arith.minimumf %select_n3A_191, %select_n3A_210 : vector<128x128xf32>
    %max3A_212 = arith.maximumf %select_n3A_191, %select_n3A_210 : vector<128x128xf32>
    %ne3A_213 = arith.xori %ne3A_203, %ne3A_197 : vector<128x128xi1>
    %select_n3A_214 = arith.select %ne3A_213, %max3A_212, %min3A_211 : vector<128x128xi1>, vector<128x128xf32>
    %and3A_215 = arith.constant 8 : i32
    %and3A_216 = vector.broadcast %and3A_215 : i32 to vector<128x128xi32>
    %and3A_217 = arith.andi %add3A, %and3A_216 : vector<128x128xi32>
    %ne3A_218 = arith.constant 0 : i32
    %ne3A_219 = vector.broadcast %ne3A_218 : i32 to vector<128x128xi32>
    %ne3A_220 = arith.cmpi ne, %and3A_217, %ne3A_219 : vector<128x128xi32>
    %slice3A_221 = vector.extract_strided_slice %select_n3A_214 {offsets = [8, 0], sizes = [120, 128], strides = [1, 1]} : vector<128x128xf32> to vector<120x128xf32>
    %slice3A_222 = vector.extract_strided_slice %select_n3A_214 {offsets = [0, 0], sizes = [8, 128], strides = [1, 1]} : vector<128x128xf32> to vector<8x128xf32>
    %concatenate3A_223 = tpu.concatenate %slice3A_221, %slice3A_222 in 0 : vector<120x128xf32>, vector<8x128xf32> -> vector<128x128xf32>
    %slice3A_224 = vector.extract_strided_slice %select_n3A_214 {offsets = [120, 0], sizes = [8, 128], strides = [1, 1]} : vector<128x128xf32> to vector<8x128xf32>
    %slice3A_225 = vector.extract_strided_slice %select_n3A_214 {offsets = [0, 0], sizes = [120, 128], strides = [1, 1]} : vector<128x128xf32> to vector<120x128xf32>
    %concatenate3A_226 = tpu.concatenate %slice3A_224, %slice3A_225 in 0 : vector<8x128xf32>, vector<120x128xf32> -> vector<128x128xf32>
    %select_n3A_227 = arith.select %ne3A_220, %concatenate3A_226, %concatenate3A_223 : vector<128x128xi1>, vector<128x128xf32>
    %min3A_228 = arith.minimumf %select_n3A_214, %select_n3A_227 : vector<128x128xf32>
    %max3A_229 = arith.maximumf %select_n3A_214, %select_n3A_227 : vector<128x128xf32>
    %ne3A_230 = arith.xori %ne3A_220, %ne3A_197 : vector<128x128xi1>
    %select_n3A_231 = arith.select %ne3A_230, %max3A_229, %min3A_228 : vector<128x128xi1>, vector<128x128xf32>
    %and3A_232 = arith.constant 4 : i32
    %and3A_233 = vector.broadcast %and3A_232 : i32 to vector<128x128xi32>
    %and3A_234 = arith.andi %add3A, %and3A_233 : vector<128x128xi32>
    %ne3A_235 = arith.constant 0 : i32
    %ne3A_236 = vector.broadcast %ne3A_235 : i32 to vector<128x128xi32>
    %ne3A_237 = arith.cmpi ne, %and3A_234, %ne3A_236 : vector<128x128xi32>
    %slice3A_238 = vector.extract_strided_slice %select_n3A_231 {offsets = [4, 0], sizes = [124, 128], strides = [1, 1]} : vector<128x128xf32> to vector<124x128xf32>
    %slice3A_239 = vector.extract_strided_slice %select_n3A_231 {offsets = [0, 0], sizes = [4, 128], strides = [1, 1]} : vector<128x128xf32> to vector<4x128xf32>
    %concatenate3A_240 = tpu.concatenate %slice3A_238, %slice3A_239 in 0 : vector<124x128xf32>, vector<4x128xf32> -> vector<128x128xf32>
    %slice3A_241 = vector.extract_strided_slice %select_n3A_231 {offsets = [124, 0], sizes = [4, 128], strides = [1, 1]} : vector<128x128xf32> to vector<4x128xf32>
    %slice3A_242 = vector.extract_strided_slice %select_n3A_231 {offsets = [0, 0], sizes = [124, 128], strides = [1, 1]} : vector<128x128xf32> to vector<124x128xf32>
    %concatenate3A_243 = tpu.concatenate %slice3A_241, %slice3A_242 in 0 : vector<4x128xf32>, vector<124x128xf32> -> vector<128x128xf32>
    %select_n3A_244 = arith.select %ne3A_237, %concatenate3A_243, %concatenate3A_240 : vector<128x128xi1>, vector<128x128xf32>
    %min3A_245 = arith.minimumf %select_n3A_231, %select_n3A_244 : vector<128x128xf32>
    %max3A_246 = arith.maximumf %select_n3A_231, %select_n3A_244 : vector<128x128xf32>
    %ne3A_247 = arith.xori %ne3A_237, %ne3A_197 : vector<128x128xi1>
    %select_n3A_248 = arith.select %ne3A_247, %max3A_246, %min3A_245 : vector<128x128xi1>, vector<128x128xf32>
    %and3A_249 = arith.constant 2 : i32
    %and3A_250 = vector.broadcast %and3A_249 : i32 to vector<128x128xi32>
    %and3A_251 = arith.andi %add3A, %and3A_250 : vector<128x128xi32>
    %ne3A_252 = arith.constant 0 : i32
    %ne3A_253 = vector.broadcast %ne3A_252 : i32 to vector<128x128xi32>
    %ne3A_254 = arith.cmpi ne, %and3A_251, %ne3A_253 : vector<128x128xi32>
    %slice3A_255 = vector.extract_strided_slice %select_n3A_248 {offsets = [2, 0], sizes = [126, 128], strides = [1, 1]} : vector<128x128xf32> to vector<126x128xf32>
    %slice3A_256 = vector.extract_strided_slice %select_n3A_248 {offsets = [0, 0], sizes = [2, 128], strides = [1, 1]} : vector<128x128xf32> to vector<2x128xf32>
    %concatenate3A_257 = tpu.concatenate %slice3A_255, %slice3A_256 in 0 : vector<126x128xf32>, vector<2x128xf32> -> vector<128x128xf32>
    %slice3A_258 = vector.extract_strided_slice %select_n3A_248 {offsets = [126, 0], sizes = [2, 128], strides = [1, 1]} : vector<128x128xf32> to vector<2x128xf32>
    %slice3A_259 = vector.extract_strided_slice %select_n3A_248 {offsets = [0, 0], sizes = [126, 128], strides = [1, 1]} : vector<128x128xf32> to vector<126x128xf32>
    %concatenate3A_260 = tpu.concatenate %slice3A_258, %slice3A_259 in 0 : vector<2x128xf32>, vector<126x128xf32> -> vector<128x128xf32>
    %select_n3A_261 = arith.select %ne3A_254, %concatenate3A_260, %concatenate3A_257 : vector<128x128xi1>, vector<128x128xf32>
    %min3A_262 = arith.minimumf %select_n3A_248, %select_n3A_261 : vector<128x128xf32>
    %max3A_263 = arith.maximumf %select_n3A_248, %select_n3A_261 : vector<128x128xf32>
    %ne3A_264 = arith.xori %ne3A_254, %ne3A_197 : vector<128x128xi1>
    %select_n3A_265 = arith.select %ne3A_264, %max3A_263, %min3A_262 : vector<128x128xi1>, vector<128x128xf32>
    %and3A_266 = arith.constant 1 : i32
    %and3A_267 = vector.broadcast %and3A_266 : i32 to vector<128x128xi32>
    %and3A_268 = arith.andi %add3A, %and3A_267 : vector<128x128xi32>
    %ne3A_269 = arith.constant 0 : i32
    %ne3A_270 = vector.broadcast %ne3A_269 : i32 to vector<128x128xi32>
    %ne3A_271 = arith.cmpi ne, %and3A_268, %ne3A_270 : vector<128x128xi32>
    %slice3A_272 = vector.extract_strided_slice %select_n3A_265 {offsets = [1, 0], sizes = [127, 128], strides = [1, 1]} : vector<128x128xf32> to vector<127x128xf32>
    %slice3A_273 = vector.extract_strided_slice %select_n3A_265 {offsets = [0, 0], sizes = [1, 128], strides = [1, 1]} : vector<128x128xf32> to vector<1x128xf32>
    %concatenate3A_274 = tpu.concatenate %slice3A_272, %slice3A_273 in 0 : vector<127x128xf32>, vector<1x128xf32> -> vector<128x128xf32>
    %slice3A_275 = vector.extract_strided_slice %select_n3A_265 {offsets = [127, 0], sizes = [1, 128], strides = [1, 1]} : vector<128x128xf32> to vector<1x128xf32>
    %slice3A_276 = vector.extract_strided_slice %select_n3A_265 {offsets = [0, 0], sizes = [127, 128], strides = [1, 1]} : vector<128x128xf32> to vector<127x128xf32>
    %concatenate3A_277 = tpu.concatenate %slice3A_275, %slice3A_276 in 0 : vector<1x128xf32>, vector<127x128xf32> -> vector<128x128xf32>
    %select_n3A_278 = arith.select %ne3A_271, %concatenate3A_277, %concatenate3A_274 : vector<128x128xi1>, vector<128x128xf32>
    %min3A_279 = arith.minimumf %select_n3A_265, %select_n3A_278 : vector<128x128xf32>
    %max3A_280 = arith.maximumf %select_n3A_265, %select_n3A_278 : vector<128x128xf32>
    %ne3A_281 = arith.xori %ne3A_271, %ne3A_197 : vector<128x128xi1>
    %select_n3A_282 = arith.select %ne3A_281, %max3A_280, %min3A_279 : vector<128x128xi1>, vector<128x128xf32>
    %and3A_283 = arith.constant 64 : i32
    %and3A_284 = vector.broadcast %and3A_283 : i32 to vector<128x128xi32>
    %and3A_285 = arith.andi %add3A, %and3A_284 : vector<128x128xi32>
    %ne3A_286 = arith.constant 0 : i32
    %ne3A_287 = vector.broadcast %ne3A_286 : i32 to vector<128x128xi32>
    %ne3A_288 = arith.cmpi ne, %and3A_285, %ne3A_287 : vector<128x128xi32>
    %and3A_289 = arith.constant 32 : i32
    %and3A_290 = vector.broadcast %and3A_289 : i32 to vector<128x128xi32>
    %and3A_291 = arith.andi %add3A, %and3A_290 : vector<128x128xi32>
    %ne3A_292 = arith.constant 0 : i32
    %ne3A_293 = vector.broadcast %ne3A_292 : i32 to vector<128x128xi32>
    %ne3A_294 = arith.cmpi ne, %and3A_291, %ne3A_293 : vector<128x128xi32>
    %slice3A_295 = vector.extract_strided_slice %select_n3A_282 {offsets = [32, 0], sizes = [96, 128], strides = [1, 1]} : vector<128x128xf32> to vector<96x128xf32>
    %slice3A_296 = vector.extract_strided_slice %select_n3A_282 {offsets = [0, 0], sizes = [32, 128], strides = [1, 1]} : vector<128x128xf32> to vector<32x128xf32>
    %concatenate3A_297 = tpu.concatenate %slice3A_295, %slice3A_296 in 0 : vector<96x128xf32>, vector<32x128xf32> -> vector<128x128xf32>
    %slice3A_298 = vector.extract_strided_slice %select_n3A_282 {offsets = [96, 0], sizes = [32, 128], strides = [1, 1]} : vector<128x128xf32> to vector<32x128xf32>
    %slice3A_299 = vector.extract_strided_slice %select_n3A_282 {offsets = [0, 0], sizes = [96, 128], strides = [1, 1]} : vector<128x128xf32> to vector<96x128xf32>
    %concatenate3A_300 = tpu.concatenate %slice3A_298, %slice3A_299 in 0 : vector<32x128xf32>, vector<96x128xf32> -> vector<128x128xf32>
    %select_n3A_301 = arith.select %ne3A_294, %concatenate3A_300, %concatenate3A_297 : vector<128x128xi1>, vector<128x128xf32>
    %min3A_302 = arith.minimumf %select_n3A_282, %select_n3A_301 : vector<128x128xf32>
    %max3A_303 = arith.maximumf %select_n3A_282, %select_n3A_301 : vector<128x128xf32>
    %ne3A_304 = arith.xori %ne3A_294, %ne3A_288 : vector<128x128xi1>
    %select_n3A_305 = arith.select %ne3A_304, %max3A_303, %min3A_302 : vector<128x128xi1>, vector<128x128xf32>
    %and3A_306 = arith.constant 16 : i32
    %and3A_307 = vector.broadcast %and3A_306 : i32 to vector<128x128xi32>
    %and3A_308 = arith.andi %add3A, %and3A_307 : vector<128x128xi32>
    %ne3A_309 = arith.constant 0 : i32
    %ne3A_310 = vector.broadcast %ne3A_309 : i32 to vector<128x128xi32>
    %ne3A_311 = arith.cmpi ne, %and3A_308, %ne3A_310 : vector<128x128xi32>
    %slice3A_312 = vector.extract_strided_slice %select_n3A_305 {offsets = [16, 0], sizes = [112, 128], strides = [1, 1]} : vector<128x128xf32> to vector<112x128xf32>
    %slice3A_313 = vector.extract_strided_slice %select_n3A_305 {offsets = [0, 0], sizes = [16, 128], strides = [1, 1]} : vector<128x128xf32> to vector<16x128xf32>
    %concatenate3A_314 = tpu.concatenate %slice3A_312, %slice3A_313 in 0 : vector<112x128xf32>, vector<16x128xf32> -> vector<128x128xf32>
    %slice3A_315 = vector.extract_strided_slice %select_n3A_305 {offsets = [112, 0], sizes = [16, 128], strides = [1, 1]} : vector<128x128xf32> to vector<16x128xf32>
    %slice3A_316 = vector.extract_strided_slice %select_n3A_305 {offsets = [0, 0], sizes = [112, 128], strides = [1, 1]} : vector<128x128xf32> to vector<112x128xf32>
    %concatenate3A_317 = tpu.concatenate %slice3A_315, %slice3A_316 in 0 : vector<16x128xf32>, vector<112x128xf32> -> vector<128x128xf32>
    %select_n3A_318 = arith.select %ne3A_311, %concatenate3A_317, %concatenate3A_314 : vector<128x128xi1>, vector<128x128xf32>
    %min3A_319 = arith.minimumf %select_n3A_305, %select_n3A_318 : vector<128x128xf32>
    %max3A_320 = arith.maximumf %select_n3A_305, %select_n3A_318 : vector<128x128xf32>
    %ne3A_321 = arith.xori %ne3A_311, %ne3A_288 : vector<128x128xi1>
    %select_n3A_322 = arith.select %ne3A_321, %max3A_320, %min3A_319 : vector<128x128xi1>, vector<128x128xf32>
    %and3A_323 = arith.constant 8 : i32
    %and3A_324 = vector.broadcast %and3A_323 : i32 to vector<128x128xi32>
    %and3A_325 = arith.andi %add3A, %and3A_324 : vector<128x128xi32>
    %ne3A_326 = arith.constant 0 : i32
    %ne3A_327 = vector.broadcast %ne3A_326 : i32 to vector<128x128xi32>
    %ne3A_328 = arith.cmpi ne, %and3A_325, %ne3A_327 : vector<128x128xi32>
    %slice3A_329 = vector.extract_strided_slice %select_n3A_322 {offsets = [8, 0], sizes = [120, 128], strides = [1, 1]} : vector<128x128xf32> to vector<120x128xf32>
    %slice3A_330 = vector.extract_strided_slice %select_n3A_322 {offsets = [0, 0], sizes = [8, 128], strides = [1, 1]} : vector<128x128xf32> to vector<8x128xf32>
    %concatenate3A_331 = tpu.concatenate %slice3A_329, %slice3A_330 in 0 : vector<120x128xf32>, vector<8x128xf32> -> vector<128x128xf32>
    %slice3A_332 = vector.extract_strided_slice %select_n3A_322 {offsets = [120, 0], sizes = [8, 128], strides = [1, 1]} : vector<128x128xf32> to vector<8x128xf32>
    %slice3A_333 = vector.extract_strided_slice %select_n3A_322 {offsets = [0, 0], sizes = [120, 128], strides = [1, 1]} : vector<128x128xf32> to vector<120x128xf32>
    %concatenate3A_334 = tpu.concatenate %slice3A_332, %slice3A_333 in 0 : vector<8x128xf32>, vector<120x128xf32> -> vector<128x128xf32>
    %select_n3A_335 = arith.select %ne3A_328, %concatenate3A_334, %concatenate3A_331 : vector<128x128xi1>, vector<128x128xf32>
    %min3A_336 = arith.minimumf %select_n3A_322, %select_n3A_335 : vector<128x128xf32>
    %max3A_337 = arith.maximumf %select_n3A_322, %select_n3A_335 : vector<128x128xf32>
    %ne3A_338 = arith.xori %ne3A_328, %ne3A_288 : vector<128x128xi1>
    %select_n3A_339 = arith.select %ne3A_338, %max3A_337, %min3A_336 : vector<128x128xi1>, vector<128x128xf32>
    %and3A_340 = arith.constant 4 : i32
    %and3A_341 = vector.broadcast %and3A_340 : i32 to vector<128x128xi32>
    %and3A_342 = arith.andi %add3A, %and3A_341 : vector<128x128xi32>
    %ne3A_343 = arith.constant 0 : i32
    %ne3A_344 = vector.broadcast %ne3A_343 : i32 to vector<128x128xi32>
    %ne3A_345 = arith.cmpi ne, %and3A_342, %ne3A_344 : vector<128x128xi32>
    %slice3A_346 = vector.extract_strided_slice %select_n3A_339 {offsets = [4, 0], sizes = [124, 128], strides = [1, 1]} : vector<128x128xf32> to vector<124x128xf32>
    %slice3A_347 = vector.extract_strided_slice %select_n3A_339 {offsets = [0, 0], sizes = [4, 128], strides = [1, 1]} : vector<128x128xf32> to vector<4x128xf32>
    %concatenate3A_348 = tpu.concatenate %slice3A_346, %slice3A_347 in 0 : vector<124x128xf32>, vector<4x128xf32> -> vector<128x128xf32>
    %slice3A_349 = vector.extract_strided_slice %select_n3A_339 {offsets = [124, 0], sizes = [4, 128], strides = [1, 1]} : vector<128x128xf32> to vector<4x128xf32>
    %slice3A_350 = vector.extract_strided_slice %select_n3A_339 {offsets = [0, 0], sizes = [124, 128], strides = [1, 1]} : vector<128x128xf32> to vector<124x128xf32>
    %concatenate3A_351 = tpu.concatenate %slice3A_349, %slice3A_350 in 0 : vector<4x128xf32>, vector<124x128xf32> -> vector<128x128xf32>
    %select_n3A_352 = arith.select %ne3A_345, %concatenate3A_351, %concatenate3A_348 : vector<128x128xi1>, vector<128x128xf32>
    %min3A_353 = arith.minimumf %select_n3A_339, %select_n3A_352 : vector<128x128xf32>
    %max3A_354 = arith.maximumf %select_n3A_339, %select_n3A_352 : vector<128x128xf32>
    %ne3A_355 = arith.xori %ne3A_345, %ne3A_288 : vector<128x128xi1>
    %select_n3A_356 = arith.select %ne3A_355, %max3A_354, %min3A_353 : vector<128x128xi1>, vector<128x128xf32>
    %and3A_357 = arith.constant 2 : i32
    %and3A_358 = vector.broadcast %and3A_357 : i32 to vector<128x128xi32>
    %and3A_359 = arith.andi %add3A, %and3A_358 : vector<128x128xi32>
    %ne3A_360 = arith.constant 0 : i32
    %ne3A_361 = vector.broadcast %ne3A_360 : i32 to vector<128x128xi32>
    %ne3A_362 = arith.cmpi ne, %and3A_359, %ne3A_361 : vector<128x128xi32>
    %slice3A_363 = vector.extract_strided_slice %select_n3A_356 {offsets = [2, 0], sizes = [126, 128], strides = [1, 1]} : vector<128x128xf32> to vector<126x128xf32>
    %slice3A_364 = vector.extract_strided_slice %select_n3A_356 {offsets = [0, 0], sizes = [2, 128], strides = [1, 1]} : vector<128x128xf32> to vector<2x128xf32>
    %concatenate3A_365 = tpu.concatenate %slice3A_363, %slice3A_364 in 0 : vector<126x128xf32>, vector<2x128xf32> -> vector<128x128xf32>
    %slice3A_366 = vector.extract_strided_slice %select_n3A_356 {offsets = [126, 0], sizes = [2, 128], strides = [1, 1]} : vector<128x128xf32> to vector<2x128xf32>
    %slice3A_367 = vector.extract_strided_slice %select_n3A_356 {offsets = [0, 0], sizes = [126, 128], strides = [1, 1]} : vector<128x128xf32> to vector<126x128xf32>
    %concatenate3A_368 = tpu.concatenate %slice3A_366, %slice3A_367 in 0 : vector<2x128xf32>, vector<126x128xf32> -> vector<128x128xf32>
    %select_n3A_369 = arith.select %ne3A_362, %concatenate3A_368, %concatenate3A_365 : vector<128x128xi1>, vector<128x128xf32>
    %min3A_370 = arith.minimumf %select_n3A_356, %select_n3A_369 : vector<128x128xf32>
    %max3A_371 = arith.maximumf %select_n3A_356, %select_n3A_369 : vector<128x128xf32>
    %ne3A_372 = arith.xori %ne3A_362, %ne3A_288 : vector<128x128xi1>
    %select_n3A_373 = arith.select %ne3A_372, %max3A_371, %min3A_370 : vector<128x128xi1>, vector<128x128xf32>
    %and3A_374 = arith.constant 1 : i32
    %and3A_375 = vector.broadcast %and3A_374 : i32 to vector<128x128xi32>
    %and3A_376 = arith.andi %add3A, %and3A_375 : vector<128x128xi32>
    %ne3A_377 = arith.constant 0 : i32
    %ne3A_378 = vector.broadcast %ne3A_377 : i32 to vector<128x128xi32>
    %ne3A_379 = arith.cmpi ne, %and3A_376, %ne3A_378 : vector<128x128xi32>
    %slice3A_380 = vector.extract_strided_slice %select_n3A_373 {offsets = [1, 0], sizes = [127, 128], strides = [1, 1]} : vector<128x128xf32> to vector<127x128xf32>
    %slice3A_381 = vector.extract_strided_slice %select_n3A_373 {offsets = [0, 0], sizes = [1, 128], strides = [1, 1]} : vector<128x128xf32> to vector<1x128xf32>
    %concatenate3A_382 = tpu.concatenate %slice3A_380, %slice3A_381 in 0 : vector<127x128xf32>, vector<1x128xf32> -> vector<128x128xf32>
    %slice3A_383 = vector.extract_strided_slice %select_n3A_373 {offsets = [127, 0], sizes = [1, 128], strides = [1, 1]} : vector<128x128xf32> to vector<1x128xf32>
    %slice3A_384 = vector.extract_strided_slice %select_n3A_373 {offsets = [0, 0], sizes = [127, 128], strides = [1, 1]} : vector<128x128xf32> to vector<127x128xf32>
    %concatenate3A_385 = tpu.concatenate %slice3A_383, %slice3A_384 in 0 : vector<1x128xf32>, vector<127x128xf32> -> vector<128x128xf32>
    %select_n3A_386 = arith.select %ne3A_379, %concatenate3A_385, %concatenate3A_382 : vector<128x128xi1>, vector<128x128xf32>
    %min3A_387 = arith.minimumf %select_n3A_373, %select_n3A_386 : vector<128x128xf32>
    %max3A_388 = arith.maximumf %select_n3A_373, %select_n3A_386 : vector<128x128xf32>
    %ne3A_389 = arith.xori %ne3A_379, %ne3A_288 : vector<128x128xi1>
    %select_n3A_390 = arith.select %ne3A_389, %max3A_388, %min3A_387 : vector<128x128xi1>, vector<128x128xf32>
    %and3A_391 = arith.constant 128 : i32
    %and3A_392 = vector.broadcast %and3A_391 : i32 to vector<128x128xi32>
    %and3A_393 = arith.andi %add3A, %and3A_392 : vector<128x128xi32>
    %ne3A_394 = arith.constant 0 : i32
    %ne3A_395 = vector.broadcast %ne3A_394 : i32 to vector<128x128xi32>
    %ne3A_396 = arith.cmpi ne, %and3A_393, %ne3A_395 : vector<128x128xi32>
    %and3A_397 = arith.constant 64 : i32
    %and3A_398 = vector.broadcast %and3A_397 : i32 to vector<128x128xi32>
    %and3A_399 = arith.andi %add3A, %and3A_398 : vector<128x128xi32>
    %ne3A_400 = arith.constant 0 : i32
    %ne3A_401 = vector.broadcast %ne3A_400 : i32 to vector<128x128xi32>
    %ne3A_402 = arith.cmpi ne, %and3A_399, %ne3A_401 : vector<128x128xi32>
    %slice3A_403 = vector.extract_strided_slice %select_n3A_390 {offsets = [64, 0], sizes = [64, 128], strides = [1, 1]} : vector<128x128xf32> to vector<64x128xf32>
    %slice3A_404 = vector.extract_strided_slice %select_n3A_390 {offsets = [0, 0], sizes = [64, 128], strides = [1, 1]} : vector<128x128xf32> to vector<64x128xf32>
    %concatenate3A_405 = tpu.concatenate %slice3A_403, %slice3A_404 in 0 : vector<64x128xf32>, vector<64x128xf32> -> vector<128x128xf32>
    %slice3A_406 = vector.extract_strided_slice %select_n3A_390 {offsets = [64, 0], sizes = [64, 128], strides = [1, 1]} : vector<128x128xf32> to vector<64x128xf32>
    %slice3A_407 = vector.extract_strided_slice %select_n3A_390 {offsets = [0, 0], sizes = [64, 128], strides = [1, 1]} : vector<128x128xf32> to vector<64x128xf32>
    %concatenate3A_408 = tpu.concatenate %slice3A_406, %slice3A_407 in 0 : vector<64x128xf32>, vector<64x128xf32> -> vector<128x128xf32>
    %select_n3A_409 = arith.select %ne3A_402, %concatenate3A_408, %concatenate3A_405 : vector<128x128xi1>, vector<128x128xf32>
    %min3A_410 = arith.minimumf %select_n3A_390, %select_n3A_409 : vector<128x128xf32>
    %max3A_411 = arith.maximumf %select_n3A_390, %select_n3A_409 : vector<128x128xf32>
    %ne3A_412 = arith.xori %ne3A_402, %ne3A_396 : vector<128x128xi1>
    %select_n3A_413 = arith.select %ne3A_412, %max3A_411, %min3A_410 : vector<128x128xi1>, vector<128x128xf32>
    %and3A_414 = arith.constant 32 : i32
    %and3A_415 = vector.broadcast %and3A_414 : i32 to vector<128x128xi32>
    %and3A_416 = arith.andi %add3A, %and3A_415 : vector<128x128xi32>
    %ne3A_417 = arith.constant 0 : i32
    %ne3A_418 = vector.broadcast %ne3A_417 : i32 to vector<128x128xi32>
    %ne3A_419 = arith.cmpi ne, %and3A_416, %ne3A_418 : vector<128x128xi32>
    %slice3A_420 = vector.extract_strided_slice %select_n3A_413 {offsets = [32, 0], sizes = [96, 128], strides = [1, 1]} : vector<128x128xf32> to vector<96x128xf32>
    %slice3A_421 = vector.extract_strided_slice %select_n3A_413 {offsets = [0, 0], sizes = [32, 128], strides = [1, 1]} : vector<128x128xf32> to vector<32x128xf32>
    %concatenate3A_422 = tpu.concatenate %slice3A_420, %slice3A_421 in 0 : vector<96x128xf32>, vector<32x128xf32> -> vector<128x128xf32>
    %slice3A_423 = vector.extract_strided_slice %select_n3A_413 {offsets = [96, 0], sizes = [32, 128], strides = [1, 1]} : vector<128x128xf32> to vector<32x128xf32>
    %slice3A_424 = vector.extract_strided_slice %select_n3A_413 {offsets = [0, 0], sizes = [96, 128], strides = [1, 1]} : vector<128x128xf32> to vector<96x128xf32>
    %concatenate3A_425 = tpu.concatenate %slice3A_423, %slice3A_424 in 0 : vector<32x128xf32>, vector<96x128xf32> -> vector<128x128xf32>
    %select_n3A_426 = arith.select %ne3A_419, %concatenate3A_425, %concatenate3A_422 : vector<128x128xi1>, vector<128x128xf32>
    %min3A_427 = arith.minimumf %select_n3A_413, %select_n3A_426 : vector<128x128xf32>
    %max3A_428 = arith.maximumf %select_n3A_413, %select_n3A_426 : vector<128x128xf32>
    %ne3A_429 = arith.xori %ne3A_419, %ne3A_396 : vector<128x128xi1>
    %select_n3A_430 = arith.select %ne3A_429, %max3A_428, %min3A_427 : vector<128x128xi1>, vector<128x128xf32>
    %and3A_431 = arith.constant 16 : i32
    %and3A_432 = vector.broadcast %and3A_431 : i32 to vector<128x128xi32>
    %and3A_433 = arith.andi %add3A, %and3A_432 : vector<128x128xi32>
    %ne3A_434 = arith.constant 0 : i32
    %ne3A_435 = vector.broadcast %ne3A_434 : i32 to vector<128x128xi32>
    %ne3A_436 = arith.cmpi ne, %and3A_433, %ne3A_435 : vector<128x128xi32>
    %slice3A_437 = vector.extract_strided_slice %select_n3A_430 {offsets = [16, 0], sizes = [112, 128], strides = [1, 1]} : vector<128x128xf32> to vector<112x128xf32>
    %slice3A_438 = vector.extract_strided_slice %select_n3A_430 {offsets = [0, 0], sizes = [16, 128], strides = [1, 1]} : vector<128x128xf32> to vector<16x128xf32>
    %concatenate3A_439 = tpu.concatenate %slice3A_437, %slice3A_438 in 0 : vector<112x128xf32>, vector<16x128xf32> -> vector<128x128xf32>
    %slice3A_440 = vector.extract_strided_slice %select_n3A_430 {offsets = [112, 0], sizes = [16, 128], strides = [1, 1]} : vector<128x128xf32> to vector<16x128xf32>
    %slice3A_441 = vector.extract_strided_slice %select_n3A_430 {offsets = [0, 0], sizes = [112, 128], strides = [1, 1]} : vector<128x128xf32> to vector<112x128xf32>
    %concatenate3A_442 = tpu.concatenate %slice3A_440, %slice3A_441 in 0 : vector<16x128xf32>, vector<112x128xf32> -> vector<128x128xf32>
    %select_n3A_443 = arith.select %ne3A_436, %concatenate3A_442, %concatenate3A_439 : vector<128x128xi1>, vector<128x128xf32>
    %min3A_444 = arith.minimumf %select_n3A_430, %select_n3A_443 : vector<128x128xf32>
    %max3A_445 = arith.maximumf %select_n3A_430, %select_n3A_443 : vector<128x128xf32>
    %ne3A_446 = arith.xori %ne3A_436, %ne3A_396 : vector<128x128xi1>
    %select_n3A_447 = arith.select %ne3A_446, %max3A_445, %min3A_444 : vector<128x128xi1>, vector<128x128xf32>
    %and3A_448 = arith.constant 8 : i32
    %and3A_449 = vector.broadcast %and3A_448 : i32 to vector<128x128xi32>
    %and3A_450 = arith.andi %add3A, %and3A_449 : vector<128x128xi32>
    %ne3A_451 = arith.constant 0 : i32
    %ne3A_452 = vector.broadcast %ne3A_451 : i32 to vector<128x128xi32>
    %ne3A_453 = arith.cmpi ne, %and3A_450, %ne3A_452 : vector<128x128xi32>
    %slice3A_454 = vector.extract_strided_slice %select_n3A_447 {offsets = [8, 0], sizes = [120, 128], strides = [1, 1]} : vector<128x128xf32> to vector<120x128xf32>
    %slice3A_455 = vector.extract_strided_slice %select_n3A_447 {offsets = [0, 0], sizes = [8, 128], strides = [1, 1]} : vector<128x128xf32> to vector<8x128xf32>
    %concatenate3A_456 = tpu.concatenate %slice3A_454, %slice3A_455 in 0 : vector<120x128xf32>, vector<8x128xf32> -> vector<128x128xf32>
    %slice3A_457 = vector.extract_strided_slice %select_n3A_447 {offsets = [120, 0], sizes = [8, 128], strides = [1, 1]} : vector<128x128xf32> to vector<8x128xf32>
    %slice3A_458 = vector.extract_strided_slice %select_n3A_447 {offsets = [0, 0], sizes = [120, 128], strides = [1, 1]} : vector<128x128xf32> to vector<120x128xf32>
    %concatenate3A_459 = tpu.concatenate %slice3A_457, %slice3A_458 in 0 : vector<8x128xf32>, vector<120x128xf32> -> vector<128x128xf32>
    %select_n3A_460 = arith.select %ne3A_453, %concatenate3A_459, %concatenate3A_456 : vector<128x128xi1>, vector<128x128xf32>
    %min3A_461 = arith.minimumf %select_n3A_447, %select_n3A_460 : vector<128x128xf32>
    %max3A_462 = arith.maximumf %select_n3A_447, %select_n3A_460 : vector<128x128xf32>
    %ne3A_463 = arith.xori %ne3A_453, %ne3A_396 : vector<128x128xi1>
    %select_n3A_464 = arith.select %ne3A_463, %max3A_462, %min3A_461 : vector<128x128xi1>, vector<128x128xf32>
    %and3A_465 = arith.constant 4 : i32
    %and3A_466 = vector.broadcast %and3A_465 : i32 to vector<128x128xi32>
    %and3A_467 = arith.andi %add3A, %and3A_466 : vector<128x128xi32>
    %ne3A_468 = arith.constant 0 : i32
    %ne3A_469 = vector.broadcast %ne3A_468 : i32 to vector<128x128xi32>
    %ne3A_470 = arith.cmpi ne, %and3A_467, %ne3A_469 : vector<128x128xi32>
    %slice3A_471 = vector.extract_strided_slice %select_n3A_464 {offsets = [4, 0], sizes = [124, 128], strides = [1, 1]} : vector<128x128xf32> to vector<124x128xf32>
    %slice3A_472 = vector.extract_strided_slice %select_n3A_464 {offsets = [0, 0], sizes = [4, 128], strides = [1, 1]} : vector<128x128xf32> to vector<4x128xf32>
    %concatenate3A_473 = tpu.concatenate %slice3A_471, %slice3A_472 in 0 : vector<124x128xf32>, vector<4x128xf32> -> vector<128x128xf32>
    %slice3A_474 = vector.extract_strided_slice %select_n3A_464 {offsets = [124, 0], sizes = [4, 128], strides = [1, 1]} : vector<128x128xf32> to vector<4x128xf32>
    %slice3A_475 = vector.extract_strided_slice %select_n3A_464 {offsets = [0, 0], sizes = [124, 128], strides = [1, 1]} : vector<128x128xf32> to vector<124x128xf32>
    %concatenate3A_476 = tpu.concatenate %slice3A_474, %slice3A_475 in 0 : vector<4x128xf32>, vector<124x128xf32> -> vector<128x128xf32>
    %select_n3A_477 = arith.select %ne3A_470, %concatenate3A_476, %concatenate3A_473 : vector<128x128xi1>, vector<128x128xf32>
    %min3A_478 = arith.minimumf %select_n3A_464, %select_n3A_477 : vector<128x128xf32>
    %max3A_479 = arith.maximumf %select_n3A_464, %select_n3A_477 : vector<128x128xf32>
    %ne3A_480 = arith.xori %ne3A_470, %ne3A_396 : vector<128x128xi1>
    %select_n3A_481 = arith.select %ne3A_480, %max3A_479, %min3A_478 : vector<128x128xi1>, vector<128x128xf32>
    %and3A_482 = arith.constant 2 : i32
    %and3A_483 = vector.broadcast %and3A_482 : i32 to vector<128x128xi32>
    %and3A_484 = arith.andi %add3A, %and3A_483 : vector<128x128xi32>
    %ne3A_485 = arith.constant 0 : i32
    %ne3A_486 = vector.broadcast %ne3A_485 : i32 to vector<128x128xi32>
    %ne3A_487 = arith.cmpi ne, %and3A_484, %ne3A_486 : vector<128x128xi32>
    %slice3A_488 = vector.extract_strided_slice %select_n3A_481 {offsets = [2, 0], sizes = [126, 128], strides = [1, 1]} : vector<128x128xf32> to vector<126x128xf32>
    %slice3A_489 = vector.extract_strided_slice %select_n3A_481 {offsets = [0, 0], sizes = [2, 128], strides = [1, 1]} : vector<128x128xf32> to vector<2x128xf32>
    %concatenate3A_490 = tpu.concatenate %slice3A_488, %slice3A_489 in 0 : vector<126x128xf32>, vector<2x128xf32> -> vector<128x128xf32>
    %slice3A_491 = vector.extract_strided_slice %select_n3A_481 {offsets = [126, 0], sizes = [2, 128], strides = [1, 1]} : vector<128x128xf32> to vector<2x128xf32>
    %slice3A_492 = vector.extract_strided_slice %select_n3A_481 {offsets = [0, 0], sizes = [126, 128], strides = [1, 1]} : vector<128x128xf32> to vector<126x128xf32>
    %concatenate3A_493 = tpu.concatenate %slice3A_491, %slice3A_492 in 0 : vector<2x128xf32>, vector<126x128xf32> -> vector<128x128xf32>
    %select_n3A_494 = arith.select %ne3A_487, %concatenate3A_493, %concatenate3A_490 : vector<128x128xi1>, vector<128x128xf32>
    %min3A_495 = arith.minimumf %select_n3A_481, %select_n3A_494 : vector<128x128xf32>
    %max3A_496 = arith.maximumf %select_n3A_481, %select_n3A_494 : vector<128x128xf32>
    %ne3A_497 = arith.xori %ne3A_487, %ne3A_396 : vector<128x128xi1>
    %select_n3A_498 = arith.select %ne3A_497, %max3A_496, %min3A_495 : vector<128x128xi1>, vector<128x128xf32>
    %and3A_499 = arith.constant 1 : i32
    %and3A_500 = vector.broadcast %and3A_499 : i32 to vector<128x128xi32>
    %and3A_501 = arith.andi %add3A, %and3A_500 : vector<128x128xi32>
    %ne3A_502 = arith.constant 0 : i32
    %ne3A_503 = vector.broadcast %ne3A_502 : i32 to vector<128x128xi32>
    %ne3A_504 = arith.cmpi ne, %and3A_501, %ne3A_503 : vector<128x128xi32>
    %slice3A_505 = vector.extract_strided_slice %select_n3A_498 {offsets = [1, 0], sizes = [127, 128], strides = [1, 1]} : vector<128x128xf32> to vector<127x128xf32>
    %slice3A_506 = vector.extract_strided_slice %select_n3A_498 {offsets = [0, 0], sizes = [1, 128], strides = [1, 1]} : vector<128x128xf32> to vector<1x128xf32>
    %concatenate3A_507 = tpu.concatenate %slice3A_505, %slice3A_506 in 0 : vector<127x128xf32>, vector<1x128xf32> -> vector<128x128xf32>
    %slice3A_508 = vector.extract_strided_slice %select_n3A_498 {offsets = [127, 0], sizes = [1, 128], strides = [1, 1]} : vector<128x128xf32> to vector<1x128xf32>
    %slice3A_509 = vector.extract_strided_slice %select_n3A_498 {offsets = [0, 0], sizes = [127, 128], strides = [1, 1]} : vector<128x128xf32> to vector<127x128xf32>
    %concatenate3A_510 = tpu.concatenate %slice3A_508, %slice3A_509 in 0 : vector<1x128xf32>, vector<127x128xf32> -> vector<128x128xf32>
    %select_n3A_511 = arith.select %ne3A_504, %concatenate3A_510, %concatenate3A_507 : vector<128x128xi1>, vector<128x128xf32>
    %min3A_512 = arith.minimumf %select_n3A_498, %select_n3A_511 : vector<128x128xf32>
    %max3A_513 = arith.maximumf %select_n3A_498, %select_n3A_511 : vector<128x128xf32>
    %ne3A_514 = arith.xori %ne3A_504, %ne3A_396 : vector<128x128xi1>
    %select_n3A_515 = arith.select %ne3A_514, %max3A_513, %min3A_512 : vector<128x128xi1>, vector<128x128xf32>
    %and3A_516 = arith.constant 256 : i32
    %and3A_517 = vector.broadcast %and3A_516 : i32 to vector<128x128xi32>
    %and3A_518 = arith.andi %add3A, %and3A_517 : vector<128x128xi32>
    %ne3A_519 = arith.constant 0 : i32
    %ne3A_520 = vector.broadcast %ne3A_519 : i32 to vector<128x128xi32>
    %ne3A_521 = arith.cmpi ne, %and3A_518, %ne3A_520 : vector<128x128xi32>
    %and3A_522 = arith.constant 128 : i32
    %and3A_523 = vector.broadcast %and3A_522 : i32 to vector<128x128xi32>
    %and3A_524 = arith.andi %add3A, %and3A_523 : vector<128x128xi32>
    %ne3A_525 = arith.constant 0 : i32
    %ne3A_526 = vector.broadcast %ne3A_525 : i32 to vector<128x128xi32>
    %ne3A_527 = arith.cmpi ne, %and3A_524, %ne3A_526 : vector<128x128xi32>
    %slice3A_528 = vector.extract_strided_slice %select_n3A_515 {offsets = [0, 1], sizes = [128, 127], strides = [1, 1]} : vector<128x128xf32> to vector<128x127xf32>
    %slice3A_529 = vector.extract_strided_slice %select_n3A_515 {offsets = [0, 0], sizes = [128, 1], strides = [1, 1]} : vector<128x128xf32> to vector<128x1xf32>
    %concatenate3A_530 = tpu.concatenate %slice3A_528, %slice3A_529 in 1 : vector<128x127xf32>, vector<128x1xf32> -> vector<128x128xf32>
    %slice3A_531 = vector.extract_strided_slice %select_n3A_515 {offsets = [0, 127], sizes = [128, 1], strides = [1, 1]} : vector<128x128xf32> to vector<128x1xf32>
    %slice3A_532 = vector.extract_strided_slice %select_n3A_515 {offsets = [0, 0], sizes = [128, 127], strides = [1, 1]} : vector<128x128xf32> to vector<128x127xf32>
    %concatenate3A_533 = tpu.concatenate %slice3A_531, %slice3A_532 in 1 : vector<128x1xf32>, vector<128x127xf32> -> vector<128x128xf32>
    %select_n3A_534 = arith.select %ne3A_527, %concatenate3A_533, %concatenate3A_530 : vector<128x128xi1>, vector<128x128xf32>
    %min3A_535 = arith.minimumf %select_n3A_515, %select_n3A_534 : vector<128x128xf32>
    %max3A_536 = arith.maximumf %select_n3A_515, %select_n3A_534 : vector<128x128xf32>
    %ne3A_537 = arith.xori %ne3A_527, %ne3A_521 : vector<128x128xi1>
    %select_n3A_538 = arith.select %ne3A_537, %max3A_536, %min3A_535 : vector<128x128xi1>, vector<128x128xf32>
    %and3A_539 = arith.constant 64 : i32
    %and3A_540 = vector.broadcast %and3A_539 : i32 to vector<128x128xi32>
    %and3A_541 = arith.andi %add3A, %and3A_540 : vector<128x128xi32>
    %ne3A_542 = arith.constant 0 : i32
    %ne3A_543 = vector.broadcast %ne3A_542 : i32 to vector<128x128xi32>
    %ne3A_544 = arith.cmpi ne, %and3A_541, %ne3A_543 : vector<128x128xi32>
    %slice3A_545 = vector.extract_strided_slice %select_n3A_538 {offsets = [64, 0], sizes = [64, 128], strides = [1, 1]} : vector<128x128xf32> to vector<64x128xf32>
    %slice3A_546 = vector.extract_strided_slice %select_n3A_538 {offsets = [0, 0], sizes = [64, 128], strides = [1, 1]} : vector<128x128xf32> to vector<64x128xf32>
    %concatenate3A_547 = tpu.concatenate %slice3A_545, %slice3A_546 in 0 : vector<64x128xf32>, vector<64x128xf32> -> vector<128x128xf32>
    %slice3A_548 = vector.extract_strided_slice %select_n3A_538 {offsets = [64, 0], sizes = [64, 128], strides = [1, 1]} : vector<128x128xf32> to vector<64x128xf32>
    %slice3A_549 = vector.extract_strided_slice %select_n3A_538 {offsets = [0, 0], sizes = [64, 128], strides = [1, 1]} : vector<128x128xf32> to vector<64x128xf32>
    %concatenate3A_550 = tpu.concatenate %slice3A_548, %slice3A_549 in 0 : vector<64x128xf32>, vector<64x128xf32> -> vector<128x128xf32>
    %select_n3A_551 = arith.select %ne3A_544, %concatenate3A_550, %concatenate3A_547 : vector<128x128xi1>, vector<128x128xf32>
    %min3A_552 = arith.minimumf %select_n3A_538, %select_n3A_551 : vector<128x128xf32>
    %max3A_553 = arith.maximumf %select_n3A_538, %select_n3A_551 : vector<128x128xf32>
    %ne3A_554 = arith.xori %ne3A_544, %ne3A_521 : vector<128x128xi1>
    %select_n3A_555 = arith.select %ne3A_554, %max3A_553, %min3A_552 : vector<128x128xi1>, vector<128x128xf32>
    %and3A_556 = arith.constant 32 : i32
    %and3A_557 = vector.broadcast %and3A_556 : i32 to vector<128x128xi32>
    %and3A_558 = arith.andi %add3A, %and3A_557 : vector<128x128xi32>
    %ne3A_559 = arith.constant 0 : i32
    %ne3A_560 = vector.broadcast %ne3A_559 : i32 to vector<128x128xi32>
    %ne3A_561 = arith.cmpi ne, %and3A_558, %ne3A_560 : vector<128x128xi32>
    %slice3A_562 = vector.extract_strided_slice %select_n3A_555 {offsets = [32, 0], sizes = [96, 128], strides = [1, 1]} : vector<128x128xf32> to vector<96x128xf32>
    %slice3A_563 = vector.extract_strided_slice %select_n3A_555 {offsets = [0, 0], sizes = [32, 128], strides = [1, 1]} : vector<128x128xf32> to vector<32x128xf32>
    %concatenate3A_564 = tpu.concatenate %slice3A_562, %slice3A_563 in 0 : vector<96x128xf32>, vector<32x128xf32> -> vector<128x128xf32>
    %slice3A_565 = vector.extract_strided_slice %select_n3A_555 {offsets = [96, 0], sizes = [32, 128], strides = [1, 1]} : vector<128x128xf32> to vector<32x128xf32>
    %slice3A_566 = vector.extract_strided_slice %select_n3A_555 {offsets = [0, 0], sizes = [96, 128], strides = [1, 1]} : vector<128x128xf32> to vector<96x128xf32>
    %concatenate3A_567 = tpu.concatenate %slice3A_565, %slice3A_566 in 0 : vector<32x128xf32>, vector<96x128xf32> -> vector<128x128xf32>
    %select_n3A_568 = arith.select %ne3A_561, %concatenate3A_567, %concatenate3A_564 : vector<128x128xi1>, vector<128x128xf32>
    %min3A_569 = arith.minimumf %select_n3A_555, %select_n3A_568 : vector<128x128xf32>
    %max3A_570 = arith.maximumf %select_n3A_555, %select_n3A_568 : vector<128x128xf32>
    %ne3A_571 = arith.xori %ne3A_561, %ne3A_521 : vector<128x128xi1>
    %select_n3A_572 = arith.select %ne3A_571, %max3A_570, %min3A_569 : vector<128x128xi1>, vector<128x128xf32>
    %and3A_573 = arith.constant 16 : i32
    %and3A_574 = vector.broadcast %and3A_573 : i32 to vector<128x128xi32>
    %and3A_575 = arith.andi %add3A, %and3A_574 : vector<128x128xi32>
    %ne3A_576 = arith.constant 0 : i32
    %ne3A_577 = vector.broadcast %ne3A_576 : i32 to vector<128x128xi32>
    %ne3A_578 = arith.cmpi ne, %and3A_575, %ne3A_577 : vector<128x128xi32>
    %slice3A_579 = vector.extract_strided_slice %select_n3A_572 {offsets = [16, 0], sizes = [112, 128], strides = [1, 1]} : vector<128x128xf32> to vector<112x128xf32>
    %slice3A_580 = vector.extract_strided_slice %select_n3A_572 {offsets = [0, 0], sizes = [16, 128], strides = [1, 1]} : vector<128x128xf32> to vector<16x128xf32>
    %concatenate3A_581 = tpu.concatenate %slice3A_579, %slice3A_580 in 0 : vector<112x128xf32>, vector<16x128xf32> -> vector<128x128xf32>
    %slice3A_582 = vector.extract_strided_slice %select_n3A_572 {offsets = [112, 0], sizes = [16, 128], strides = [1, 1]} : vector<128x128xf32> to vector<16x128xf32>
    %slice3A_583 = vector.extract_strided_slice %select_n3A_572 {offsets = [0, 0], sizes = [112, 128], strides = [1, 1]} : vector<128x128xf32> to vector<112x128xf32>
    %concatenate3A_584 = tpu.concatenate %slice3A_582, %slice3A_583 in 0 : vector<16x128xf32>, vector<112x128xf32> -> vector<128x128xf32>
    %select_n3A_585 = arith.select %ne3A_578, %concatenate3A_584, %concatenate3A_581 : vector<128x128xi1>, vector<128x128xf32>
    %min3A_586 = arith.minimumf %select_n3A_572, %select_n3A_585 : vector<128x128xf32>
    %max3A_587 = arith.maximumf %select_n3A_572, %select_n3A_585 : vector<128x128xf32>
    %ne3A_588 = arith.xori %ne3A_578, %ne3A_521 : vector<128x128xi1>
    %select_n3A_589 = arith.select %ne3A_588, %max3A_587, %min3A_586 : vector<128x128xi1>, vector<128x128xf32>
    %and3A_590 = arith.constant 8 : i32
    %and3A_591 = vector.broadcast %and3A_590 : i32 to vector<128x128xi32>
    %and3A_592 = arith.andi %add3A, %and3A_591 : vector<128x128xi32>
    %ne3A_593 = arith.constant 0 : i32
    %ne3A_594 = vector.broadcast %ne3A_593 : i32 to vector<128x128xi32>
    %ne3A_595 = arith.cmpi ne, %and3A_592, %ne3A_594 : vector<128x128xi32>
    %slice3A_596 = vector.extract_strided_slice %select_n3A_589 {offsets = [8, 0], sizes = [120, 128], strides = [1, 1]} : vector<128x128xf32> to vector<120x128xf32>
    %slice3A_597 = vector.extract_strided_slice %select_n3A_589 {offsets = [0, 0], sizes = [8, 128], strides = [1, 1]} : vector<128x128xf32> to vector<8x128xf32>
    %concatenate3A_598 = tpu.concatenate %slice3A_596, %slice3A_597 in 0 : vector<120x128xf32>, vector<8x128xf32> -> vector<128x128xf32>
    %slice3A_599 = vector.extract_strided_slice %select_n3A_589 {offsets = [120, 0], sizes = [8, 128], strides = [1, 1]} : vector<128x128xf32> to vector<8x128xf32>
    %slice3A_600 = vector.extract_strided_slice %select_n3A_589 {offsets = [0, 0], sizes = [120, 128], strides = [1, 1]} : vector<128x128xf32> to vector<120x128xf32>
    %concatenate3A_601 = tpu.concatenate %slice3A_599, %slice3A_600 in 0 : vector<8x128xf32>, vector<120x128xf32> -> vector<128x128xf32>
    %select_n3A_602 = arith.select %ne3A_595, %concatenate3A_601, %concatenate3A_598 : vector<128x128xi1>, vector<128x128xf32>
    %min3A_603 = arith.minimumf %select_n3A_589, %select_n3A_602 : vector<128x128xf32>
    %max3A_604 = arith.maximumf %select_n3A_589, %select_n3A_602 : vector<128x128xf32>
    %ne3A_605 = arith.xori %ne3A_595, %ne3A_521 : vector<128x128xi1>
    %select_n3A_606 = arith.select %ne3A_605, %max3A_604, %min3A_603 : vector<128x128xi1>, vector<128x128xf32>
    %and3A_607 = arith.constant 4 : i32
    %and3A_608 = vector.broadcast %and3A_607 : i32 to vector<128x128xi32>
    %and3A_609 = arith.andi %add3A, %and3A_608 : vector<128x128xi32>
    %ne3A_610 = arith.constant 0 : i32
    %ne3A_611 = vector.broadcast %ne3A_610 : i32 to vector<128x128xi32>
    %ne3A_612 = arith.cmpi ne, %and3A_609, %ne3A_611 : vector<128x128xi32>
    %slice3A_613 = vector.extract_strided_slice %select_n3A_606 {offsets = [4, 0], sizes = [124, 128], strides = [1, 1]} : vector<128x128xf32> to vector<124x128xf32>
    %slice3A_614 = vector.extract_strided_slice %select_n3A_606 {offsets = [0, 0], sizes = [4, 128], strides = [1, 1]} : vector<128x128xf32> to vector<4x128xf32>
    %concatenate3A_615 = tpu.concatenate %slice3A_613, %slice3A_614 in 0 : vector<124x128xf32>, vector<4x128xf32> -> vector<128x128xf32>
    %slice3A_616 = vector.extract_strided_slice %select_n3A_606 {offsets = [124, 0], sizes = [4, 128], strides = [1, 1]} : vector<128x128xf32> to vector<4x128xf32>
    %slice3A_617 = vector.extract_strided_slice %select_n3A_606 {offsets = [0, 0], sizes = [124, 128], strides = [1, 1]} : vector<128x128xf32> to vector<124x128xf32>
    %concatenate3A_618 = tpu.concatenate %slice3A_616, %slice3A_617 in 0 : vector<4x128xf32>, vector<124x128xf32> -> vector<128x128xf32>
    %select_n3A_619 = arith.select %ne3A_612, %concatenate3A_618, %concatenate3A_615 : vector<128x128xi1>, vector<128x128xf32>
    %min3A_620 = arith.minimumf %select_n3A_606, %select_n3A_619 : vector<128x128xf32>
    %max3A_621 = arith.maximumf %select_n3A_606, %select_n3A_619 : vector<128x128xf32>
    %ne3A_622 = arith.xori %ne3A_612, %ne3A_521 : vector<128x128xi1>
    %select_n3A_623 = arith.select %ne3A_622, %max3A_621, %min3A_620 : vector<128x128xi1>, vector<128x128xf32>
    %and3A_624 = arith.constant 2 : i32
    %and3A_625 = vector.broadcast %and3A_624 : i32 to vector<128x128xi32>
    %and3A_626 = arith.andi %add3A, %and3A_625 : vector<128x128xi32>
    %ne3A_627 = arith.constant 0 : i32
    %ne3A_628 = vector.broadcast %ne3A_627 : i32 to vector<128x128xi32>
    %ne3A_629 = arith.cmpi ne, %and3A_626, %ne3A_628 : vector<128x128xi32>
    %slice3A_630 = vector.extract_strided_slice %select_n3A_623 {offsets = [2, 0], sizes = [126, 128], strides = [1, 1]} : vector<128x128xf32> to vector<126x128xf32>
    %slice3A_631 = vector.extract_strided_slice %select_n3A_623 {offsets = [0, 0], sizes = [2, 128], strides = [1, 1]} : vector<128x128xf32> to vector<2x128xf32>
    %concatenate3A_632 = tpu.concatenate %slice3A_630, %slice3A_631 in 0 : vector<126x128xf32>, vector<2x128xf32> -> vector<128x128xf32>
    %slice3A_633 = vector.extract_strided_slice %select_n3A_623 {offsets = [126, 0], sizes = [2, 128], strides = [1, 1]} : vector<128x128xf32> to vector<2x128xf32>
    %slice3A_634 = vector.extract_strided_slice %select_n3A_623 {offsets = [0, 0], sizes = [126, 128], strides = [1, 1]} : vector<128x128xf32> to vector<126x128xf32>
    %concatenate3A_635 = tpu.concatenate %slice3A_633, %slice3A_634 in 0 : vector<2x128xf32>, vector<126x128xf32> -> vector<128x128xf32>
    %select_n3A_636 = arith.select %ne3A_629, %concatenate3A_635, %concatenate3A_632 : vector<128x128xi1>, vector<128x128xf32>
    %min3A_637 = arith.minimumf %select_n3A_623, %select_n3A_636 : vector<128x128xf32>
    %max3A_638 = arith.maximumf %select_n3A_623, %select_n3A_636 : vector<128x128xf32>
    %ne3A_639 = arith.xori %ne3A_629, %ne3A_521 : vector<128x128xi1>
    %select_n3A_640 = arith.select %ne3A_639, %max3A_638, %min3A_637 : vector<128x128xi1>, vector<128x128xf32>
    %and3A_641 = arith.constant 1 : i32
    %and3A_642 = vector.broadcast %and3A_641 : i32 to vector<128x128xi32>
    %and3A_643 = arith.andi %add3A, %and3A_642 : vector<128x128xi32>
    %ne3A_644 = arith.constant 0 : i32
    %ne3A_645 = vector.broadcast %ne3A_644 : i32 to vector<128x128xi32>
    %ne3A_646 = arith.cmpi ne, %and3A_643, %ne3A_645 : vector<128x128xi32>
    %slice3A_647 = vector.extract_strided_slice %select_n3A_640 {offsets = [1, 0], sizes = [127, 128], strides = [1, 1]} : vector<128x128xf32> to vector<127x128xf32>
    %slice3A_648 = vector.extract_strided_slice %select_n3A_640 {offsets = [0, 0], sizes = [1, 128], strides = [1, 1]} : vector<128x128xf32> to vector<1x128xf32>
    %concatenate3A_649 = tpu.concatenate %slice3A_647, %slice3A_648 in 0 : vector<127x128xf32>, vector<1x128xf32> -> vector<128x128xf32>
    %slice3A_650 = vector.extract_strided_slice %select_n3A_640 {offsets = [127, 0], sizes = [1, 128], strides = [1, 1]} : vector<128x128xf32> to vector<1x128xf32>
    %slice3A_651 = vector.extract_strided_slice %select_n3A_640 {offsets = [0, 0], sizes = [127, 128], strides = [1, 1]} : vector<128x128xf32> to vector<127x128xf32>
    %concatenate3A_652 = tpu.concatenate %slice3A_650, %slice3A_651 in 0 : vector<1x128xf32>, vector<127x128xf32> -> vector<128x128xf32>
    %select_n3A_653 = arith.select %ne3A_646, %concatenate3A_652, %concatenate3A_649 : vector<128x128xi1>, vector<128x128xf32>
    %min3A_654 = arith.minimumf %select_n3A_640, %select_n3A_653 : vector<128x128xf32>
    %max3A_655 = arith.maximumf %select_n3A_640, %select_n3A_653 : vector<128x128xf32>
    %ne3A_656 = arith.xori %ne3A_646, %ne3A_521 : vector<128x128xi1>
    %select_n3A_657 = arith.select %ne3A_656, %max3A_655, %min3A_654 : vector<128x128xi1>, vector<128x128xf32>
    %and3A_658 = arith.constant 512 : i32
    %and3A_659 = vector.broadcast %and3A_658 : i32 to vector<128x128xi32>
    %and3A_660 = arith.andi %add3A, %and3A_659 : vector<128x128xi32>
    %ne3A_661 = arith.constant 0 : i32
    %ne3A_662 = vector.broadcast %ne3A_661 : i32 to vector<128x128xi32>
    %ne3A_663 = arith.cmpi ne, %and3A_660, %ne3A_662 : vector<128x128xi32>
    %and3A_664 = arith.constant 256 : i32
    %and3A_665 = vector.broadcast %and3A_664 : i32 to vector<128x128xi32>
    %and3A_666 = arith.andi %add3A, %and3A_665 : vector<128x128xi32>
    %ne3A_667 = arith.constant 0 : i32
    %ne3A_668 = vector.broadcast %ne3A_667 : i32 to vector<128x128xi32>
    %ne3A_669 = arith.cmpi ne, %and3A_666, %ne3A_668 : vector<128x128xi32>
    %slice3A_670 = vector.extract_strided_slice %select_n3A_657 {offsets = [0, 2], sizes = [128, 126], strides = [1, 1]} : vector<128x128xf32> to vector<128x126xf32>
    %slice3A_671 = vector.extract_strided_slice %select_n3A_657 {offsets = [0, 0], sizes = [128, 2], strides = [1, 1]} : vector<128x128xf32> to vector<128x2xf32>
    %concatenate3A_672 = tpu.concatenate %slice3A_670, %slice3A_671 in 1 : vector<128x126xf32>, vector<128x2xf32> -> vector<128x128xf32>
    %slice3A_673 = vector.extract_strided_slice %select_n3A_657 {offsets = [0, 126], sizes = [128, 2], strides = [1, 1]} : vector<128x128xf32> to vector<128x2xf32>
    %slice3A_674 = vector.extract_strided_slice %select_n3A_657 {offsets = [0, 0], sizes = [128, 126], strides = [1, 1]} : vector<128x128xf32> to vector<128x126xf32>
    %concatenate3A_675 = tpu.concatenate %slice3A_673, %slice3A_674 in 1 : vector<128x2xf32>, vector<128x126xf32> -> vector<128x128xf32>
    %select_n3A_676 = arith.select %ne3A_669, %concatenate3A_675, %concatenate3A_672 : vector<128x128xi1>, vector<128x128xf32>
    %min3A_677 = arith.minimumf %select_n3A_657, %select_n3A_676 : vector<128x128xf32>
    %max3A_678 = arith.maximumf %select_n3A_657, %select_n3A_676 : vector<128x128xf32>
    %ne3A_679 = arith.xori %ne3A_669, %ne3A_663 : vector<128x128xi1>
    %select_n3A_680 = arith.select %ne3A_679, %max3A_678, %min3A_677 : vector<128x128xi1>, vector<128x128xf32>
    %and3A_681 = arith.constant 128 : i32
    %and3A_682 = vector.broadcast %and3A_681 : i32 to vector<128x128xi32>
    %and3A_683 = arith.andi %add3A, %and3A_682 : vector<128x128xi32>
    %ne3A_684 = arith.constant 0 : i32
    %ne3A_685 = vector.broadcast %ne3A_684 : i32 to vector<128x128xi32>
    %ne3A_686 = arith.cmpi ne, %and3A_683, %ne3A_685 : vector<128x128xi32>
    %slice3A_687 = vector.extract_strided_slice %select_n3A_680 {offsets = [0, 1], sizes = [128, 127], strides = [1, 1]} : vector<128x128xf32> to vector<128x127xf32>
    %slice3A_688 = vector.extract_strided_slice %select_n3A_680 {offsets = [0, 0], sizes = [128, 1], strides = [1, 1]} : vector<128x128xf32> to vector<128x1xf32>
    %concatenate3A_689 = tpu.concatenate %slice3A_687, %slice3A_688 in 1 : vector<128x127xf32>, vector<128x1xf32> -> vector<128x128xf32>
    %slice3A_690 = vector.extract_strided_slice %select_n3A_680 {offsets = [0, 127], sizes = [128, 1], strides = [1, 1]} : vector<128x128xf32> to vector<128x1xf32>
    %slice3A_691 = vector.extract_strided_slice %select_n3A_680 {offsets = [0, 0], sizes = [128, 127], strides = [1, 1]} : vector<128x128xf32> to vector<128x127xf32>
    %concatenate3A_692 = tpu.concatenate %slice3A_690, %slice3A_691 in 1 : vector<128x1xf32>, vector<128x127xf32> -> vector<128x128xf32>
    %select_n3A_693 = arith.select %ne3A_686, %concatenate3A_692, %concatenate3A_689 : vector<128x128xi1>, vector<128x128xf32>
    %min3A_694 = arith.minimumf %select_n3A_680, %select_n3A_693 : vector<128x128xf32>
    %max3A_695 = arith.maximumf %select_n3A_680, %select_n3A_693 : vector<128x128xf32>
    %ne3A_696 = arith.xori %ne3A_686, %ne3A_663 : vector<128x128xi1>
    %select_n3A_697 = arith.select %ne3A_696, %max3A_695, %min3A_694 : vector<128x128xi1>, vector<128x128xf32>
    %and3A_698 = arith.constant 64 : i32
    %and3A_699 = vector.broadcast %and3A_698 : i32 to vector<128x128xi32>
    %and3A_700 = arith.andi %add3A, %and3A_699 : vector<128x128xi32>
    %ne3A_701 = arith.constant 0 : i32
    %ne3A_702 = vector.broadcast %ne3A_701 : i32 to vector<128x128xi32>
    %ne3A_703 = arith.cmpi ne, %and3A_700, %ne3A_702 : vector<128x128xi32>
    %slice3A_704 = vector.extract_strided_slice %select_n3A_697 {offsets = [64, 0], sizes = [64, 128], strides = [1, 1]} : vector<128x128xf32> to vector<64x128xf32>
    %slice3A_705 = vector.extract_strided_slice %select_n3A_697 {offsets = [0, 0], sizes = [64, 128], strides = [1, 1]} : vector<128x128xf32> to vector<64x128xf32>
    %concatenate3A_706 = tpu.concatenate %slice3A_704, %slice3A_705 in 0 : vector<64x128xf32>, vector<64x128xf32> -> vector<128x128xf32>
    %slice3A_707 = vector.extract_strided_slice %select_n3A_697 {offsets = [64, 0], sizes = [64, 128], strides = [1, 1]} : vector<128x128xf32> to vector<64x128xf32>
    %slice3A_708 = vector.extract_strided_slice %select_n3A_697 {offsets = [0, 0], sizes = [64, 128], strides = [1, 1]} : vector<128x128xf32> to vector<64x128xf32>
    %concatenate3A_709 = tpu.concatenate %slice3A_707, %slice3A_708 in 0 : vector<64x128xf32>, vector<64x128xf32> -> vector<128x128xf32>
    %select_n3A_710 = arith.select %ne3A_703, %concatenate3A_709, %concatenate3A_706 : vector<128x128xi1>, vector<128x128xf32>
    %min3A_711 = arith.minimumf %select_n3A_697, %select_n3A_710 : vector<128x128xf32>
    %max3A_712 = arith.maximumf %select_n3A_697, %select_n3A_710 : vector<128x128xf32>
    %ne3A_713 = arith.xori %ne3A_703, %ne3A_663 : vector<128x128xi1>
    %select_n3A_714 = arith.select %ne3A_713, %max3A_712, %min3A_711 : vector<128x128xi1>, vector<128x128xf32>
    %and3A_715 = arith.constant 32 : i32
    %and3A_716 = vector.broadcast %and3A_715 : i32 to vector<128x128xi32>
    %and3A_717 = arith.andi %add3A, %and3A_716 : vector<128x128xi32>
    %ne3A_718 = arith.constant 0 : i32
    %ne3A_719 = vector.broadcast %ne3A_718 : i32 to vector<128x128xi32>
    %ne3A_720 = arith.cmpi ne, %and3A_717, %ne3A_719 : vector<128x128xi32>
    %slice3A_721 = vector.extract_strided_slice %select_n3A_714 {offsets = [32, 0], sizes = [96, 128], strides = [1, 1]} : vector<128x128xf32> to vector<96x128xf32>
    %slice3A_722 = vector.extract_strided_slice %select_n3A_714 {offsets = [0, 0], sizes = [32, 128], strides = [1, 1]} : vector<128x128xf32> to vector<32x128xf32>
    %concatenate3A_723 = tpu.concatenate %slice3A_721, %slice3A_722 in 0 : vector<96x128xf32>, vector<32x128xf32> -> vector<128x128xf32>
    %slice3A_724 = vector.extract_strided_slice %select_n3A_714 {offsets = [96, 0], sizes = [32, 128], strides = [1, 1]} : vector<128x128xf32> to vector<32x128xf32>
    %slice3A_725 = vector.extract_strided_slice %select_n3A_714 {offsets = [0, 0], sizes = [96, 128], strides = [1, 1]} : vector<128x128xf32> to vector<96x128xf32>
    %concatenate3A_726 = tpu.concatenate %slice3A_724, %slice3A_725 in 0 : vector<32x128xf32>, vector<96x128xf32> -> vector<128x128xf32>
    %select_n3A_727 = arith.select %ne3A_720, %concatenate3A_726, %concatenate3A_723 : vector<128x128xi1>, vector<128x128xf32>
    %min3A_728 = arith.minimumf %select_n3A_714, %select_n3A_727 : vector<128x128xf32>
    %max3A_729 = arith.maximumf %select_n3A_714, %select_n3A_727 : vector<128x128xf32>
    %ne3A_730 = arith.xori %ne3A_720, %ne3A_663 : vector<128x128xi1>
    %select_n3A_731 = arith.select %ne3A_730, %max3A_729, %min3A_728 : vector<128x128xi1>, vector<128x128xf32>
    %and3A_732 = arith.constant 16 : i32
    %and3A_733 = vector.broadcast %and3A_732 : i32 to vector<128x128xi32>
    %and3A_734 = arith.andi %add3A, %and3A_733 : vector<128x128xi32>
    %ne3A_735 = arith.constant 0 : i32
    %ne3A_736 = vector.broadcast %ne3A_735 : i32 to vector<128x128xi32>
    %ne3A_737 = arith.cmpi ne, %and3A_734, %ne3A_736 : vector<128x128xi32>
    %slice3A_738 = vector.extract_strided_slice %select_n3A_731 {offsets = [16, 0], sizes = [112, 128], strides = [1, 1]} : vector<128x128xf32> to vector<112x128xf32>
    %slice3A_739 = vector.extract_strided_slice %select_n3A_731 {offsets = [0, 0], sizes = [16, 128], strides = [1, 1]} : vector<128x128xf32> to vector<16x128xf32>
    %concatenate3A_740 = tpu.concatenate %slice3A_738, %slice3A_739 in 0 : vector<112x128xf32>, vector<16x128xf32> -> vector<128x128xf32>
    %slice3A_741 = vector.extract_strided_slice %select_n3A_731 {offsets = [112, 0], sizes = [16, 128], strides = [1, 1]} : vector<128x128xf32> to vector<16x128xf32>
    %slice3A_742 = vector.extract_strided_slice %select_n3A_731 {offsets = [0, 0], sizes = [112, 128], strides = [1, 1]} : vector<128x128xf32> to vector<112x128xf32>
    %concatenate3A_743 = tpu.concatenate %slice3A_741, %slice3A_742 in 0 : vector<16x128xf32>, vector<112x128xf32> -> vector<128x128xf32>
    %select_n3A_744 = arith.select %ne3A_737, %concatenate3A_743, %concatenate3A_740 : vector<128x128xi1>, vector<128x128xf32>
    %min3A_745 = arith.minimumf %select_n3A_731, %select_n3A_744 : vector<128x128xf32>
    %max3A_746 = arith.maximumf %select_n3A_731, %select_n3A_744 : vector<128x128xf32>
    %ne3A_747 = arith.xori %ne3A_737, %ne3A_663 : vector<128x128xi1>
    %select_n3A_748 = arith.select %ne3A_747, %max3A_746, %min3A_745 : vector<128x128xi1>, vector<128x128xf32>
    %and3A_749 = arith.constant 8 : i32
    %and3A_750 = vector.broadcast %and3A_749 : i32 to vector<128x128xi32>
    %and3A_751 = arith.andi %add3A, %and3A_750 : vector<128x128xi32>
    %ne3A_752 = arith.constant 0 : i32
    %ne3A_753 = vector.broadcast %ne3A_752 : i32 to vector<128x128xi32>
    %ne3A_754 = arith.cmpi ne, %and3A_751, %ne3A_753 : vector<128x128xi32>
    %slice3A_755 = vector.extract_strided_slice %select_n3A_748 {offsets = [8, 0], sizes = [120, 128], strides = [1, 1]} : vector<128x128xf32> to vector<120x128xf32>
    %slice3A_756 = vector.extract_strided_slice %select_n3A_748 {offsets = [0, 0], sizes = [8, 128], strides = [1, 1]} : vector<128x128xf32> to vector<8x128xf32>
    %concatenate3A_757 = tpu.concatenate %slice3A_755, %slice3A_756 in 0 : vector<120x128xf32>, vector<8x128xf32> -> vector<128x128xf32>
    %slice3A_758 = vector.extract_strided_slice %select_n3A_748 {offsets = [120, 0], sizes = [8, 128], strides = [1, 1]} : vector<128x128xf32> to vector<8x128xf32>
    %slice3A_759 = vector.extract_strided_slice %select_n3A_748 {offsets = [0, 0], sizes = [120, 128], strides = [1, 1]} : vector<128x128xf32> to vector<120x128xf32>
    %concatenate3A_760 = tpu.concatenate %slice3A_758, %slice3A_759 in 0 : vector<8x128xf32>, vector<120x128xf32> -> vector<128x128xf32>
    %select_n3A_761 = arith.select %ne3A_754, %concatenate3A_760, %concatenate3A_757 : vector<128x128xi1>, vector<128x128xf32>
    %min3A_762 = arith.minimumf %select_n3A_748, %select_n3A_761 : vector<128x128xf32>
    %max3A_763 = arith.maximumf %select_n3A_748, %select_n3A_761 : vector<128x128xf32>
    %ne3A_764 = arith.xori %ne3A_754, %ne3A_663 : vector<128x128xi1>
    %select_n3A_765 = arith.select %ne3A_764, %max3A_763, %min3A_762 : vector<128x128xi1>, vector<128x128xf32>
    %and3A_766 = arith.constant 4 : i32
    %and3A_767 = vector.broadcast %and3A_766 : i32 to vector<128x128xi32>
    %and3A_768 = arith.andi %add3A, %and3A_767 : vector<128x128xi32>
    %ne3A_769 = arith.constant 0 : i32
    %ne3A_770 = vector.broadcast %ne3A_769 : i32 to vector<128x128xi32>
    %ne3A_771 = arith.cmpi ne, %and3A_768, %ne3A_770 : vector<128x128xi32>
    %slice3A_772 = vector.extract_strided_slice %select_n3A_765 {offsets = [4, 0], sizes = [124, 128], strides = [1, 1]} : vector<128x128xf32> to vector<124x128xf32>
    %slice3A_773 = vector.extract_strided_slice %select_n3A_765 {offsets = [0, 0], sizes = [4, 128], strides = [1, 1]} : vector<128x128xf32> to vector<4x128xf32>
    %concatenate3A_774 = tpu.concatenate %slice3A_772, %slice3A_773 in 0 : vector<124x128xf32>, vector<4x128xf32> -> vector<128x128xf32>
    %slice3A_775 = vector.extract_strided_slice %select_n3A_765 {offsets = [124, 0], sizes = [4, 128], strides = [1, 1]} : vector<128x128xf32> to vector<4x128xf32>
    %slice3A_776 = vector.extract_strided_slice %select_n3A_765 {offsets = [0, 0], sizes = [124, 128], strides = [1, 1]} : vector<128x128xf32> to vector<124x128xf32>
    %concatenate3A_777 = tpu.concatenate %slice3A_775, %slice3A_776 in 0 : vector<4x128xf32>, vector<124x128xf32> -> vector<128x128xf32>
    %select_n3A_778 = arith.select %ne3A_771, %concatenate3A_777, %concatenate3A_774 : vector<128x128xi1>, vector<128x128xf32>
    %min3A_779 = arith.minimumf %select_n3A_765, %select_n3A_778 : vector<128x128xf32>
    %max3A_780 = arith.maximumf %select_n3A_765, %select_n3A_778 : vector<128x128xf32>
    %ne3A_781 = arith.xori %ne3A_771, %ne3A_663 : vector<128x128xi1>
    %select_n3A_782 = arith.select %ne3A_781, %max3A_780, %min3A_779 : vector<128x128xi1>, vector<128x128xf32>
    %and3A_783 = arith.constant 2 : i32
    %and3A_784 = vector.broadcast %and3A_783 : i32 to vector<128x128xi32>
    %and3A_785 = arith.andi %add3A, %and3A_784 : vector<128x128xi32>
    %ne3A_786 = arith.constant 0 : i32
    %ne3A_787 = vector.broadcast %ne3A_786 : i32 to vector<128x128xi32>
    %ne3A_788 = arith.cmpi ne, %and3A_785, %ne3A_787 : vector<128x128xi32>
    %slice3A_789 = vector.extract_strided_slice %select_n3A_782 {offsets = [2, 0], sizes = [126, 128], strides = [1, 1]} : vector<128x128xf32> to vector<126x128xf32>
    %slice3A_790 = vector.extract_strided_slice %select_n3A_782 {offsets = [0, 0], sizes = [2, 128], strides = [1, 1]} : vector<128x128xf32> to vector<2x128xf32>
    %concatenate3A_791 = tpu.concatenate %slice3A_789, %slice3A_790 in 0 : vector<126x128xf32>, vector<2x128xf32> -> vector<128x128xf32>
    %slice3A_792 = vector.extract_strided_slice %select_n3A_782 {offsets = [126, 0], sizes = [2, 128], strides = [1, 1]} : vector<128x128xf32> to vector<2x128xf32>
    %slice3A_793 = vector.extract_strided_slice %select_n3A_782 {offsets = [0, 0], sizes = [126, 128], strides = [1, 1]} : vector<128x128xf32> to vector<126x128xf32>
    %concatenate3A_794 = tpu.concatenate %slice3A_792, %slice3A_793 in 0 : vector<2x128xf32>, vector<126x128xf32> -> vector<128x128xf32>
    %select_n3A_795 = arith.select %ne3A_788, %concatenate3A_794, %concatenate3A_791 : vector<128x128xi1>, vector<128x128xf32>
    %min3A_796 = arith.minimumf %select_n3A_782, %select_n3A_795 : vector<128x128xf32>
    %max3A_797 = arith.maximumf %select_n3A_782, %select_n3A_795 : vector<128x128xf32>
    %ne3A_798 = arith.xori %ne3A_788, %ne3A_663 : vector<128x128xi1>
    %select_n3A_799 = arith.select %ne3A_798, %max3A_797, %min3A_796 : vector<128x128xi1>, vector<128x128xf32>
    %and3A_800 = arith.constant 1 : i32
    %and3A_801 = vector.broadcast %and3A_800 : i32 to vector<128x128xi32>
    %and3A_802 = arith.andi %add3A, %and3A_801 : vector<128x128xi32>
    %ne3A_803 = arith.constant 0 : i32
    %ne3A_804 = vector.broadcast %ne3A_803 : i32 to vector<128x128xi32>
    %ne3A_805 = arith.cmpi ne, %and3A_802, %ne3A_804 : vector<128x128xi32>
    %slice3A_806 = vector.extract_strided_slice %select_n3A_799 {offsets = [1, 0], sizes = [127, 128], strides = [1, 1]} : vector<128x128xf32> to vector<127x128xf32>
    %slice3A_807 = vector.extract_strided_slice %select_n3A_799 {offsets = [0, 0], sizes = [1, 128], strides = [1, 1]} : vector<128x128xf32> to vector<1x128xf32>
    %concatenate3A_808 = tpu.concatenate %slice3A_806, %slice3A_807 in 0 : vector<127x128xf32>, vector<1x128xf32> -> vector<128x128xf32>
    %slice3A_809 = vector.extract_strided_slice %select_n3A_799 {offsets = [127, 0], sizes = [1, 128], strides = [1, 1]} : vector<128x128xf32> to vector<1x128xf32>
    %slice3A_810 = vector.extract_strided_slice %select_n3A_799 {offsets = [0, 0], sizes = [127, 128], strides = [1, 1]} : vector<128x128xf32> to vector<127x128xf32>
    %concatenate3A_811 = tpu.concatenate %slice3A_809, %slice3A_810 in 0 : vector<1x128xf32>, vector<127x128xf32> -> vector<128x128xf32>
    %select_n3A_812 = arith.select %ne3A_805, %concatenate3A_811, %concatenate3A_808 : vector<128x128xi1>, vector<128x128xf32>
    %min3A_813 = arith.minimumf %select_n3A_799, %select_n3A_812 : vector<128x128xf32>
    %max3A_814 = arith.maximumf %select_n3A_799, %select_n3A_812 : vector<128x128xf32>
    %ne3A_815 = arith.xori %ne3A_805, %ne3A_663 : vector<128x128xi1>
    %select_n3A_816 = arith.select %ne3A_815, %max3A_814, %min3A_813 : vector<128x128xi1>, vector<128x128xf32>
    %and3A_817 = arith.constant 1024 : i32
    %and3A_818 = vector.broadcast %and3A_817 : i32 to vector<128x128xi32>
    %and3A_819 = arith.andi %add3A, %and3A_818 : vector<128x128xi32>
    %ne3A_820 = arith.constant 0 : i32
    %ne3A_821 = vector.broadcast %ne3A_820 : i32 to vector<128x128xi32>
    %ne3A_822 = arith.cmpi ne, %and3A_819, %ne3A_821 : vector<128x128xi32>
    %and3A_823 = arith.constant 512 : i32
    %and3A_824 = vector.broadcast %and3A_823 : i32 to vector<128x128xi32>
    %and3A_825 = arith.andi %add3A, %and3A_824 : vector<128x128xi32>
    %ne3A_826 = arith.constant 0 : i32
    %ne3A_827 = vector.broadcast %ne3A_826 : i32 to vector<128x128xi32>
    %ne3A_828 = arith.cmpi ne, %and3A_825, %ne3A_827 : vector<128x128xi32>
    %slice3A_829 = vector.extract_strided_slice %select_n3A_816 {offsets = [0, 4], sizes = [128, 124], strides = [1, 1]} : vector<128x128xf32> to vector<128x124xf32>
    %slice3A_830 = vector.extract_strided_slice %select_n3A_816 {offsets = [0, 0], sizes = [128, 4], strides = [1, 1]} : vector<128x128xf32> to vector<128x4xf32>
    %concatenate3A_831 = tpu.concatenate %slice3A_829, %slice3A_830 in 1 : vector<128x124xf32>, vector<128x4xf32> -> vector<128x128xf32>
    %slice3A_832 = vector.extract_strided_slice %select_n3A_816 {offsets = [0, 124], sizes = [128, 4], strides = [1, 1]} : vector<128x128xf32> to vector<128x4xf32>
    %slice3A_833 = vector.extract_strided_slice %select_n3A_816 {offsets = [0, 0], sizes = [128, 124], strides = [1, 1]} : vector<128x128xf32> to vector<128x124xf32>
    %concatenate3A_834 = tpu.concatenate %slice3A_832, %slice3A_833 in 1 : vector<128x4xf32>, vector<128x124xf32> -> vector<128x128xf32>
    %select_n3A_835 = arith.select %ne3A_828, %concatenate3A_834, %concatenate3A_831 : vector<128x128xi1>, vector<128x128xf32>
    %min3A_836 = arith.minimumf %select_n3A_816, %select_n3A_835 : vector<128x128xf32>
    %max3A_837 = arith.maximumf %select_n3A_816, %select_n3A_835 : vector<128x128xf32>
    %ne3A_838 = arith.xori %ne3A_828, %ne3A_822 : vector<128x128xi1>
    %select_n3A_839 = arith.select %ne3A_838, %max3A_837, %min3A_836 : vector<128x128xi1>, vector<128x128xf32>
    %and3A_840 = arith.constant 256 : i32
    %and3A_841 = vector.broadcast %and3A_840 : i32 to vector<128x128xi32>
    %and3A_842 = arith.andi %add3A, %and3A_841 : vector<128x128xi32>
    %ne3A_843 = arith.constant 0 : i32
    %ne3A_844 = vector.broadcast %ne3A_843 : i32 to vector<128x128xi32>
    %ne3A_845 = arith.cmpi ne, %and3A_842, %ne3A_844 : vector<128x128xi32>
    %slice3A_846 = vector.extract_strided_slice %select_n3A_839 {offsets = [0, 2], sizes = [128, 126], strides = [1, 1]} : vector<128x128xf32> to vector<128x126xf32>
    %slice3A_847 = vector.extract_strided_slice %select_n3A_839 {offsets = [0, 0], sizes = [128, 2], strides = [1, 1]} : vector<128x128xf32> to vector<128x2xf32>
    %concatenate3A_848 = tpu.concatenate %slice3A_846, %slice3A_847 in 1 : vector<128x126xf32>, vector<128x2xf32> -> vector<128x128xf32>
    %slice3A_849 = vector.extract_strided_slice %select_n3A_839 {offsets = [0, 126], sizes = [128, 2], strides = [1, 1]} : vector<128x128xf32> to vector<128x2xf32>
    %slice3A_850 = vector.extract_strided_slice %select_n3A_839 {offsets = [0, 0], sizes = [128, 126], strides = [1, 1]} : vector<128x128xf32> to vector<128x126xf32>
    %concatenate3A_851 = tpu.concatenate %slice3A_849, %slice3A_850 in 1 : vector<128x2xf32>, vector<128x126xf32> -> vector<128x128xf32>
    %select_n3A_852 = arith.select %ne3A_845, %concatenate3A_851, %concatenate3A_848 : vector<128x128xi1>, vector<128x128xf32>
    %min3A_853 = arith.minimumf %select_n3A_839, %select_n3A_852 : vector<128x128xf32>
    %max3A_854 = arith.maximumf %select_n3A_839, %select_n3A_852 : vector<128x128xf32>
    %ne3A_855 = arith.xori %ne3A_845, %ne3A_822 : vector<128x128xi1>
    %select_n3A_856 = arith.select %ne3A_855, %max3A_854, %min3A_853 : vector<128x128xi1>, vector<128x128xf32>
    %and3A_857 = arith.constant 128 : i32
    %and3A_858 = vector.broadcast %and3A_857 : i32 to vector<128x128xi32>
    %and3A_859 = arith.andi %add3A, %and3A_858 : vector<128x128xi32>
    %ne3A_860 = arith.constant 0 : i32
    %ne3A_861 = vector.broadcast %ne3A_860 : i32 to vector<128x128xi32>
    %ne3A_862 = arith.cmpi ne, %and3A_859, %ne3A_861 : vector<128x128xi32>
    %slice3A_863 = vector.extract_strided_slice %select_n3A_856 {offsets = [0, 1], sizes = [128, 127], strides = [1, 1]} : vector<128x128xf32> to vector<128x127xf32>
    %slice3A_864 = vector.extract_strided_slice %select_n3A_856 {offsets = [0, 0], sizes = [128, 1], strides = [1, 1]} : vector<128x128xf32> to vector<128x1xf32>
    %concatenate3A_865 = tpu.concatenate %slice3A_863, %slice3A_864 in 1 : vector<128x127xf32>, vector<128x1xf32> -> vector<128x128xf32>
    %slice3A_866 = vector.extract_strided_slice %select_n3A_856 {offsets = [0, 127], sizes = [128, 1], strides = [1, 1]} : vector<128x128xf32> to vector<128x1xf32>
    %slice3A_867 = vector.extract_strided_slice %select_n3A_856 {offsets = [0, 0], sizes = [128, 127], strides = [1, 1]} : vector<128x128xf32> to vector<128x127xf32>
    %concatenate3A_868 = tpu.concatenate %slice3A_866, %slice3A_867 in 1 : vector<128x1xf32>, vector<128x127xf32> -> vector<128x128xf32>
    %select_n3A_869 = arith.select %ne3A_862, %concatenate3A_868, %concatenate3A_865 : vector<128x128xi1>, vector<128x128xf32>
    %min3A_870 = arith.minimumf %select_n3A_856, %select_n3A_869 : vector<128x128xf32>
    %max3A_871 = arith.maximumf %select_n3A_856, %select_n3A_869 : vector<128x128xf32>
    %ne3A_872 = arith.xori %ne3A_862, %ne3A_822 : vector<128x128xi1>
    %select_n3A_873 = arith.select %ne3A_872, %max3A_871, %min3A_870 : vector<128x128xi1>, vector<128x128xf32>
    %and3A_874 = arith.constant 64 : i32
    %and3A_875 = vector.broadcast %and3A_874 : i32 to vector<128x128xi32>
    %and3A_876 = arith.andi %add3A, %and3A_875 : vector<128x128xi32>
    %ne3A_877 = arith.constant 0 : i32
    %ne3A_878 = vector.broadcast %ne3A_877 : i32 to vector<128x128xi32>
    %ne3A_879 = arith.cmpi ne, %and3A_876, %ne3A_878 : vector<128x128xi32>
    %slice3A_880 = vector.extract_strided_slice %select_n3A_873 {offsets = [64, 0], sizes = [64, 128], strides = [1, 1]} : vector<128x128xf32> to vector<64x128xf32>
    %slice3A_881 = vector.extract_strided_slice %select_n3A_873 {offsets = [0, 0], sizes = [64, 128], strides = [1, 1]} : vector<128x128xf32> to vector<64x128xf32>
    %concatenate3A_882 = tpu.concatenate %slice3A_880, %slice3A_881 in 0 : vector<64x128xf32>, vector<64x128xf32> -> vector<128x128xf32>
    %slice3A_883 = vector.extract_strided_slice %select_n3A_873 {offsets = [64, 0], sizes = [64, 128], strides = [1, 1]} : vector<128x128xf32> to vector<64x128xf32>
    %slice3A_884 = vector.extract_strided_slice %select_n3A_873 {offsets = [0, 0], sizes = [64, 128], strides = [1, 1]} : vector<128x128xf32> to vector<64x128xf32>
    %concatenate3A_885 = tpu.concatenate %slice3A_883, %slice3A_884 in 0 : vector<64x128xf32>, vector<64x128xf32> -> vector<128x128xf32>
    %select_n3A_886 = arith.select %ne3A_879, %concatenate3A_885, %concatenate3A_882 : vector<128x128xi1>, vector<128x128xf32>
    %min3A_887 = arith.minimumf %select_n3A_873, %select_n3A_886 : vector<128x128xf32>
    %max3A_888 = arith.maximumf %select_n3A_873, %select_n3A_886 : vector<128x128xf32>
    %ne3A_889 = arith.xori %ne3A_879, %ne3A_822 : vector<128x128xi1>
    %select_n3A_890 = arith.select %ne3A_889, %max3A_888, %min3A_887 : vector<128x128xi1>, vector<128x128xf32>
    %and3A_891 = arith.constant 32 : i32
    %and3A_892 = vector.broadcast %and3A_891 : i32 to vector<128x128xi32>
    %and3A_893 = arith.andi %add3A, %and3A_892 : vector<128x128xi32>
    %ne3A_894 = arith.constant 0 : i32
    %ne3A_895 = vector.broadcast %ne3A_894 : i32 to vector<128x128xi32>
    %ne3A_896 = arith.cmpi ne, %and3A_893, %ne3A_895 : vector<128x128xi32>
    %slice3A_897 = vector.extract_strided_slice %select_n3A_890 {offsets = [32, 0], sizes = [96, 128], strides = [1, 1]} : vector<128x128xf32> to vector<96x128xf32>
    %slice3A_898 = vector.extract_strided_slice %select_n3A_890 {offsets = [0, 0], sizes = [32, 128], strides = [1, 1]} : vector<128x128xf32> to vector<32x128xf32>
    %concatenate3A_899 = tpu.concatenate %slice3A_897, %slice3A_898 in 0 : vector<96x128xf32>, vector<32x128xf32> -> vector<128x128xf32>
    %slice3A_900 = vector.extract_strided_slice %select_n3A_890 {offsets = [96, 0], sizes = [32, 128], strides = [1, 1]} : vector<128x128xf32> to vector<32x128xf32>
    %slice3A_901 = vector.extract_strided_slice %select_n3A_890 {offsets = [0, 0], sizes = [96, 128], strides = [1, 1]} : vector<128x128xf32> to vector<96x128xf32>
    %concatenate3A_902 = tpu.concatenate %slice3A_900, %slice3A_901 in 0 : vector<32x128xf32>, vector<96x128xf32> -> vector<128x128xf32>
    %select_n3A_903 = arith.select %ne3A_896, %concatenate3A_902, %concatenate3A_899 : vector<128x128xi1>, vector<128x128xf32>
    %min3A_904 = arith.minimumf %select_n3A_890, %select_n3A_903 : vector<128x128xf32>
    %max3A_905 = arith.maximumf %select_n3A_890, %select_n3A_903 : vector<128x128xf32>
    %ne3A_906 = arith.xori %ne3A_896, %ne3A_822 : vector<128x128xi1>
    %select_n3A_907 = arith.select %ne3A_906, %max3A_905, %min3A_904 : vector<128x128xi1>, vector<128x128xf32>
    %and3A_908 = arith.constant 16 : i32
    %and3A_909 = vector.broadcast %and3A_908 : i32 to vector<128x128xi32>
    %and3A_910 = arith.andi %add3A, %and3A_909 : vector<128x128xi32>
    %ne3A_911 = arith.constant 0 : i32
    %ne3A_912 = vector.broadcast %ne3A_911 : i32 to vector<128x128xi32>
    %ne3A_913 = arith.cmpi ne, %and3A_910, %ne3A_912 : vector<128x128xi32>
    %slice3A_914 = vector.extract_strided_slice %select_n3A_907 {offsets = [16, 0], sizes = [112, 128], strides = [1, 1]} : vector<128x128xf32> to vector<112x128xf32>
    %slice3A_915 = vector.extract_strided_slice %select_n3A_907 {offsets = [0, 0], sizes = [16, 128], strides = [1, 1]} : vector<128x128xf32> to vector<16x128xf32>
    %concatenate3A_916 = tpu.concatenate %slice3A_914, %slice3A_915 in 0 : vector<112x128xf32>, vector<16x128xf32> -> vector<128x128xf32>
    %slice3A_917 = vector.extract_strided_slice %select_n3A_907 {offsets = [112, 0], sizes = [16, 128], strides = [1, 1]} : vector<128x128xf32> to vector<16x128xf32>
    %slice3A_918 = vector.extract_strided_slice %select_n3A_907 {offsets = [0, 0], sizes = [112, 128], strides = [1, 1]} : vector<128x128xf32> to vector<112x128xf32>
    %concatenate3A_919 = tpu.concatenate %slice3A_917, %slice3A_918 in 0 : vector<16x128xf32>, vector<112x128xf32> -> vector<128x128xf32>
    %select_n3A_920 = arith.select %ne3A_913, %concatenate3A_919, %concatenate3A_916 : vector<128x128xi1>, vector<128x128xf32>
    %min3A_921 = arith.minimumf %select_n3A_907, %select_n3A_920 : vector<128x128xf32>
    %max3A_922 = arith.maximumf %select_n3A_907, %select_n3A_920 : vector<128x128xf32>
    %ne3A_923 = arith.xori %ne3A_913, %ne3A_822 : vector<128x128xi1>
    %select_n3A_924 = arith.select %ne3A_923, %max3A_922, %min3A_921 : vector<128x128xi1>, vector<128x128xf32>
    %and3A_925 = arith.constant 8 : i32
    %and3A_926 = vector.broadcast %and3A_925 : i32 to vector<128x128xi32>
    %and3A_927 = arith.andi %add3A, %and3A_926 : vector<128x128xi32>
    %ne3A_928 = arith.constant 0 : i32
    %ne3A_929 = vector.broadcast %ne3A_928 : i32 to vector<128x128xi32>
    %ne3A_930 = arith.cmpi ne, %and3A_927, %ne3A_929 : vector<128x128xi32>
    %slice3A_931 = vector.extract_strided_slice %select_n3A_924 {offsets = [8, 0], sizes = [120, 128], strides = [1, 1]} : vector<128x128xf32> to vector<120x128xf32>
    %slice3A_932 = vector.extract_strided_slice %select_n3A_924 {offsets = [0, 0], sizes = [8, 128], strides = [1, 1]} : vector<128x128xf32> to vector<8x128xf32>
    %concatenate3A_933 = tpu.concatenate %slice3A_931, %slice3A_932 in 0 : vector<120x128xf32>, vector<8x128xf32> -> vector<128x128xf32>
    %slice3A_934 = vector.extract_strided_slice %select_n3A_924 {offsets = [120, 0], sizes = [8, 128], strides = [1, 1]} : vector<128x128xf32> to vector<8x128xf32>
    %slice3A_935 = vector.extract_strided_slice %select_n3A_924 {offsets = [0, 0], sizes = [120, 128], strides = [1, 1]} : vector<128x128xf32> to vector<120x128xf32>
    %concatenate3A_936 = tpu.concatenate %slice3A_934, %slice3A_935 in 0 : vector<8x128xf32>, vector<120x128xf32> -> vector<128x128xf32>
    %select_n3A_937 = arith.select %ne3A_930, %concatenate3A_936, %concatenate3A_933 : vector<128x128xi1>, vector<128x128xf32>
    %min3A_938 = arith.minimumf %select_n3A_924, %select_n3A_937 : vector<128x128xf32>
    %max3A_939 = arith.maximumf %select_n3A_924, %select_n3A_937 : vector<128x128xf32>
    %ne3A_940 = arith.xori %ne3A_930, %ne3A_822 : vector<128x128xi1>
    %select_n3A_941 = arith.select %ne3A_940, %max3A_939, %min3A_938 : vector<128x128xi1>, vector<128x128xf32>
    %and3A_942 = arith.constant 4 : i32
    %and3A_943 = vector.broadcast %and3A_942 : i32 to vector<128x128xi32>
    %and3A_944 = arith.andi %add3A, %and3A_943 : vector<128x128xi32>
    %ne3A_945 = arith.constant 0 : i32
    %ne3A_946 = vector.broadcast %ne3A_945 : i32 to vector<128x128xi32>
    %ne3A_947 = arith.cmpi ne, %and3A_944, %ne3A_946 : vector<128x128xi32>
    %slice3A_948 = vector.extract_strided_slice %select_n3A_941 {offsets = [4, 0], sizes = [124, 128], strides = [1, 1]} : vector<128x128xf32> to vector<124x128xf32>
    %slice3A_949 = vector.extract_strided_slice %select_n3A_941 {offsets = [0, 0], sizes = [4, 128], strides = [1, 1]} : vector<128x128xf32> to vector<4x128xf32>
    %concatenate3A_950 = tpu.concatenate %slice3A_948, %slice3A_949 in 0 : vector<124x128xf32>, vector<4x128xf32> -> vector<128x128xf32>
    %slice3A_951 = vector.extract_strided_slice %select_n3A_941 {offsets = [124, 0], sizes = [4, 128], strides = [1, 1]} : vector<128x128xf32> to vector<4x128xf32>
    %slice3A_952 = vector.extract_strided_slice %select_n3A_941 {offsets = [0, 0], sizes = [124, 128], strides = [1, 1]} : vector<128x128xf32> to vector<124x128xf32>
    %concatenate3A_953 = tpu.concatenate %slice3A_951, %slice3A_952 in 0 : vector<4x128xf32>, vector<124x128xf32> -> vector<128x128xf32>
    %select_n3A_954 = arith.select %ne3A_947, %concatenate3A_953, %concatenate3A_950 : vector<128x128xi1>, vector<128x128xf32>
    %min3A_955 = arith.minimumf %select_n3A_941, %select_n3A_954 : vector<128x128xf32>
    %max3A_956 = arith.maximumf %select_n3A_941, %select_n3A_954 : vector<128x128xf32>
    %ne3A_957 = arith.xori %ne3A_947, %ne3A_822 : vector<128x128xi1>
    %select_n3A_958 = arith.select %ne3A_957, %max3A_956, %min3A_955 : vector<128x128xi1>, vector<128x128xf32>
    %and3A_959 = arith.constant 2 : i32
    %and3A_960 = vector.broadcast %and3A_959 : i32 to vector<128x128xi32>
    %and3A_961 = arith.andi %add3A, %and3A_960 : vector<128x128xi32>
    %ne3A_962 = arith.constant 0 : i32
    %ne3A_963 = vector.broadcast %ne3A_962 : i32 to vector<128x128xi32>
    %ne3A_964 = arith.cmpi ne, %and3A_961, %ne3A_963 : vector<128x128xi32>
    %slice3A_965 = vector.extract_strided_slice %select_n3A_958 {offsets = [2, 0], sizes = [126, 128], strides = [1, 1]} : vector<128x128xf32> to vector<126x128xf32>
    %slice3A_966 = vector.extract_strided_slice %select_n3A_958 {offsets = [0, 0], sizes = [2, 128], strides = [1, 1]} : vector<128x128xf32> to vector<2x128xf32>
    %concatenate3A_967 = tpu.concatenate %slice3A_965, %slice3A_966 in 0 : vector<126x128xf32>, vector<2x128xf32> -> vector<128x128xf32>
    %slice3A_968 = vector.extract_strided_slice %select_n3A_958 {offsets = [126, 0], sizes = [2, 128], strides = [1, 1]} : vector<128x128xf32> to vector<2x128xf32>
    %slice3A_969 = vector.extract_strided_slice %select_n3A_958 {offsets = [0, 0], sizes = [126, 128], strides = [1, 1]} : vector<128x128xf32> to vector<126x128xf32>
    %concatenate3A_970 = tpu.concatenate %slice3A_968, %slice3A_969 in 0 : vector<2x128xf32>, vector<126x128xf32> -> vector<128x128xf32>
    %select_n3A_971 = arith.select %ne3A_964, %concatenate3A_970, %concatenate3A_967 : vector<128x128xi1>, vector<128x128xf32>
    %min3A_972 = arith.minimumf %select_n3A_958, %select_n3A_971 : vector<128x128xf32>
    %max3A_973 = arith.maximumf %select_n3A_958, %select_n3A_971 : vector<128x128xf32>
    %ne3A_974 = arith.xori %ne3A_964, %ne3A_822 : vector<128x128xi1>
    %select_n3A_975 = arith.select %ne3A_974, %max3A_973, %min3A_972 : vector<128x128xi1>, vector<128x128xf32>
    %and3A_976 = arith.constant 1 : i32
    %and3A_977 = vector.broadcast %and3A_976 : i32 to vector<128x128xi32>
    %and3A_978 = arith.andi %add3A, %and3A_977 : vector<128x128xi32>
    %ne3A_979 = arith.constant 0 : i32
    %ne3A_980 = vector.broadcast %ne3A_979 : i32 to vector<128x128xi32>
    %ne3A_981 = arith.cmpi ne, %and3A_978, %ne3A_980 : vector<128x128xi32>
    %slice3A_982 = vector.extract_strided_slice %select_n3A_975 {offsets = [1, 0], sizes = [127, 128], strides = [1, 1]} : vector<128x128xf32> to vector<127x128xf32>
    %slice3A_983 = vector.extract_strided_slice %select_n3A_975 {offsets = [0, 0], sizes = [1, 128], strides = [1, 1]} : vector<128x128xf32> to vector<1x128xf32>
    %concatenate3A_984 = tpu.concatenate %slice3A_982, %slice3A_983 in 0 : vector<127x128xf32>, vector<1x128xf32> -> vector<128x128xf32>
    %slice3A_985 = vector.extract_strided_slice %select_n3A_975 {offsets = [127, 0], sizes = [1, 128], strides = [1, 1]} : vector<128x128xf32> to vector<1x128xf32>
    %slice3A_986 = vector.extract_strided_slice %select_n3A_975 {offsets = [0, 0], sizes = [127, 128], strides = [1, 1]} : vector<128x128xf32> to vector<127x128xf32>
    %concatenate3A_987 = tpu.concatenate %slice3A_985, %slice3A_986 in 0 : vector<1x128xf32>, vector<127x128xf32> -> vector<128x128xf32>
    %select_n3A_988 = arith.select %ne3A_981, %concatenate3A_987, %concatenate3A_984 : vector<128x128xi1>, vector<128x128xf32>
    %min3A_989 = arith.minimumf %select_n3A_975, %select_n3A_988 : vector<128x128xf32>
    %max3A_990 = arith.maximumf %select_n3A_975, %select_n3A_988 : vector<128x128xf32>
    %ne3A_991 = arith.xori %ne3A_981, %ne3A_822 : vector<128x128xi1>
    %select_n3A_992 = arith.select %ne3A_991, %max3A_990, %min3A_989 : vector<128x128xi1>, vector<128x128xf32>
    %and3A_993 = arith.constant 2048 : i32
    %and3A_994 = vector.broadcast %and3A_993 : i32 to vector<128x128xi32>
    %and3A_995 = arith.andi %add3A, %and3A_994 : vector<128x128xi32>
    %ne3A_996 = arith.constant 0 : i32
    %ne3A_997 = vector.broadcast %ne3A_996 : i32 to vector<128x128xi32>
    %ne3A_998 = arith.cmpi ne, %and3A_995, %ne3A_997 : vector<128x128xi32>
    %and3A_999 = arith.constant 1024 : i32
    %and3A_1000 = vector.broadcast %and3A_999 : i32 to vector<128x128xi32>
    %and3A_1001 = arith.andi %add3A, %and3A_1000 : vector<128x128xi32>
    %ne3A_1002 = arith.constant 0 : i32
    %ne3A_1003 = vector.broadcast %ne3A_1002 : i32 to vector<128x128xi32>
    %ne3A_1004 = arith.cmpi ne, %and3A_1001, %ne3A_1003 : vector<128x128xi32>
    %slice3A_1005 = vector.extract_strided_slice %select_n3A_992 {offsets = [0, 8], sizes = [128, 120], strides = [1, 1]} : vector<128x128xf32> to vector<128x120xf32>
    %slice3A_1006 = vector.extract_strided_slice %select_n3A_992 {offsets = [0, 0], sizes = [128, 8], strides = [1, 1]} : vector<128x128xf32> to vector<128x8xf32>
    %concatenate3A_1007 = tpu.concatenate %slice3A_1005, %slice3A_1006 in 1 : vector<128x120xf32>, vector<128x8xf32> -> vector<128x128xf32>
    %slice3A_1008 = vector.extract_strided_slice %select_n3A_992 {offsets = [0, 120], sizes = [128, 8], strides = [1, 1]} : vector<128x128xf32> to vector<128x8xf32>
    %slice3A_1009 = vector.extract_strided_slice %select_n3A_992 {offsets = [0, 0], sizes = [128, 120], strides = [1, 1]} : vector<128x128xf32> to vector<128x120xf32>
    %concatenate3A_1010 = tpu.concatenate %slice3A_1008, %slice3A_1009 in 1 : vector<128x8xf32>, vector<128x120xf32> -> vector<128x128xf32>
    %select_n3A_1011 = arith.select %ne3A_1004, %concatenate3A_1010, %concatenate3A_1007 : vector<128x128xi1>, vector<128x128xf32>
    %min3A_1012 = arith.minimumf %select_n3A_992, %select_n3A_1011 : vector<128x128xf32>
    %max3A_1013 = arith.maximumf %select_n3A_992, %select_n3A_1011 : vector<128x128xf32>
    %ne3A_1014 = arith.xori %ne3A_1004, %ne3A_998 : vector<128x128xi1>
    %select_n3A_1015 = arith.select %ne3A_1014, %max3A_1013, %min3A_1012 : vector<128x128xi1>, vector<128x128xf32>
    %and3A_1016 = arith.constant 512 : i32
    %and3A_1017 = vector.broadcast %and3A_1016 : i32 to vector<128x128xi32>
    %and3A_1018 = arith.andi %add3A, %and3A_1017 : vector<128x128xi32>
    %ne3A_1019 = arith.constant 0 : i32
    %ne3A_1020 = vector.broadcast %ne3A_1019 : i32 to vector<128x128xi32>
    %ne3A_1021 = arith.cmpi ne, %and3A_1018, %ne3A_1020 : vector<128x128xi32>
    %slice3A_1022 = vector.extract_strided_slice %select_n3A_1015 {offsets = [0, 4], sizes = [128, 124], strides = [1, 1]} : vector<128x128xf32> to vector<128x124xf32>
    %slice3A_1023 = vector.extract_strided_slice %select_n3A_1015 {offsets = [0, 0], sizes = [128, 4], strides = [1, 1]} : vector<128x128xf32> to vector<128x4xf32>
    %concatenate3A_1024 = tpu.concatenate %slice3A_1022, %slice3A_1023 in 1 : vector<128x124xf32>, vector<128x4xf32> -> vector<128x128xf32>
    %slice3A_1025 = vector.extract_strided_slice %select_n3A_1015 {offsets = [0, 124], sizes = [128, 4], strides = [1, 1]} : vector<128x128xf32> to vector<128x4xf32>
    %slice3A_1026 = vector.extract_strided_slice %select_n3A_1015 {offsets = [0, 0], sizes = [128, 124], strides = [1, 1]} : vector<128x128xf32> to vector<128x124xf32>
    %concatenate3A_1027 = tpu.concatenate %slice3A_1025, %slice3A_1026 in 1 : vector<128x4xf32>, vector<128x124xf32> -> vector<128x128xf32>
    %select_n3A_1028 = arith.select %ne3A_1021, %concatenate3A_1027, %concatenate3A_1024 : vector<128x128xi1>, vector<128x128xf32>
    %min3A_1029 = arith.minimumf %select_n3A_1015, %select_n3A_1028 : vector<128x128xf32>
    %max3A_1030 = arith.maximumf %select_n3A_1015, %select_n3A_1028 : vector<128x128xf32>
    %ne3A_1031 = arith.xori %ne3A_1021, %ne3A_998 : vector<128x128xi1>
    %select_n3A_1032 = arith.select %ne3A_1031, %max3A_1030, %min3A_1029 : vector<128x128xi1>, vector<128x128xf32>
    %and3A_1033 = arith.constant 256 : i32
    %and3A_1034 = vector.broadcast %and3A_1033 : i32 to vector<128x128xi32>
    %and3A_1035 = arith.andi %add3A, %and3A_1034 : vector<128x128xi32>
    %ne3A_1036 = arith.constant 0 : i32
    %ne3A_1037 = vector.broadcast %ne3A_1036 : i32 to vector<128x128xi32>
    %ne3A_1038 = arith.cmpi ne, %and3A_1035, %ne3A_1037 : vector<128x128xi32>
    %slice3A_1039 = vector.extract_strided_slice %select_n3A_1032 {offsets = [0, 2], sizes = [128, 126], strides = [1, 1]} : vector<128x128xf32> to vector<128x126xf32>
    %slice3A_1040 = vector.extract_strided_slice %select_n3A_1032 {offsets = [0, 0], sizes = [128, 2], strides = [1, 1]} : vector<128x128xf32> to vector<128x2xf32>
    %concatenate3A_1041 = tpu.concatenate %slice3A_1039, %slice3A_1040 in 1 : vector<128x126xf32>, vector<128x2xf32> -> vector<128x128xf32>
    %slice3A_1042 = vector.extract_strided_slice %select_n3A_1032 {offsets = [0, 126], sizes = [128, 2], strides = [1, 1]} : vector<128x128xf32> to vector<128x2xf32>
    %slice3A_1043 = vector.extract_strided_slice %select_n3A_1032 {offsets = [0, 0], sizes = [128, 126], strides = [1, 1]} : vector<128x128xf32> to vector<128x126xf32>
    %concatenate3A_1044 = tpu.concatenate %slice3A_1042, %slice3A_1043 in 1 : vector<128x2xf32>, vector<128x126xf32> -> vector<128x128xf32>
    %select_n3A_1045 = arith.select %ne3A_1038, %concatenate3A_1044, %concatenate3A_1041 : vector<128x128xi1>, vector<128x128xf32>
    %min3A_1046 = arith.minimumf %select_n3A_1032, %select_n3A_1045 : vector<128x128xf32>
    %max3A_1047 = arith.maximumf %select_n3A_1032, %select_n3A_1045 : vector<128x128xf32>
    %ne3A_1048 = arith.xori %ne3A_1038, %ne3A_998 : vector<128x128xi1>
    %select_n3A_1049 = arith.select %ne3A_1048, %max3A_1047, %min3A_1046 : vector<128x128xi1>, vector<128x128xf32>
    %and3A_1050 = arith.constant 128 : i32
    %and3A_1051 = vector.broadcast %and3A_1050 : i32 to vector<128x128xi32>
    %and3A_1052 = arith.andi %add3A, %and3A_1051 : vector<128x128xi32>
    %ne3A_1053 = arith.constant 0 : i32
    %ne3A_1054 = vector.broadcast %ne3A_1053 : i32 to vector<128x128xi32>
    %ne3A_1055 = arith.cmpi ne, %and3A_1052, %ne3A_1054 : vector<128x128xi32>
    %slice3A_1056 = vector.extract_strided_slice %select_n3A_1049 {offsets = [0, 1], sizes = [128, 127], strides = [1, 1]} : vector<128x128xf32> to vector<128x127xf32>
    %slice3A_1057 = vector.extract_strided_slice %select_n3A_1049 {offsets = [0, 0], sizes = [128, 1], strides = [1, 1]} : vector<128x128xf32> to vector<128x1xf32>
    %concatenate3A_1058 = tpu.concatenate %slice3A_1056, %slice3A_1057 in 1 : vector<128x127xf32>, vector<128x1xf32> -> vector<128x128xf32>
    %slice3A_1059 = vector.extract_strided_slice %select_n3A_1049 {offsets = [0, 127], sizes = [128, 1], strides = [1, 1]} : vector<128x128xf32> to vector<128x1xf32>
    %slice3A_1060 = vector.extract_strided_slice %select_n3A_1049 {offsets = [0, 0], sizes = [128, 127], strides = [1, 1]} : vector<128x128xf32> to vector<128x127xf32>
    %concatenate3A_1061 = tpu.concatenate %slice3A_1059, %slice3A_1060 in 1 : vector<128x1xf32>, vector<128x127xf32> -> vector<128x128xf32>
    %select_n3A_1062 = arith.select %ne3A_1055, %concatenate3A_1061, %concatenate3A_1058 : vector<128x128xi1>, vector<128x128xf32>
    %min3A_1063 = arith.minimumf %select_n3A_1049, %select_n3A_1062 : vector<128x128xf32>
    %max3A_1064 = arith.maximumf %select_n3A_1049, %select_n3A_1062 : vector<128x128xf32>
    %ne3A_1065 = arith.xori %ne3A_1055, %ne3A_998 : vector<128x128xi1>
    %select_n3A_1066 = arith.select %ne3A_1065, %max3A_1064, %min3A_1063 : vector<128x128xi1>, vector<128x128xf32>
    %and3A_1067 = arith.constant 64 : i32
    %and3A_1068 = vector.broadcast %and3A_1067 : i32 to vector<128x128xi32>
    %and3A_1069 = arith.andi %add3A, %and3A_1068 : vector<128x128xi32>
    %ne3A_1070 = arith.constant 0 : i32
    %ne3A_1071 = vector.broadcast %ne3A_1070 : i32 to vector<128x128xi32>
    %ne3A_1072 = arith.cmpi ne, %and3A_1069, %ne3A_1071 : vector<128x128xi32>
    %slice3A_1073 = vector.extract_strided_slice %select_n3A_1066 {offsets = [64, 0], sizes = [64, 128], strides = [1, 1]} : vector<128x128xf32> to vector<64x128xf32>
    %slice3A_1074 = vector.extract_strided_slice %select_n3A_1066 {offsets = [0, 0], sizes = [64, 128], strides = [1, 1]} : vector<128x128xf32> to vector<64x128xf32>
    %concatenate3A_1075 = tpu.concatenate %slice3A_1073, %slice3A_1074 in 0 : vector<64x128xf32>, vector<64x128xf32> -> vector<128x128xf32>
    %slice3A_1076 = vector.extract_strided_slice %select_n3A_1066 {offsets = [64, 0], sizes = [64, 128], strides = [1, 1]} : vector<128x128xf32> to vector<64x128xf32>
    %slice3A_1077 = vector.extract_strided_slice %select_n3A_1066 {offsets = [0, 0], sizes = [64, 128], strides = [1, 1]} : vector<128x128xf32> to vector<64x128xf32>
    %concatenate3A_1078 = tpu.concatenate %slice3A_1076, %slice3A_1077 in 0 : vector<64x128xf32>, vector<64x128xf32> -> vector<128x128xf32>
    %select_n3A_1079 = arith.select %ne3A_1072, %concatenate3A_1078, %concatenate3A_1075 : vector<128x128xi1>, vector<128x128xf32>
    %min3A_1080 = arith.minimumf %select_n3A_1066, %select_n3A_1079 : vector<128x128xf32>
    %max3A_1081 = arith.maximumf %select_n3A_1066, %select_n3A_1079 : vector<128x128xf32>
    %ne3A_1082 = arith.xori %ne3A_1072, %ne3A_998 : vector<128x128xi1>
    %select_n3A_1083 = arith.select %ne3A_1082, %max3A_1081, %min3A_1080 : vector<128x128xi1>, vector<128x128xf32>
    %and3A_1084 = arith.constant 32 : i32
    %and3A_1085 = vector.broadcast %and3A_1084 : i32 to vector<128x128xi32>
    %and3A_1086 = arith.andi %add3A, %and3A_1085 : vector<128x128xi32>
    %ne3A_1087 = arith.constant 0 : i32
    %ne3A_1088 = vector.broadcast %ne3A_1087 : i32 to vector<128x128xi32>
    %ne3A_1089 = arith.cmpi ne, %and3A_1086, %ne3A_1088 : vector<128x128xi32>
    %slice3A_1090 = vector.extract_strided_slice %select_n3A_1083 {offsets = [32, 0], sizes = [96, 128], strides = [1, 1]} : vector<128x128xf32> to vector<96x128xf32>
    %slice3A_1091 = vector.extract_strided_slice %select_n3A_1083 {offsets = [0, 0], sizes = [32, 128], strides = [1, 1]} : vector<128x128xf32> to vector<32x128xf32>
    %concatenate3A_1092 = tpu.concatenate %slice3A_1090, %slice3A_1091 in 0 : vector<96x128xf32>, vector<32x128xf32> -> vector<128x128xf32>
    %slice3A_1093 = vector.extract_strided_slice %select_n3A_1083 {offsets = [96, 0], sizes = [32, 128], strides = [1, 1]} : vector<128x128xf32> to vector<32x128xf32>
    %slice3A_1094 = vector.extract_strided_slice %select_n3A_1083 {offsets = [0, 0], sizes = [96, 128], strides = [1, 1]} : vector<128x128xf32> to vector<96x128xf32>
    %concatenate3A_1095 = tpu.concatenate %slice3A_1093, %slice3A_1094 in 0 : vector<32x128xf32>, vector<96x128xf32> -> vector<128x128xf32>
    %select_n3A_1096 = arith.select %ne3A_1089, %concatenate3A_1095, %concatenate3A_1092 : vector<128x128xi1>, vector<128x128xf32>
    %min3A_1097 = arith.minimumf %select_n3A_1083, %select_n3A_1096 : vector<128x128xf32>
    %max3A_1098 = arith.maximumf %select_n3A_1083, %select_n3A_1096 : vector<128x128xf32>
    %ne3A_1099 = arith.xori %ne3A_1089, %ne3A_998 : vector<128x128xi1>
    %select_n3A_1100 = arith.select %ne3A_1099, %max3A_1098, %min3A_1097 : vector<128x128xi1>, vector<128x128xf32>
    %and3A_1101 = arith.constant 16 : i32
    %and3A_1102 = vector.broadcast %and3A_1101 : i32 to vector<128x128xi32>
    %and3A_1103 = arith.andi %add3A, %and3A_1102 : vector<128x128xi32>
    %ne3A_1104 = arith.constant 0 : i32
    %ne3A_1105 = vector.broadcast %ne3A_1104 : i32 to vector<128x128xi32>
    %ne3A_1106 = arith.cmpi ne, %and3A_1103, %ne3A_1105 : vector<128x128xi32>
    %slice3A_1107 = vector.extract_strided_slice %select_n3A_1100 {offsets = [16, 0], sizes = [112, 128], strides = [1, 1]} : vector<128x128xf32> to vector<112x128xf32>
    %slice3A_1108 = vector.extract_strided_slice %select_n3A_1100 {offsets = [0, 0], sizes = [16, 128], strides = [1, 1]} : vector<128x128xf32> to vector<16x128xf32>
    %concatenate3A_1109 = tpu.concatenate %slice3A_1107, %slice3A_1108 in 0 : vector<112x128xf32>, vector<16x128xf32> -> vector<128x128xf32>
    %slice3A_1110 = vector.extract_strided_slice %select_n3A_1100 {offsets = [112, 0], sizes = [16, 128], strides = [1, 1]} : vector<128x128xf32> to vector<16x128xf32>
    %slice3A_1111 = vector.extract_strided_slice %select_n3A_1100 {offsets = [0, 0], sizes = [112, 128], strides = [1, 1]} : vector<128x128xf32> to vector<112x128xf32>
    %concatenate3A_1112 = tpu.concatenate %slice3A_1110, %slice3A_1111 in 0 : vector<16x128xf32>, vector<112x128xf32> -> vector<128x128xf32>
    %select_n3A_1113 = arith.select %ne3A_1106, %concatenate3A_1112, %concatenate3A_1109 : vector<128x128xi1>, vector<128x128xf32>
    %min3A_1114 = arith.minimumf %select_n3A_1100, %select_n3A_1113 : vector<128x128xf32>
    %max3A_1115 = arith.maximumf %select_n3A_1100, %select_n3A_1113 : vector<128x128xf32>
    %ne3A_1116 = arith.xori %ne3A_1106, %ne3A_998 : vector<128x128xi1>
    %select_n3A_1117 = arith.select %ne3A_1116, %max3A_1115, %min3A_1114 : vector<128x128xi1>, vector<128x128xf32>
    %and3A_1118 = arith.constant 8 : i32
    %and3A_1119 = vector.broadcast %and3A_1118 : i32 to vector<128x128xi32>
    %and3A_1120 = arith.andi %add3A, %and3A_1119 : vector<128x128xi32>
    %ne3A_1121 = arith.constant 0 : i32
    %ne3A_1122 = vector.broadcast %ne3A_1121 : i32 to vector<128x128xi32>
    %ne3A_1123 = arith.cmpi ne, %and3A_1120, %ne3A_1122 : vector<128x128xi32>
    %slice3A_1124 = vector.extract_strided_slice %select_n3A_1117 {offsets = [8, 0], sizes = [120, 128], strides = [1, 1]} : vector<128x128xf32> to vector<120x128xf32>
    %slice3A_1125 = vector.extract_strided_slice %select_n3A_1117 {offsets = [0, 0], sizes = [8, 128], strides = [1, 1]} : vector<128x128xf32> to vector<8x128xf32>
    %concatenate3A_1126 = tpu.concatenate %slice3A_1124, %slice3A_1125 in 0 : vector<120x128xf32>, vector<8x128xf32> -> vector<128x128xf32>
    %slice3A_1127 = vector.extract_strided_slice %select_n3A_1117 {offsets = [120, 0], sizes = [8, 128], strides = [1, 1]} : vector<128x128xf32> to vector<8x128xf32>
    %slice3A_1128 = vector.extract_strided_slice %select_n3A_1117 {offsets = [0, 0], sizes = [120, 128], strides = [1, 1]} : vector<128x128xf32> to vector<120x128xf32>
    %concatenate3A_1129 = tpu.concatenate %slice3A_1127, %slice3A_1128 in 0 : vector<8x128xf32>, vector<120x128xf32> -> vector<128x128xf32>
    %select_n3A_1130 = arith.select %ne3A_1123, %concatenate3A_1129, %concatenate3A_1126 : vector<128x128xi1>, vector<128x128xf32>
    %min3A_1131 = arith.minimumf %select_n3A_1117, %select_n3A_1130 : vector<128x128xf32>
    %max3A_1132 = arith.maximumf %select_n3A_1117, %select_n3A_1130 : vector<128x128xf32>
    %ne3A_1133 = arith.xori %ne3A_1123, %ne3A_998 : vector<128x128xi1>
    %select_n3A_1134 = arith.select %ne3A_1133, %max3A_1132, %min3A_1131 : vector<128x128xi1>, vector<128x128xf32>
    %and3A_1135 = arith.constant 4 : i32
    %and3A_1136 = vector.broadcast %and3A_1135 : i32 to vector<128x128xi32>
    %and3A_1137 = arith.andi %add3A, %and3A_1136 : vector<128x128xi32>
    %ne3A_1138 = arith.constant 0 : i32
    %ne3A_1139 = vector.broadcast %ne3A_1138 : i32 to vector<128x128xi32>
    %ne3A_1140 = arith.cmpi ne, %and3A_1137, %ne3A_1139 : vector<128x128xi32>
    %slice3A_1141 = vector.extract_strided_slice %select_n3A_1134 {offsets = [4, 0], sizes = [124, 128], strides = [1, 1]} : vector<128x128xf32> to vector<124x128xf32>
    %slice3A_1142 = vector.extract_strided_slice %select_n3A_1134 {offsets = [0, 0], sizes = [4, 128], strides = [1, 1]} : vector<128x128xf32> to vector<4x128xf32>
    %concatenate3A_1143 = tpu.concatenate %slice3A_1141, %slice3A_1142 in 0 : vector<124x128xf32>, vector<4x128xf32> -> vector<128x128xf32>
    %slice3A_1144 = vector.extract_strided_slice %select_n3A_1134 {offsets = [124, 0], sizes = [4, 128], strides = [1, 1]} : vector<128x128xf32> to vector<4x128xf32>
    %slice3A_1145 = vector.extract_strided_slice %select_n3A_1134 {offsets = [0, 0], sizes = [124, 128], strides = [1, 1]} : vector<128x128xf32> to vector<124x128xf32>
    %concatenate3A_1146 = tpu.concatenate %slice3A_1144, %slice3A_1145 in 0 : vector<4x128xf32>, vector<124x128xf32> -> vector<128x128xf32>
    %select_n3A_1147 = arith.select %ne3A_1140, %concatenate3A_1146, %concatenate3A_1143 : vector<128x128xi1>, vector<128x128xf32>
    %min3A_1148 = arith.minimumf %select_n3A_1134, %select_n3A_1147 : vector<128x128xf32>
    %max3A_1149 = arith.maximumf %select_n3A_1134, %select_n3A_1147 : vector<128x128xf32>
    %ne3A_1150 = arith.xori %ne3A_1140, %ne3A_998 : vector<128x128xi1>
    %select_n3A_1151 = arith.select %ne3A_1150, %max3A_1149, %min3A_1148 : vector<128x128xi1>, vector<128x128xf32>
    %and3A_1152 = arith.constant 2 : i32
    %and3A_1153 = vector.broadcast %and3A_1152 : i32 to vector<128x128xi32>
    %and3A_1154 = arith.andi %add3A, %and3A_1153 : vector<128x128xi32>
    %ne3A_1155 = arith.constant 0 : i32
    %ne3A_1156 = vector.broadcast %ne3A_1155 : i32 to vector<128x128xi32>
    %ne3A_1157 = arith.cmpi ne, %and3A_1154, %ne3A_1156 : vector<128x128xi32>
    %slice3A_1158 = vector.extract_strided_slice %select_n3A_1151 {offsets = [2, 0], sizes = [126, 128], strides = [1, 1]} : vector<128x128xf32> to vector<126x128xf32>
    %slice3A_1159 = vector.extract_strided_slice %select_n3A_1151 {offsets = [0, 0], sizes = [2, 128], strides = [1, 1]} : vector<128x128xf32> to vector<2x128xf32>
    %concatenate3A_1160 = tpu.concatenate %slice3A_1158, %slice3A_1159 in 0 : vector<126x128xf32>, vector<2x128xf32> -> vector<128x128xf32>
    %slice3A_1161 = vector.extract_strided_slice %select_n3A_1151 {offsets = [126, 0], sizes = [2, 128], strides = [1, 1]} : vector<128x128xf32> to vector<2x128xf32>
    %slice3A_1162 = vector.extract_strided_slice %select_n3A_1151 {offsets = [0, 0], sizes = [126, 128], strides = [1, 1]} : vector<128x128xf32> to vector<126x128xf32>
    %concatenate3A_1163 = tpu.concatenate %slice3A_1161, %slice3A_1162 in 0 : vector<2x128xf32>, vector<126x128xf32> -> vector<128x128xf32>
    %select_n3A_1164 = arith.select %ne3A_1157, %concatenate3A_1163, %concatenate3A_1160 : vector<128x128xi1>, vector<128x128xf32>
    %min3A_1165 = arith.minimumf %select_n3A_1151, %select_n3A_1164 : vector<128x128xf32>
    %max3A_1166 = arith.maximumf %select_n3A_1151, %select_n3A_1164 : vector<128x128xf32>
    %ne3A_1167 = arith.xori %ne3A_1157, %ne3A_998 : vector<128x128xi1>
    %select_n3A_1168 = arith.select %ne3A_1167, %max3A_1166, %min3A_1165 : vector<128x128xi1>, vector<128x128xf32>
    %and3A_1169 = arith.constant 1 : i32
    %and3A_1170 = vector.broadcast %and3A_1169 : i32 to vector<128x128xi32>
    %and3A_1171 = arith.andi %add3A, %and3A_1170 : vector<128x128xi32>
    %ne3A_1172 = arith.constant 0 : i32
    %ne3A_1173 = vector.broadcast %ne3A_1172 : i32 to vector<128x128xi32>
    %ne3A_1174 = arith.cmpi ne, %and3A_1171, %ne3A_1173 : vector<128x128xi32>
    %slice3A_1175 = vector.extract_strided_slice %select_n3A_1168 {offsets = [1, 0], sizes = [127, 128], strides = [1, 1]} : vector<128x128xf32> to vector<127x128xf32>
    %slice3A_1176 = vector.extract_strided_slice %select_n3A_1168 {offsets = [0, 0], sizes = [1, 128], strides = [1, 1]} : vector<128x128xf32> to vector<1x128xf32>
    %concatenate3A_1177 = tpu.concatenate %slice3A_1175, %slice3A_1176 in 0 : vector<127x128xf32>, vector<1x128xf32> -> vector<128x128xf32>
    %slice3A_1178 = vector.extract_strided_slice %select_n3A_1168 {offsets = [127, 0], sizes = [1, 128], strides = [1, 1]} : vector<128x128xf32> to vector<1x128xf32>
    %slice3A_1179 = vector.extract_strided_slice %select_n3A_1168 {offsets = [0, 0], sizes = [127, 128], strides = [1, 1]} : vector<128x128xf32> to vector<127x128xf32>
    %concatenate3A_1180 = tpu.concatenate %slice3A_1178, %slice3A_1179 in 0 : vector<1x128xf32>, vector<127x128xf32> -> vector<128x128xf32>
    %select_n3A_1181 = arith.select %ne3A_1174, %concatenate3A_1180, %concatenate3A_1177 : vector<128x128xi1>, vector<128x128xf32>
    %min3A_1182 = arith.minimumf %select_n3A_1168, %select_n3A_1181 : vector<128x128xf32>
    %max3A_1183 = arith.maximumf %select_n3A_1168, %select_n3A_1181 : vector<128x128xf32>
    %ne3A_1184 = arith.xori %ne3A_1174, %ne3A_998 : vector<128x128xi1>
    %select_n3A_1185 = arith.select %ne3A_1184, %max3A_1183, %min3A_1182 : vector<128x128xi1>, vector<128x128xf32>
    %and3A_1186 = arith.constant 4096 : i32
    %and3A_1187 = vector.broadcast %and3A_1186 : i32 to vector<128x128xi32>
    %and3A_1188 = arith.andi %add3A, %and3A_1187 : vector<128x128xi32>
    %ne3A_1189 = arith.constant 0 : i32
    %ne3A_1190 = vector.broadcast %ne3A_1189 : i32 to vector<128x128xi32>
    %ne3A_1191 = arith.cmpi ne, %and3A_1188, %ne3A_1190 : vector<128x128xi32>
    %and3A_1192 = arith.constant 2048 : i32
    %and3A_1193 = vector.broadcast %and3A_1192 : i32 to vector<128x128xi32>
    %and3A_1194 = arith.andi %add3A, %and3A_1193 : vector<128x128xi32>
    %ne3A_1195 = arith.constant 0 : i32
    %ne3A_1196 = vector.broadcast %ne3A_1195 : i32 to vector<128x128xi32>
    %ne3A_1197 = arith.cmpi ne, %and3A_1194, %ne3A_1196 : vector<128x128xi32>
    %slice3A_1198 = vector.extract_strided_slice %select_n3A_1185 {offsets = [0, 16], sizes = [128, 112], strides = [1, 1]} : vector<128x128xf32> to vector<128x112xf32>
    %slice3A_1199 = vector.extract_strided_slice %select_n3A_1185 {offsets = [0, 0], sizes = [128, 16], strides = [1, 1]} : vector<128x128xf32> to vector<128x16xf32>
    %concatenate3A_1200 = tpu.concatenate %slice3A_1198, %slice3A_1199 in 1 : vector<128x112xf32>, vector<128x16xf32> -> vector<128x128xf32>
    %slice3A_1201 = vector.extract_strided_slice %select_n3A_1185 {offsets = [0, 112], sizes = [128, 16], strides = [1, 1]} : vector<128x128xf32> to vector<128x16xf32>
    %slice3A_1202 = vector.extract_strided_slice %select_n3A_1185 {offsets = [0, 0], sizes = [128, 112], strides = [1, 1]} : vector<128x128xf32> to vector<128x112xf32>
    %concatenate3A_1203 = tpu.concatenate %slice3A_1201, %slice3A_1202 in 1 : vector<128x16xf32>, vector<128x112xf32> -> vector<128x128xf32>
    %select_n3A_1204 = arith.select %ne3A_1197, %concatenate3A_1203, %concatenate3A_1200 : vector<128x128xi1>, vector<128x128xf32>
    %min3A_1205 = arith.minimumf %select_n3A_1185, %select_n3A_1204 : vector<128x128xf32>
    %max3A_1206 = arith.maximumf %select_n3A_1185, %select_n3A_1204 : vector<128x128xf32>
    %ne3A_1207 = arith.xori %ne3A_1197, %ne3A_1191 : vector<128x128xi1>
    %select_n3A_1208 = arith.select %ne3A_1207, %max3A_1206, %min3A_1205 : vector<128x128xi1>, vector<128x128xf32>
    %and3A_1209 = arith.constant 1024 : i32
    %and3A_1210 = vector.broadcast %and3A_1209 : i32 to vector<128x128xi32>
    %and3A_1211 = arith.andi %add3A, %and3A_1210 : vector<128x128xi32>
    %ne3A_1212 = arith.constant 0 : i32
    %ne3A_1213 = vector.broadcast %ne3A_1212 : i32 to vector<128x128xi32>
    %ne3A_1214 = arith.cmpi ne, %and3A_1211, %ne3A_1213 : vector<128x128xi32>
    %slice3A_1215 = vector.extract_strided_slice %select_n3A_1208 {offsets = [0, 8], sizes = [128, 120], strides = [1, 1]} : vector<128x128xf32> to vector<128x120xf32>
    %slice3A_1216 = vector.extract_strided_slice %select_n3A_1208 {offsets = [0, 0], sizes = [128, 8], strides = [1, 1]} : vector<128x128xf32> to vector<128x8xf32>
    %concatenate3A_1217 = tpu.concatenate %slice3A_1215, %slice3A_1216 in 1 : vector<128x120xf32>, vector<128x8xf32> -> vector<128x128xf32>
    %slice3A_1218 = vector.extract_strided_slice %select_n3A_1208 {offsets = [0, 120], sizes = [128, 8], strides = [1, 1]} : vector<128x128xf32> to vector<128x8xf32>
    %slice3A_1219 = vector.extract_strided_slice %select_n3A_1208 {offsets = [0, 0], sizes = [128, 120], strides = [1, 1]} : vector<128x128xf32> to vector<128x120xf32>
    %concatenate3A_1220 = tpu.concatenate %slice3A_1218, %slice3A_1219 in 1 : vector<128x8xf32>, vector<128x120xf32> -> vector<128x128xf32>
    %select_n3A_1221 = arith.select %ne3A_1214, %concatenate3A_1220, %concatenate3A_1217 : vector<128x128xi1>, vector<128x128xf32>
    %min3A_1222 = arith.minimumf %select_n3A_1208, %select_n3A_1221 : vector<128x128xf32>
    %max3A_1223 = arith.maximumf %select_n3A_1208, %select_n3A_1221 : vector<128x128xf32>
    %ne3A_1224 = arith.xori %ne3A_1214, %ne3A_1191 : vector<128x128xi1>
    %select_n3A_1225 = arith.select %ne3A_1224, %max3A_1223, %min3A_1222 : vector<128x128xi1>, vector<128x128xf32>
    %and3A_1226 = arith.constant 512 : i32
    %and3A_1227 = vector.broadcast %and3A_1226 : i32 to vector<128x128xi32>
    %and3A_1228 = arith.andi %add3A, %and3A_1227 : vector<128x128xi32>
    %ne3A_1229 = arith.constant 0 : i32
    %ne3A_1230 = vector.broadcast %ne3A_1229 : i32 to vector<128x128xi32>
    %ne3A_1231 = arith.cmpi ne, %and3A_1228, %ne3A_1230 : vector<128x128xi32>
    %slice3A_1232 = vector.extract_strided_slice %select_n3A_1225 {offsets = [0, 4], sizes = [128, 124], strides = [1, 1]} : vector<128x128xf32> to vector<128x124xf32>
    %slice3A_1233 = vector.extract_strided_slice %select_n3A_1225 {offsets = [0, 0], sizes = [128, 4], strides = [1, 1]} : vector<128x128xf32> to vector<128x4xf32>
    %concatenate3A_1234 = tpu.concatenate %slice3A_1232, %slice3A_1233 in 1 : vector<128x124xf32>, vector<128x4xf32> -> vector<128x128xf32>
    %slice3A_1235 = vector.extract_strided_slice %select_n3A_1225 {offsets = [0, 124], sizes = [128, 4], strides = [1, 1]} : vector<128x128xf32> to vector<128x4xf32>
    %slice3A_1236 = vector.extract_strided_slice %select_n3A_1225 {offsets = [0, 0], sizes = [128, 124], strides = [1, 1]} : vector<128x128xf32> to vector<128x124xf32>
    %concatenate3A_1237 = tpu.concatenate %slice3A_1235, %slice3A_1236 in 1 : vector<128x4xf32>, vector<128x124xf32> -> vector<128x128xf32>
    %select_n3A_1238 = arith.select %ne3A_1231, %concatenate3A_1237, %concatenate3A_1234 : vector<128x128xi1>, vector<128x128xf32>
    %min3A_1239 = arith.minimumf %select_n3A_1225, %select_n3A_1238 : vector<128x128xf32>
    %max3A_1240 = arith.maximumf %select_n3A_1225, %select_n3A_1238 : vector<128x128xf32>
    %ne3A_1241 = arith.xori %ne3A_1231, %ne3A_1191 : vector<128x128xi1>
    %select_n3A_1242 = arith.select %ne3A_1241, %max3A_1240, %min3A_1239 : vector<128x128xi1>, vector<128x128xf32>
    %and3A_1243 = arith.constant 256 : i32
    %and3A_1244 = vector.broadcast %and3A_1243 : i32 to vector<128x128xi32>
    %and3A_1245 = arith.andi %add3A, %and3A_1244 : vector<128x128xi32>
    %ne3A_1246 = arith.constant 0 : i32
    %ne3A_1247 = vector.broadcast %ne3A_1246 : i32 to vector<128x128xi32>
    %ne3A_1248 = arith.cmpi ne, %and3A_1245, %ne3A_1247 : vector<128x128xi32>
    %slice3A_1249 = vector.extract_strided_slice %select_n3A_1242 {offsets = [0, 2], sizes = [128, 126], strides = [1, 1]} : vector<128x128xf32> to vector<128x126xf32>
    %slice3A_1250 = vector.extract_strided_slice %select_n3A_1242 {offsets = [0, 0], sizes = [128, 2], strides = [1, 1]} : vector<128x128xf32> to vector<128x2xf32>
    %concatenate3A_1251 = tpu.concatenate %slice3A_1249, %slice3A_1250 in 1 : vector<128x126xf32>, vector<128x2xf32> -> vector<128x128xf32>
    %slice3A_1252 = vector.extract_strided_slice %select_n3A_1242 {offsets = [0, 126], sizes = [128, 2], strides = [1, 1]} : vector<128x128xf32> to vector<128x2xf32>
    %slice3A_1253 = vector.extract_strided_slice %select_n3A_1242 {offsets = [0, 0], sizes = [128, 126], strides = [1, 1]} : vector<128x128xf32> to vector<128x126xf32>
    %concatenate3A_1254 = tpu.concatenate %slice3A_1252, %slice3A_1253 in 1 : vector<128x2xf32>, vector<128x126xf32> -> vector<128x128xf32>
    %select_n3A_1255 = arith.select %ne3A_1248, %concatenate3A_1254, %concatenate3A_1251 : vector<128x128xi1>, vector<128x128xf32>
    %min3A_1256 = arith.minimumf %select_n3A_1242, %select_n3A_1255 : vector<128x128xf32>
    %max3A_1257 = arith.maximumf %select_n3A_1242, %select_n3A_1255 : vector<128x128xf32>
    %ne3A_1258 = arith.xori %ne3A_1248, %ne3A_1191 : vector<128x128xi1>
    %select_n3A_1259 = arith.select %ne3A_1258, %max3A_1257, %min3A_1256 : vector<128x128xi1>, vector<128x128xf32>
    %and3A_1260 = arith.constant 128 : i32
    %and3A_1261 = vector.broadcast %and3A_1260 : i32 to vector<128x128xi32>
    %and3A_1262 = arith.andi %add3A, %and3A_1261 : vector<128x128xi32>
    %ne3A_1263 = arith.constant 0 : i32
    %ne3A_1264 = vector.broadcast %ne3A_1263 : i32 to vector<128x128xi32>
    %ne3A_1265 = arith.cmpi ne, %and3A_1262, %ne3A_1264 : vector<128x128xi32>
    %slice3A_1266 = vector.extract_strided_slice %select_n3A_1259 {offsets = [0, 1], sizes = [128, 127], strides = [1, 1]} : vector<128x128xf32> to vector<128x127xf32>
    %slice3A_1267 = vector.extract_strided_slice %select_n3A_1259 {offsets = [0, 0], sizes = [128, 1], strides = [1, 1]} : vector<128x128xf32> to vector<128x1xf32>
    %concatenate3A_1268 = tpu.concatenate %slice3A_1266, %slice3A_1267 in 1 : vector<128x127xf32>, vector<128x1xf32> -> vector<128x128xf32>
    %slice3A_1269 = vector.extract_strided_slice %select_n3A_1259 {offsets = [0, 127], sizes = [128, 1], strides = [1, 1]} : vector<128x128xf32> to vector<128x1xf32>
    %slice3A_1270 = vector.extract_strided_slice %select_n3A_1259 {offsets = [0, 0], sizes = [128, 127], strides = [1, 1]} : vector<128x128xf32> to vector<128x127xf32>
    %concatenate3A_1271 = tpu.concatenate %slice3A_1269, %slice3A_1270 in 1 : vector<128x1xf32>, vector<128x127xf32> -> vector<128x128xf32>
    %select_n3A_1272 = arith.select %ne3A_1265, %concatenate3A_1271, %concatenate3A_1268 : vector<128x128xi1>, vector<128x128xf32>
    %min3A_1273 = arith.minimumf %select_n3A_1259, %select_n3A_1272 : vector<128x128xf32>
    %max3A_1274 = arith.maximumf %select_n3A_1259, %select_n3A_1272 : vector<128x128xf32>
    %ne3A_1275 = arith.xori %ne3A_1265, %ne3A_1191 : vector<128x128xi1>
    %select_n3A_1276 = arith.select %ne3A_1275, %max3A_1274, %min3A_1273 : vector<128x128xi1>, vector<128x128xf32>
    %and3A_1277 = arith.constant 64 : i32
    %and3A_1278 = vector.broadcast %and3A_1277 : i32 to vector<128x128xi32>
    %and3A_1279 = arith.andi %add3A, %and3A_1278 : vector<128x128xi32>
    %ne3A_1280 = arith.constant 0 : i32
    %ne3A_1281 = vector.broadcast %ne3A_1280 : i32 to vector<128x128xi32>
    %ne3A_1282 = arith.cmpi ne, %and3A_1279, %ne3A_1281 : vector<128x128xi32>
    %slice3A_1283 = vector.extract_strided_slice %select_n3A_1276 {offsets = [64, 0], sizes = [64, 128], strides = [1, 1]} : vector<128x128xf32> to vector<64x128xf32>
    %slice3A_1284 = vector.extract_strided_slice %select_n3A_1276 {offsets = [0, 0], sizes = [64, 128], strides = [1, 1]} : vector<128x128xf32> to vector<64x128xf32>
    %concatenate3A_1285 = tpu.concatenate %slice3A_1283, %slice3A_1284 in 0 : vector<64x128xf32>, vector<64x128xf32> -> vector<128x128xf32>
    %slice3A_1286 = vector.extract_strided_slice %select_n3A_1276 {offsets = [64, 0], sizes = [64, 128], strides = [1, 1]} : vector<128x128xf32> to vector<64x128xf32>
    %slice3A_1287 = vector.extract_strided_slice %select_n3A_1276 {offsets = [0, 0], sizes = [64, 128], strides = [1, 1]} : vector<128x128xf32> to vector<64x128xf32>
    %concatenate3A_1288 = tpu.concatenate %slice3A_1286, %slice3A_1287 in 0 : vector<64x128xf32>, vector<64x128xf32> -> vector<128x128xf32>
    %select_n3A_1289 = arith.select %ne3A_1282, %concatenate3A_1288, %concatenate3A_1285 : vector<128x128xi1>, vector<128x128xf32>
    %min3A_1290 = arith.minimumf %select_n3A_1276, %select_n3A_1289 : vector<128x128xf32>
    %max3A_1291 = arith.maximumf %select_n3A_1276, %select_n3A_1289 : vector<128x128xf32>
    %ne3A_1292 = arith.xori %ne3A_1282, %ne3A_1191 : vector<128x128xi1>
    %select_n3A_1293 = arith.select %ne3A_1292, %max3A_1291, %min3A_1290 : vector<128x128xi1>, vector<128x128xf32>
    %and3A_1294 = arith.constant 32 : i32
    %and3A_1295 = vector.broadcast %and3A_1294 : i32 to vector<128x128xi32>
    %and3A_1296 = arith.andi %add3A, %and3A_1295 : vector<128x128xi32>
    %ne3A_1297 = arith.constant 0 : i32
    %ne3A_1298 = vector.broadcast %ne3A_1297 : i32 to vector<128x128xi32>
    %ne3A_1299 = arith.cmpi ne, %and3A_1296, %ne3A_1298 : vector<128x128xi32>
    %slice3A_1300 = vector.extract_strided_slice %select_n3A_1293 {offsets = [32, 0], sizes = [96, 128], strides = [1, 1]} : vector<128x128xf32> to vector<96x128xf32>
    %slice3A_1301 = vector.extract_strided_slice %select_n3A_1293 {offsets = [0, 0], sizes = [32, 128], strides = [1, 1]} : vector<128x128xf32> to vector<32x128xf32>
    %concatenate3A_1302 = tpu.concatenate %slice3A_1300, %slice3A_1301 in 0 : vector<96x128xf32>, vector<32x128xf32> -> vector<128x128xf32>
    %slice3A_1303 = vector.extract_strided_slice %select_n3A_1293 {offsets = [96, 0], sizes = [32, 128], strides = [1, 1]} : vector<128x128xf32> to vector<32x128xf32>
    %slice3A_1304 = vector.extract_strided_slice %select_n3A_1293 {offsets = [0, 0], sizes = [96, 128], strides = [1, 1]} : vector<128x128xf32> to vector<96x128xf32>
    %concatenate3A_1305 = tpu.concatenate %slice3A_1303, %slice3A_1304 in 0 : vector<32x128xf32>, vector<96x128xf32> -> vector<128x128xf32>
    %select_n3A_1306 = arith.select %ne3A_1299, %concatenate3A_1305, %concatenate3A_1302 : vector<128x128xi1>, vector<128x128xf32>
    %min3A_1307 = arith.minimumf %select_n3A_1293, %select_n3A_1306 : vector<128x128xf32>
    %max3A_1308 = arith.maximumf %select_n3A_1293, %select_n3A_1306 : vector<128x128xf32>
    %ne3A_1309 = arith.xori %ne3A_1299, %ne3A_1191 : vector<128x128xi1>
    %select_n3A_1310 = arith.select %ne3A_1309, %max3A_1308, %min3A_1307 : vector<128x128xi1>, vector<128x128xf32>
    %and3A_1311 = arith.constant 16 : i32
    %and3A_1312 = vector.broadcast %and3A_1311 : i32 to vector<128x128xi32>
    %and3A_1313 = arith.andi %add3A, %and3A_1312 : vector<128x128xi32>
    %ne3A_1314 = arith.constant 0 : i32
    %ne3A_1315 = vector.broadcast %ne3A_1314 : i32 to vector<128x128xi32>
    %ne3A_1316 = arith.cmpi ne, %and3A_1313, %ne3A_1315 : vector<128x128xi32>
    %slice3A_1317 = vector.extract_strided_slice %select_n3A_1310 {offsets = [16, 0], sizes = [112, 128], strides = [1, 1]} : vector<128x128xf32> to vector<112x128xf32>
    %slice3A_1318 = vector.extract_strided_slice %select_n3A_1310 {offsets = [0, 0], sizes = [16, 128], strides = [1, 1]} : vector<128x128xf32> to vector<16x128xf32>
    %concatenate3A_1319 = tpu.concatenate %slice3A_1317, %slice3A_1318 in 0 : vector<112x128xf32>, vector<16x128xf32> -> vector<128x128xf32>
    %slice3A_1320 = vector.extract_strided_slice %select_n3A_1310 {offsets = [112, 0], sizes = [16, 128], strides = [1, 1]} : vector<128x128xf32> to vector<16x128xf32>
    %slice3A_1321 = vector.extract_strided_slice %select_n3A_1310 {offsets = [0, 0], sizes = [112, 128], strides = [1, 1]} : vector<128x128xf32> to vector<112x128xf32>
    %concatenate3A_1322 = tpu.concatenate %slice3A_1320, %slice3A_1321 in 0 : vector<16x128xf32>, vector<112x128xf32> -> vector<128x128xf32>
    %select_n3A_1323 = arith.select %ne3A_1316, %concatenate3A_1322, %concatenate3A_1319 : vector<128x128xi1>, vector<128x128xf32>
    %min3A_1324 = arith.minimumf %select_n3A_1310, %select_n3A_1323 : vector<128x128xf32>
    %max3A_1325 = arith.maximumf %select_n3A_1310, %select_n3A_1323 : vector<128x128xf32>
    %ne3A_1326 = arith.xori %ne3A_1316, %ne3A_1191 : vector<128x128xi1>
    %select_n3A_1327 = arith.select %ne3A_1326, %max3A_1325, %min3A_1324 : vector<128x128xi1>, vector<128x128xf32>
    %and3A_1328 = arith.constant 8 : i32
    %and3A_1329 = vector.broadcast %and3A_1328 : i32 to vector<128x128xi32>
    %and3A_1330 = arith.andi %add3A, %and3A_1329 : vector<128x128xi32>
    %ne3A_1331 = arith.constant 0 : i32
    %ne3A_1332 = vector.broadcast %ne3A_1331 : i32 to vector<128x128xi32>
    %ne3A_1333 = arith.cmpi ne, %and3A_1330, %ne3A_1332 : vector<128x128xi32>
    %slice3A_1334 = vector.extract_strided_slice %select_n3A_1327 {offsets = [8, 0], sizes = [120, 128], strides = [1, 1]} : vector<128x128xf32> to vector<120x128xf32>
    %slice3A_1335 = vector.extract_strided_slice %select_n3A_1327 {offsets = [0, 0], sizes = [8, 128], strides = [1, 1]} : vector<128x128xf32> to vector<8x128xf32>
    %concatenate3A_1336 = tpu.concatenate %slice3A_1334, %slice3A_1335 in 0 : vector<120x128xf32>, vector<8x128xf32> -> vector<128x128xf32>
    %slice3A_1337 = vector.extract_strided_slice %select_n3A_1327 {offsets = [120, 0], sizes = [8, 128], strides = [1, 1]} : vector<128x128xf32> to vector<8x128xf32>
    %slice3A_1338 = vector.extract_strided_slice %select_n3A_1327 {offsets = [0, 0], sizes = [120, 128], strides = [1, 1]} : vector<128x128xf32> to vector<120x128xf32>
    %concatenate3A_1339 = tpu.concatenate %slice3A_1337, %slice3A_1338 in 0 : vector<8x128xf32>, vector<120x128xf32> -> vector<128x128xf32>
    %select_n3A_1340 = arith.select %ne3A_1333, %concatenate3A_1339, %concatenate3A_1336 : vector<128x128xi1>, vector<128x128xf32>
    %min3A_1341 = arith.minimumf %select_n3A_1327, %select_n3A_1340 : vector<128x128xf32>
    %max3A_1342 = arith.maximumf %select_n3A_1327, %select_n3A_1340 : vector<128x128xf32>
    %ne3A_1343 = arith.xori %ne3A_1333, %ne3A_1191 : vector<128x128xi1>
    %select_n3A_1344 = arith.select %ne3A_1343, %max3A_1342, %min3A_1341 : vector<128x128xi1>, vector<128x128xf32>
    %and3A_1345 = arith.constant 4 : i32
    %and3A_1346 = vector.broadcast %and3A_1345 : i32 to vector<128x128xi32>
    %and3A_1347 = arith.andi %add3A, %and3A_1346 : vector<128x128xi32>
    %ne3A_1348 = arith.constant 0 : i32
    %ne3A_1349 = vector.broadcast %ne3A_1348 : i32 to vector<128x128xi32>
    %ne3A_1350 = arith.cmpi ne, %and3A_1347, %ne3A_1349 : vector<128x128xi32>
    %slice3A_1351 = vector.extract_strided_slice %select_n3A_1344 {offsets = [4, 0], sizes = [124, 128], strides = [1, 1]} : vector<128x128xf32> to vector<124x128xf32>
    %slice3A_1352 = vector.extract_strided_slice %select_n3A_1344 {offsets = [0, 0], sizes = [4, 128], strides = [1, 1]} : vector<128x128xf32> to vector<4x128xf32>
    %concatenate3A_1353 = tpu.concatenate %slice3A_1351, %slice3A_1352 in 0 : vector<124x128xf32>, vector<4x128xf32> -> vector<128x128xf32>
    %slice3A_1354 = vector.extract_strided_slice %select_n3A_1344 {offsets = [124, 0], sizes = [4, 128], strides = [1, 1]} : vector<128x128xf32> to vector<4x128xf32>
    %slice3A_1355 = vector.extract_strided_slice %select_n3A_1344 {offsets = [0, 0], sizes = [124, 128], strides = [1, 1]} : vector<128x128xf32> to vector<124x128xf32>
    %concatenate3A_1356 = tpu.concatenate %slice3A_1354, %slice3A_1355 in 0 : vector<4x128xf32>, vector<124x128xf32> -> vector<128x128xf32>
    %select_n3A_1357 = arith.select %ne3A_1350, %concatenate3A_1356, %concatenate3A_1353 : vector<128x128xi1>, vector<128x128xf32>
    %min3A_1358 = arith.minimumf %select_n3A_1344, %select_n3A_1357 : vector<128x128xf32>
    %max3A_1359 = arith.maximumf %select_n3A_1344, %select_n3A_1357 : vector<128x128xf32>
    %ne3A_1360 = arith.xori %ne3A_1350, %ne3A_1191 : vector<128x128xi1>
    %select_n3A_1361 = arith.select %ne3A_1360, %max3A_1359, %min3A_1358 : vector<128x128xi1>, vector<128x128xf32>
    %and3A_1362 = arith.constant 2 : i32
    %and3A_1363 = vector.broadcast %and3A_1362 : i32 to vector<128x128xi32>
    %and3A_1364 = arith.andi %add3A, %and3A_1363 : vector<128x128xi32>
    %ne3A_1365 = arith.constant 0 : i32
    %ne3A_1366 = vector.broadcast %ne3A_1365 : i32 to vector<128x128xi32>
    %ne3A_1367 = arith.cmpi ne, %and3A_1364, %ne3A_1366 : vector<128x128xi32>
    %slice3A_1368 = vector.extract_strided_slice %select_n3A_1361 {offsets = [2, 0], sizes = [126, 128], strides = [1, 1]} : vector<128x128xf32> to vector<126x128xf32>
    %slice3A_1369 = vector.extract_strided_slice %select_n3A_1361 {offsets = [0, 0], sizes = [2, 128], strides = [1, 1]} : vector<128x128xf32> to vector<2x128xf32>
    %concatenate3A_1370 = tpu.concatenate %slice3A_1368, %slice3A_1369 in 0 : vector<126x128xf32>, vector<2x128xf32> -> vector<128x128xf32>
    %slice3A_1371 = vector.extract_strided_slice %select_n3A_1361 {offsets = [126, 0], sizes = [2, 128], strides = [1, 1]} : vector<128x128xf32> to vector<2x128xf32>
    %slice3A_1372 = vector.extract_strided_slice %select_n3A_1361 {offsets = [0, 0], sizes = [126, 128], strides = [1, 1]} : vector<128x128xf32> to vector<126x128xf32>
    %concatenate3A_1373 = tpu.concatenate %slice3A_1371, %slice3A_1372 in 0 : vector<2x128xf32>, vector<126x128xf32> -> vector<128x128xf32>
    %select_n3A_1374 = arith.select %ne3A_1367, %concatenate3A_1373, %concatenate3A_1370 : vector<128x128xi1>, vector<128x128xf32>
    %min3A_1375 = arith.minimumf %select_n3A_1361, %select_n3A_1374 : vector<128x128xf32>
    %max3A_1376 = arith.maximumf %select_n3A_1361, %select_n3A_1374 : vector<128x128xf32>
    %ne3A_1377 = arith.xori %ne3A_1367, %ne3A_1191 : vector<128x128xi1>
    %select_n3A_1378 = arith.select %ne3A_1377, %max3A_1376, %min3A_1375 : vector<128x128xi1>, vector<128x128xf32>
    %and3A_1379 = arith.constant 1 : i32
    %and3A_1380 = vector.broadcast %and3A_1379 : i32 to vector<128x128xi32>
    %and3A_1381 = arith.andi %add3A, %and3A_1380 : vector<128x128xi32>
    %ne3A_1382 = arith.constant 0 : i32
    %ne3A_1383 = vector.broadcast %ne3A_1382 : i32 to vector<128x128xi32>
    %ne3A_1384 = arith.cmpi ne, %and3A_1381, %ne3A_1383 : vector<128x128xi32>
    %slice3A_1385 = vector.extract_strided_slice %select_n3A_1378 {offsets = [1, 0], sizes = [127, 128], strides = [1, 1]} : vector<128x128xf32> to vector<127x128xf32>
    %slice3A_1386 = vector.extract_strided_slice %select_n3A_1378 {offsets = [0, 0], sizes = [1, 128], strides = [1, 1]} : vector<128x128xf32> to vector<1x128xf32>
    %concatenate3A_1387 = tpu.concatenate %slice3A_1385, %slice3A_1386 in 0 : vector<127x128xf32>, vector<1x128xf32> -> vector<128x128xf32>
    %slice3A_1388 = vector.extract_strided_slice %select_n3A_1378 {offsets = [127, 0], sizes = [1, 128], strides = [1, 1]} : vector<128x128xf32> to vector<1x128xf32>
    %slice3A_1389 = vector.extract_strided_slice %select_n3A_1378 {offsets = [0, 0], sizes = [127, 128], strides = [1, 1]} : vector<128x128xf32> to vector<127x128xf32>
    %concatenate3A_1390 = tpu.concatenate %slice3A_1388, %slice3A_1389 in 0 : vector<1x128xf32>, vector<127x128xf32> -> vector<128x128xf32>
    %select_n3A_1391 = arith.select %ne3A_1384, %concatenate3A_1390, %concatenate3A_1387 : vector<128x128xi1>, vector<128x128xf32>
    %min3A_1392 = arith.minimumf %select_n3A_1378, %select_n3A_1391 : vector<128x128xf32>
    %max3A_1393 = arith.maximumf %select_n3A_1378, %select_n3A_1391 : vector<128x128xf32>
    %ne3A_1394 = arith.xori %ne3A_1384, %ne3A_1191 : vector<128x128xi1>
    %select_n3A_1395 = arith.select %ne3A_1394, %max3A_1393, %min3A_1392 : vector<128x128xi1>, vector<128x128xf32>
    %and3A_1396 = arith.constant 8192 : i32
    %and3A_1397 = vector.broadcast %and3A_1396 : i32 to vector<128x128xi32>
    %and3A_1398 = arith.andi %add3A, %and3A_1397 : vector<128x128xi32>
    %ne3A_1399 = arith.constant 0 : i32
    %ne3A_1400 = vector.broadcast %ne3A_1399 : i32 to vector<128x128xi32>
    %ne3A_1401 = arith.cmpi ne, %and3A_1398, %ne3A_1400 : vector<128x128xi32>
    %and3A_1402 = arith.constant 4096 : i32
    %and3A_1403 = vector.broadcast %and3A_1402 : i32 to vector<128x128xi32>
    %and3A_1404 = arith.andi %add3A, %and3A_1403 : vector<128x128xi32>
    %ne3A_1405 = arith.constant 0 : i32
    %ne3A_1406 = vector.broadcast %ne3A_1405 : i32 to vector<128x128xi32>
    %ne3A_1407 = arith.cmpi ne, %and3A_1404, %ne3A_1406 : vector<128x128xi32>
    %slice3A_1408 = vector.extract_strided_slice %select_n3A_1395 {offsets = [0, 32], sizes = [128, 96], strides = [1, 1]} : vector<128x128xf32> to vector<128x96xf32>
    %slice3A_1409 = vector.extract_strided_slice %select_n3A_1395 {offsets = [0, 0], sizes = [128, 32], strides = [1, 1]} : vector<128x128xf32> to vector<128x32xf32>
    %concatenate3A_1410 = tpu.concatenate %slice3A_1408, %slice3A_1409 in 1 : vector<128x96xf32>, vector<128x32xf32> -> vector<128x128xf32>
    %slice3A_1411 = vector.extract_strided_slice %select_n3A_1395 {offsets = [0, 96], sizes = [128, 32], strides = [1, 1]} : vector<128x128xf32> to vector<128x32xf32>
    %slice3A_1412 = vector.extract_strided_slice %select_n3A_1395 {offsets = [0, 0], sizes = [128, 96], strides = [1, 1]} : vector<128x128xf32> to vector<128x96xf32>
    %concatenate3A_1413 = tpu.concatenate %slice3A_1411, %slice3A_1412 in 1 : vector<128x32xf32>, vector<128x96xf32> -> vector<128x128xf32>
    %select_n3A_1414 = arith.select %ne3A_1407, %concatenate3A_1413, %concatenate3A_1410 : vector<128x128xi1>, vector<128x128xf32>
    %min3A_1415 = arith.minimumf %select_n3A_1395, %select_n3A_1414 : vector<128x128xf32>
    %max3A_1416 = arith.maximumf %select_n3A_1395, %select_n3A_1414 : vector<128x128xf32>
    %ne3A_1417 = arith.xori %ne3A_1407, %ne3A_1401 : vector<128x128xi1>
    %select_n3A_1418 = arith.select %ne3A_1417, %max3A_1416, %min3A_1415 : vector<128x128xi1>, vector<128x128xf32>
    %and3A_1419 = arith.constant 2048 : i32
    %and3A_1420 = vector.broadcast %and3A_1419 : i32 to vector<128x128xi32>
    %and3A_1421 = arith.andi %add3A, %and3A_1420 : vector<128x128xi32>
    %ne3A_1422 = arith.constant 0 : i32
    %ne3A_1423 = vector.broadcast %ne3A_1422 : i32 to vector<128x128xi32>
    %ne3A_1424 = arith.cmpi ne, %and3A_1421, %ne3A_1423 : vector<128x128xi32>
    %slice3A_1425 = vector.extract_strided_slice %select_n3A_1418 {offsets = [0, 16], sizes = [128, 112], strides = [1, 1]} : vector<128x128xf32> to vector<128x112xf32>
    %slice3A_1426 = vector.extract_strided_slice %select_n3A_1418 {offsets = [0, 0], sizes = [128, 16], strides = [1, 1]} : vector<128x128xf32> to vector<128x16xf32>
    %concatenate3A_1427 = tpu.concatenate %slice3A_1425, %slice3A_1426 in 1 : vector<128x112xf32>, vector<128x16xf32> -> vector<128x128xf32>
    %slice3A_1428 = vector.extract_strided_slice %select_n3A_1418 {offsets = [0, 112], sizes = [128, 16], strides = [1, 1]} : vector<128x128xf32> to vector<128x16xf32>
    %slice3A_1429 = vector.extract_strided_slice %select_n3A_1418 {offsets = [0, 0], sizes = [128, 112], strides = [1, 1]} : vector<128x128xf32> to vector<128x112xf32>
    %concatenate3A_1430 = tpu.concatenate %slice3A_1428, %slice3A_1429 in 1 : vector<128x16xf32>, vector<128x112xf32> -> vector<128x128xf32>
    %select_n3A_1431 = arith.select %ne3A_1424, %concatenate3A_1430, %concatenate3A_1427 : vector<128x128xi1>, vector<128x128xf32>
    %min3A_1432 = arith.minimumf %select_n3A_1418, %select_n3A_1431 : vector<128x128xf32>
    %max3A_1433 = arith.maximumf %select_n3A_1418, %select_n3A_1431 : vector<128x128xf32>
    %ne3A_1434 = arith.xori %ne3A_1424, %ne3A_1401 : vector<128x128xi1>
    %select_n3A_1435 = arith.select %ne3A_1434, %max3A_1433, %min3A_1432 : vector<128x128xi1>, vector<128x128xf32>
    %and3A_1436 = arith.constant 1024 : i32
    %and3A_1437 = vector.broadcast %and3A_1436 : i32 to vector<128x128xi32>
    %and3A_1438 = arith.andi %add3A, %and3A_1437 : vector<128x128xi32>
    %ne3A_1439 = arith.constant 0 : i32
    %ne3A_1440 = vector.broadcast %ne3A_1439 : i32 to vector<128x128xi32>
    %ne3A_1441 = arith.cmpi ne, %and3A_1438, %ne3A_1440 : vector<128x128xi32>
    %slice3A_1442 = vector.extract_strided_slice %select_n3A_1435 {offsets = [0, 8], sizes = [128, 120], strides = [1, 1]} : vector<128x128xf32> to vector<128x120xf32>
    %slice3A_1443 = vector.extract_strided_slice %select_n3A_1435 {offsets = [0, 0], sizes = [128, 8], strides = [1, 1]} : vector<128x128xf32> to vector<128x8xf32>
    %concatenate3A_1444 = tpu.concatenate %slice3A_1442, %slice3A_1443 in 1 : vector<128x120xf32>, vector<128x8xf32> -> vector<128x128xf32>
    %slice3A_1445 = vector.extract_strided_slice %select_n3A_1435 {offsets = [0, 120], sizes = [128, 8], strides = [1, 1]} : vector<128x128xf32> to vector<128x8xf32>
    %slice3A_1446 = vector.extract_strided_slice %select_n3A_1435 {offsets = [0, 0], sizes = [128, 120], strides = [1, 1]} : vector<128x128xf32> to vector<128x120xf32>
    %concatenate3A_1447 = tpu.concatenate %slice3A_1445, %slice3A_1446 in 1 : vector<128x8xf32>, vector<128x120xf32> -> vector<128x128xf32>
    %select_n3A_1448 = arith.select %ne3A_1441, %concatenate3A_1447, %concatenate3A_1444 : vector<128x128xi1>, vector<128x128xf32>
    %min3A_1449 = arith.minimumf %select_n3A_1435, %select_n3A_1448 : vector<128x128xf32>
    %max3A_1450 = arith.maximumf %select_n3A_1435, %select_n3A_1448 : vector<128x128xf32>
    %ne3A_1451 = arith.xori %ne3A_1441, %ne3A_1401 : vector<128x128xi1>
    %select_n3A_1452 = arith.select %ne3A_1451, %max3A_1450, %min3A_1449 : vector<128x128xi1>, vector<128x128xf32>
    %and3A_1453 = arith.constant 512 : i32
    %and3A_1454 = vector.broadcast %and3A_1453 : i32 to vector<128x128xi32>
    %and3A_1455 = arith.andi %add3A, %and3A_1454 : vector<128x128xi32>
    %ne3A_1456 = arith.constant 0 : i32
    %ne3A_1457 = vector.broadcast %ne3A_1456 : i32 to vector<128x128xi32>
    %ne3A_1458 = arith.cmpi ne, %and3A_1455, %ne3A_1457 : vector<128x128xi32>
    %slice3A_1459 = vector.extract_strided_slice %select_n3A_1452 {offsets = [0, 4], sizes = [128, 124], strides = [1, 1]} : vector<128x128xf32> to vector<128x124xf32>
    %slice3A_1460 = vector.extract_strided_slice %select_n3A_1452 {offsets = [0, 0], sizes = [128, 4], strides = [1, 1]} : vector<128x128xf32> to vector<128x4xf32>
    %concatenate3A_1461 = tpu.concatenate %slice3A_1459, %slice3A_1460 in 1 : vector<128x124xf32>, vector<128x4xf32> -> vector<128x128xf32>
    %slice3A_1462 = vector.extract_strided_slice %select_n3A_1452 {offsets = [0, 124], sizes = [128, 4], strides = [1, 1]} : vector<128x128xf32> to vector<128x4xf32>
    %slice3A_1463 = vector.extract_strided_slice %select_n3A_1452 {offsets = [0, 0], sizes = [128, 124], strides = [1, 1]} : vector<128x128xf32> to vector<128x124xf32>
    %concatenate3A_1464 = tpu.concatenate %slice3A_1462, %slice3A_1463 in 1 : vector<128x4xf32>, vector<128x124xf32> -> vector<128x128xf32>
    %select_n3A_1465 = arith.select %ne3A_1458, %concatenate3A_1464, %concatenate3A_1461 : vector<128x128xi1>, vector<128x128xf32>
    %min3A_1466 = arith.minimumf %select_n3A_1452, %select_n3A_1465 : vector<128x128xf32>
    %max3A_1467 = arith.maximumf %select_n3A_1452, %select_n3A_1465 : vector<128x128xf32>
    %ne3A_1468 = arith.xori %ne3A_1458, %ne3A_1401 : vector<128x128xi1>
    %select_n3A_1469 = arith.select %ne3A_1468, %max3A_1467, %min3A_1466 : vector<128x128xi1>, vector<128x128xf32>
    %and3A_1470 = arith.constant 256 : i32
    %and3A_1471 = vector.broadcast %and3A_1470 : i32 to vector<128x128xi32>
    %and3A_1472 = arith.andi %add3A, %and3A_1471 : vector<128x128xi32>
    %ne3A_1473 = arith.constant 0 : i32
    %ne3A_1474 = vector.broadcast %ne3A_1473 : i32 to vector<128x128xi32>
    %ne3A_1475 = arith.cmpi ne, %and3A_1472, %ne3A_1474 : vector<128x128xi32>
    %slice3A_1476 = vector.extract_strided_slice %select_n3A_1469 {offsets = [0, 2], sizes = [128, 126], strides = [1, 1]} : vector<128x128xf32> to vector<128x126xf32>
    %slice3A_1477 = vector.extract_strided_slice %select_n3A_1469 {offsets = [0, 0], sizes = [128, 2], strides = [1, 1]} : vector<128x128xf32> to vector<128x2xf32>
    %concatenate3A_1478 = tpu.concatenate %slice3A_1476, %slice3A_1477 in 1 : vector<128x126xf32>, vector<128x2xf32> -> vector<128x128xf32>
    %slice3A_1479 = vector.extract_strided_slice %select_n3A_1469 {offsets = [0, 126], sizes = [128, 2], strides = [1, 1]} : vector<128x128xf32> to vector<128x2xf32>
    %slice3A_1480 = vector.extract_strided_slice %select_n3A_1469 {offsets = [0, 0], sizes = [128, 126], strides = [1, 1]} : vector<128x128xf32> to vector<128x126xf32>
    %concatenate3A_1481 = tpu.concatenate %slice3A_1479, %slice3A_1480 in 1 : vector<128x2xf32>, vector<128x126xf32> -> vector<128x128xf32>
    %select_n3A_1482 = arith.select %ne3A_1475, %concatenate3A_1481, %concatenate3A_1478 : vector<128x128xi1>, vector<128x128xf32>
    %min3A_1483 = arith.minimumf %select_n3A_1469, %select_n3A_1482 : vector<128x128xf32>
    %max3A_1484 = arith.maximumf %select_n3A_1469, %select_n3A_1482 : vector<128x128xf32>
    %ne3A_1485 = arith.xori %ne3A_1475, %ne3A_1401 : vector<128x128xi1>
    %select_n3A_1486 = arith.select %ne3A_1485, %max3A_1484, %min3A_1483 : vector<128x128xi1>, vector<128x128xf32>
    %and3A_1487 = arith.constant 128 : i32
    %and3A_1488 = vector.broadcast %and3A_1487 : i32 to vector<128x128xi32>
    %and3A_1489 = arith.andi %add3A, %and3A_1488 : vector<128x128xi32>
    %ne3A_1490 = arith.constant 0 : i32
    %ne3A_1491 = vector.broadcast %ne3A_1490 : i32 to vector<128x128xi32>
    %ne3A_1492 = arith.cmpi ne, %and3A_1489, %ne3A_1491 : vector<128x128xi32>
    %slice3A_1493 = vector.extract_strided_slice %select_n3A_1486 {offsets = [0, 1], sizes = [128, 127], strides = [1, 1]} : vector<128x128xf32> to vector<128x127xf32>
    %slice3A_1494 = vector.extract_strided_slice %select_n3A_1486 {offsets = [0, 0], sizes = [128, 1], strides = [1, 1]} : vector<128x128xf32> to vector<128x1xf32>
    %concatenate3A_1495 = tpu.concatenate %slice3A_1493, %slice3A_1494 in 1 : vector<128x127xf32>, vector<128x1xf32> -> vector<128x128xf32>
    %slice3A_1496 = vector.extract_strided_slice %select_n3A_1486 {offsets = [0, 127], sizes = [128, 1], strides = [1, 1]} : vector<128x128xf32> to vector<128x1xf32>
    %slice3A_1497 = vector.extract_strided_slice %select_n3A_1486 {offsets = [0, 0], sizes = [128, 127], strides = [1, 1]} : vector<128x128xf32> to vector<128x127xf32>
    %concatenate3A_1498 = tpu.concatenate %slice3A_1496, %slice3A_1497 in 1 : vector<128x1xf32>, vector<128x127xf32> -> vector<128x128xf32>
    %select_n3A_1499 = arith.select %ne3A_1492, %concatenate3A_1498, %concatenate3A_1495 : vector<128x128xi1>, vector<128x128xf32>
    %min3A_1500 = arith.minimumf %select_n3A_1486, %select_n3A_1499 : vector<128x128xf32>
    %max3A_1501 = arith.maximumf %select_n3A_1486, %select_n3A_1499 : vector<128x128xf32>
    %ne3A_1502 = arith.xori %ne3A_1492, %ne3A_1401 : vector<128x128xi1>
    %select_n3A_1503 = arith.select %ne3A_1502, %max3A_1501, %min3A_1500 : vector<128x128xi1>, vector<128x128xf32>
    %and3A_1504 = arith.constant 64 : i32
    %and3A_1505 = vector.broadcast %and3A_1504 : i32 to vector<128x128xi32>
    %and3A_1506 = arith.andi %add3A, %and3A_1505 : vector<128x128xi32>
    %ne3A_1507 = arith.constant 0 : i32
    %ne3A_1508 = vector.broadcast %ne3A_1507 : i32 to vector<128x128xi32>
    %ne3A_1509 = arith.cmpi ne, %and3A_1506, %ne3A_1508 : vector<128x128xi32>
    %slice3A_1510 = vector.extract_strided_slice %select_n3A_1503 {offsets = [64, 0], sizes = [64, 128], strides = [1, 1]} : vector<128x128xf32> to vector<64x128xf32>
    %slice3A_1511 = vector.extract_strided_slice %select_n3A_1503 {offsets = [0, 0], sizes = [64, 128], strides = [1, 1]} : vector<128x128xf32> to vector<64x128xf32>
    %concatenate3A_1512 = tpu.concatenate %slice3A_1510, %slice3A_1511 in 0 : vector<64x128xf32>, vector<64x128xf32> -> vector<128x128xf32>
    %slice3A_1513 = vector.extract_strided_slice %select_n3A_1503 {offsets = [64, 0], sizes = [64, 128], strides = [1, 1]} : vector<128x128xf32> to vector<64x128xf32>
    %slice3A_1514 = vector.extract_strided_slice %select_n3A_1503 {offsets = [0, 0], sizes = [64, 128], strides = [1, 1]} : vector<128x128xf32> to vector<64x128xf32>
    %concatenate3A_1515 = tpu.concatenate %slice3A_1513, %slice3A_1514 in 0 : vector<64x128xf32>, vector<64x128xf32> -> vector<128x128xf32>
    %select_n3A_1516 = arith.select %ne3A_1509, %concatenate3A_1515, %concatenate3A_1512 : vector<128x128xi1>, vector<128x128xf32>
    %min3A_1517 = arith.minimumf %select_n3A_1503, %select_n3A_1516 : vector<128x128xf32>
    %max3A_1518 = arith.maximumf %select_n3A_1503, %select_n3A_1516 : vector<128x128xf32>
    %ne3A_1519 = arith.xori %ne3A_1509, %ne3A_1401 : vector<128x128xi1>
    %select_n3A_1520 = arith.select %ne3A_1519, %max3A_1518, %min3A_1517 : vector<128x128xi1>, vector<128x128xf32>
    %and3A_1521 = arith.constant 32 : i32
    %and3A_1522 = vector.broadcast %and3A_1521 : i32 to vector<128x128xi32>
    %and3A_1523 = arith.andi %add3A, %and3A_1522 : vector<128x128xi32>
    %ne3A_1524 = arith.constant 0 : i32
    %ne3A_1525 = vector.broadcast %ne3A_1524 : i32 to vector<128x128xi32>
    %ne3A_1526 = arith.cmpi ne, %and3A_1523, %ne3A_1525 : vector<128x128xi32>
    %slice3A_1527 = vector.extract_strided_slice %select_n3A_1520 {offsets = [32, 0], sizes = [96, 128], strides = [1, 1]} : vector<128x128xf32> to vector<96x128xf32>
    %slice3A_1528 = vector.extract_strided_slice %select_n3A_1520 {offsets = [0, 0], sizes = [32, 128], strides = [1, 1]} : vector<128x128xf32> to vector<32x128xf32>
    %concatenate3A_1529 = tpu.concatenate %slice3A_1527, %slice3A_1528 in 0 : vector<96x128xf32>, vector<32x128xf32> -> vector<128x128xf32>
    %slice3A_1530 = vector.extract_strided_slice %select_n3A_1520 {offsets = [96, 0], sizes = [32, 128], strides = [1, 1]} : vector<128x128xf32> to vector<32x128xf32>
    %slice3A_1531 = vector.extract_strided_slice %select_n3A_1520 {offsets = [0, 0], sizes = [96, 128], strides = [1, 1]} : vector<128x128xf32> to vector<96x128xf32>
    %concatenate3A_1532 = tpu.concatenate %slice3A_1530, %slice3A_1531 in 0 : vector<32x128xf32>, vector<96x128xf32> -> vector<128x128xf32>
    %select_n3A_1533 = arith.select %ne3A_1526, %concatenate3A_1532, %concatenate3A_1529 : vector<128x128xi1>, vector<128x128xf32>
    %min3A_1534 = arith.minimumf %select_n3A_1520, %select_n3A_1533 : vector<128x128xf32>
    %max3A_1535 = arith.maximumf %select_n3A_1520, %select_n3A_1533 : vector<128x128xf32>
    %ne3A_1536 = arith.xori %ne3A_1526, %ne3A_1401 : vector<128x128xi1>
    %select_n3A_1537 = arith.select %ne3A_1536, %max3A_1535, %min3A_1534 : vector<128x128xi1>, vector<128x128xf32>
    %and3A_1538 = arith.constant 16 : i32
    %and3A_1539 = vector.broadcast %and3A_1538 : i32 to vector<128x128xi32>
    %and3A_1540 = arith.andi %add3A, %and3A_1539 : vector<128x128xi32>
    %ne3A_1541 = arith.constant 0 : i32
    %ne3A_1542 = vector.broadcast %ne3A_1541 : i32 to vector<128x128xi32>
    %ne3A_1543 = arith.cmpi ne, %and3A_1540, %ne3A_1542 : vector<128x128xi32>
    %slice3A_1544 = vector.extract_strided_slice %select_n3A_1537 {offsets = [16, 0], sizes = [112, 128], strides = [1, 1]} : vector<128x128xf32> to vector<112x128xf32>
    %slice3A_1545 = vector.extract_strided_slice %select_n3A_1537 {offsets = [0, 0], sizes = [16, 128], strides = [1, 1]} : vector<128x128xf32> to vector<16x128xf32>
    %concatenate3A_1546 = tpu.concatenate %slice3A_1544, %slice3A_1545 in 0 : vector<112x128xf32>, vector<16x128xf32> -> vector<128x128xf32>
    %slice3A_1547 = vector.extract_strided_slice %select_n3A_1537 {offsets = [112, 0], sizes = [16, 128], strides = [1, 1]} : vector<128x128xf32> to vector<16x128xf32>
    %slice3A_1548 = vector.extract_strided_slice %select_n3A_1537 {offsets = [0, 0], sizes = [112, 128], strides = [1, 1]} : vector<128x128xf32> to vector<112x128xf32>
    %concatenate3A_1549 = tpu.concatenate %slice3A_1547, %slice3A_1548 in 0 : vector<16x128xf32>, vector<112x128xf32> -> vector<128x128xf32>
    %select_n3A_1550 = arith.select %ne3A_1543, %concatenate3A_1549, %concatenate3A_1546 : vector<128x128xi1>, vector<128x128xf32>
    %min3A_1551 = arith.minimumf %select_n3A_1537, %select_n3A_1550 : vector<128x128xf32>
    %max3A_1552 = arith.maximumf %select_n3A_1537, %select_n3A_1550 : vector<128x128xf32>
    %ne3A_1553 = arith.xori %ne3A_1543, %ne3A_1401 : vector<128x128xi1>
    %select_n3A_1554 = arith.select %ne3A_1553, %max3A_1552, %min3A_1551 : vector<128x128xi1>, vector<128x128xf32>
    %and3A_1555 = arith.constant 8 : i32
    %and3A_1556 = vector.broadcast %and3A_1555 : i32 to vector<128x128xi32>
    %and3A_1557 = arith.andi %add3A, %and3A_1556 : vector<128x128xi32>
    %ne3A_1558 = arith.constant 0 : i32
    %ne3A_1559 = vector.broadcast %ne3A_1558 : i32 to vector<128x128xi32>
    %ne3A_1560 = arith.cmpi ne, %and3A_1557, %ne3A_1559 : vector<128x128xi32>
    %slice3A_1561 = vector.extract_strided_slice %select_n3A_1554 {offsets = [8, 0], sizes = [120, 128], strides = [1, 1]} : vector<128x128xf32> to vector<120x128xf32>
    %slice3A_1562 = vector.extract_strided_slice %select_n3A_1554 {offsets = [0, 0], sizes = [8, 128], strides = [1, 1]} : vector<128x128xf32> to vector<8x128xf32>
    %concatenate3A_1563 = tpu.concatenate %slice3A_1561, %slice3A_1562 in 0 : vector<120x128xf32>, vector<8x128xf32> -> vector<128x128xf32>
    %slice3A_1564 = vector.extract_strided_slice %select_n3A_1554 {offsets = [120, 0], sizes = [8, 128], strides = [1, 1]} : vector<128x128xf32> to vector<8x128xf32>
    %slice3A_1565 = vector.extract_strided_slice %select_n3A_1554 {offsets = [0, 0], sizes = [120, 128], strides = [1, 1]} : vector<128x128xf32> to vector<120x128xf32>
    %concatenate3A_1566 = tpu.concatenate %slice3A_1564, %slice3A_1565 in 0 : vector<8x128xf32>, vector<120x128xf32> -> vector<128x128xf32>
    %select_n3A_1567 = arith.select %ne3A_1560, %concatenate3A_1566, %concatenate3A_1563 : vector<128x128xi1>, vector<128x128xf32>
    %min3A_1568 = arith.minimumf %select_n3A_1554, %select_n3A_1567 : vector<128x128xf32>
    %max3A_1569 = arith.maximumf %select_n3A_1554, %select_n3A_1567 : vector<128x128xf32>
    %ne3A_1570 = arith.xori %ne3A_1560, %ne3A_1401 : vector<128x128xi1>
    %select_n3A_1571 = arith.select %ne3A_1570, %max3A_1569, %min3A_1568 : vector<128x128xi1>, vector<128x128xf32>
    %and3A_1572 = arith.constant 4 : i32
    %and3A_1573 = vector.broadcast %and3A_1572 : i32 to vector<128x128xi32>
    %and3A_1574 = arith.andi %add3A, %and3A_1573 : vector<128x128xi32>
    %ne3A_1575 = arith.constant 0 : i32
    %ne3A_1576 = vector.broadcast %ne3A_1575 : i32 to vector<128x128xi32>
    %ne3A_1577 = arith.cmpi ne, %and3A_1574, %ne3A_1576 : vector<128x128xi32>
    %slice3A_1578 = vector.extract_strided_slice %select_n3A_1571 {offsets = [4, 0], sizes = [124, 128], strides = [1, 1]} : vector<128x128xf32> to vector<124x128xf32>
    %slice3A_1579 = vector.extract_strided_slice %select_n3A_1571 {offsets = [0, 0], sizes = [4, 128], strides = [1, 1]} : vector<128x128xf32> to vector<4x128xf32>
    %concatenate3A_1580 = tpu.concatenate %slice3A_1578, %slice3A_1579 in 0 : vector<124x128xf32>, vector<4x128xf32> -> vector<128x128xf32>
    %slice3A_1581 = vector.extract_strided_slice %select_n3A_1571 {offsets = [124, 0], sizes = [4, 128], strides = [1, 1]} : vector<128x128xf32> to vector<4x128xf32>
    %slice3A_1582 = vector.extract_strided_slice %select_n3A_1571 {offsets = [0, 0], sizes = [124, 128], strides = [1, 1]} : vector<128x128xf32> to vector<124x128xf32>
    %concatenate3A_1583 = tpu.concatenate %slice3A_1581, %slice3A_1582 in 0 : vector<4x128xf32>, vector<124x128xf32> -> vector<128x128xf32>
    %select_n3A_1584 = arith.select %ne3A_1577, %concatenate3A_1583, %concatenate3A_1580 : vector<128x128xi1>, vector<128x128xf32>
    %min3A_1585 = arith.minimumf %select_n3A_1571, %select_n3A_1584 : vector<128x128xf32>
    %max3A_1586 = arith.maximumf %select_n3A_1571, %select_n3A_1584 : vector<128x128xf32>
    %ne3A_1587 = arith.xori %ne3A_1577, %ne3A_1401 : vector<128x128xi1>
    %select_n3A_1588 = arith.select %ne3A_1587, %max3A_1586, %min3A_1585 : vector<128x128xi1>, vector<128x128xf32>
    %and3A_1589 = arith.constant 2 : i32
    %and3A_1590 = vector.broadcast %and3A_1589 : i32 to vector<128x128xi32>
    %and3A_1591 = arith.andi %add3A, %and3A_1590 : vector<128x128xi32>
    %ne3A_1592 = arith.constant 0 : i32
    %ne3A_1593 = vector.broadcast %ne3A_1592 : i32 to vector<128x128xi32>
    %ne3A_1594 = arith.cmpi ne, %and3A_1591, %ne3A_1593 : vector<128x128xi32>
    %slice3A_1595 = vector.extract_strided_slice %select_n3A_1588 {offsets = [2, 0], sizes = [126, 128], strides = [1, 1]} : vector<128x128xf32> to vector<126x128xf32>
    %slice3A_1596 = vector.extract_strided_slice %select_n3A_1588 {offsets = [0, 0], sizes = [2, 128], strides = [1, 1]} : vector<128x128xf32> to vector<2x128xf32>
    %concatenate3A_1597 = tpu.concatenate %slice3A_1595, %slice3A_1596 in 0 : vector<126x128xf32>, vector<2x128xf32> -> vector<128x128xf32>
    %slice3A_1598 = vector.extract_strided_slice %select_n3A_1588 {offsets = [126, 0], sizes = [2, 128], strides = [1, 1]} : vector<128x128xf32> to vector<2x128xf32>
    %slice3A_1599 = vector.extract_strided_slice %select_n3A_1588 {offsets = [0, 0], sizes = [126, 128], strides = [1, 1]} : vector<128x128xf32> to vector<126x128xf32>
    %concatenate3A_1600 = tpu.concatenate %slice3A_1598, %slice3A_1599 in 0 : vector<2x128xf32>, vector<126x128xf32> -> vector<128x128xf32>
    %select_n3A_1601 = arith.select %ne3A_1594, %concatenate3A_1600, %concatenate3A_1597 : vector<128x128xi1>, vector<128x128xf32>
    %min3A_1602 = arith.minimumf %select_n3A_1588, %select_n3A_1601 : vector<128x128xf32>
    %max3A_1603 = arith.maximumf %select_n3A_1588, %select_n3A_1601 : vector<128x128xf32>
    %ne3A_1604 = arith.xori %ne3A_1594, %ne3A_1401 : vector<128x128xi1>
    %select_n3A_1605 = arith.select %ne3A_1604, %max3A_1603, %min3A_1602 : vector<128x128xi1>, vector<128x128xf32>
    %and3A_1606 = arith.constant 1 : i32
    %and3A_1607 = vector.broadcast %and3A_1606 : i32 to vector<128x128xi32>
    %and3A_1608 = arith.andi %add3A, %and3A_1607 : vector<128x128xi32>
    %ne3A_1609 = arith.constant 0 : i32
    %ne3A_1610 = vector.broadcast %ne3A_1609 : i32 to vector<128x128xi32>
    %ne3A_1611 = arith.cmpi ne, %and3A_1608, %ne3A_1610 : vector<128x128xi32>
    %slice3A_1612 = vector.extract_strided_slice %select_n3A_1605 {offsets = [1, 0], sizes = [127, 128], strides = [1, 1]} : vector<128x128xf32> to vector<127x128xf32>
    %slice3A_1613 = vector.extract_strided_slice %select_n3A_1605 {offsets = [0, 0], sizes = [1, 128], strides = [1, 1]} : vector<128x128xf32> to vector<1x128xf32>
    %concatenate3A_1614 = tpu.concatenate %slice3A_1612, %slice3A_1613 in 0 : vector<127x128xf32>, vector<1x128xf32> -> vector<128x128xf32>
    %slice3A_1615 = vector.extract_strided_slice %select_n3A_1605 {offsets = [127, 0], sizes = [1, 128], strides = [1, 1]} : vector<128x128xf32> to vector<1x128xf32>
    %slice3A_1616 = vector.extract_strided_slice %select_n3A_1605 {offsets = [0, 0], sizes = [127, 128], strides = [1, 1]} : vector<128x128xf32> to vector<127x128xf32>
    %concatenate3A_1617 = tpu.concatenate %slice3A_1615, %slice3A_1616 in 0 : vector<1x128xf32>, vector<127x128xf32> -> vector<128x128xf32>
    %select_n3A_1618 = arith.select %ne3A_1611, %concatenate3A_1617, %concatenate3A_1614 : vector<128x128xi1>, vector<128x128xf32>
    %min3A_1619 = arith.minimumf %select_n3A_1605, %select_n3A_1618 : vector<128x128xf32>
    %max3A_1620 = arith.maximumf %select_n3A_1605, %select_n3A_1618 : vector<128x128xf32>
    %ne3A_1621 = arith.xori %ne3A_1611, %ne3A_1401 : vector<128x128xi1>
    %select_n3A_1622 = arith.select %ne3A_1621, %max3A_1620, %min3A_1619 : vector<128x128xi1>, vector<128x128xf32>
    %and3A_1623 = arith.constant 16384 : i32
    %and3A_1624 = vector.broadcast %and3A_1623 : i32 to vector<128x128xi32>
    %and3A_1625 = arith.andi %add3A, %and3A_1624 : vector<128x128xi32>
    %ne3A_1626 = arith.constant 0 : i32
    %ne3A_1627 = vector.broadcast %ne3A_1626 : i32 to vector<128x128xi32>
    %ne3A_1628 = arith.cmpi ne, %and3A_1625, %ne3A_1627 : vector<128x128xi32>
    %and3A_1629 = arith.constant 8192 : i32
    %and3A_1630 = vector.broadcast %and3A_1629 : i32 to vector<128x128xi32>
    %and3A_1631 = arith.andi %add3A, %and3A_1630 : vector<128x128xi32>
    %ne3A_1632 = arith.constant 0 : i32
    %ne3A_1633 = vector.broadcast %ne3A_1632 : i32 to vector<128x128xi32>
    %ne3A_1634 = arith.cmpi ne, %and3A_1631, %ne3A_1633 : vector<128x128xi32>
    %slice3A_1635 = vector.extract_strided_slice %select_n3A_1622 {offsets = [0, 64], sizes = [128, 64], strides = [1, 1]} : vector<128x128xf32> to vector<128x64xf32>
    %slice3A_1636 = vector.extract_strided_slice %select_n3A_1622 {offsets = [0, 0], sizes = [128, 64], strides = [1, 1]} : vector<128x128xf32> to vector<128x64xf32>
    %concatenate3A_1637 = tpu.concatenate %slice3A_1635, %slice3A_1636 in 1 : vector<128x64xf32>, vector<128x64xf32> -> vector<128x128xf32>
    %slice3A_1638 = vector.extract_strided_slice %select_n3A_1622 {offsets = [0, 64], sizes = [128, 64], strides = [1, 1]} : vector<128x128xf32> to vector<128x64xf32>
    %slice3A_1639 = vector.extract_strided_slice %select_n3A_1622 {offsets = [0, 0], sizes = [128, 64], strides = [1, 1]} : vector<128x128xf32> to vector<128x64xf32>
    %concatenate3A_1640 = tpu.concatenate %slice3A_1638, %slice3A_1639 in 1 : vector<128x64xf32>, vector<128x64xf32> -> vector<128x128xf32>
    %select_n3A_1641 = arith.select %ne3A_1634, %concatenate3A_1640, %concatenate3A_1637 : vector<128x128xi1>, vector<128x128xf32>
    %min3A_1642 = arith.minimumf %select_n3A_1622, %select_n3A_1641 : vector<128x128xf32>
    %max3A_1643 = arith.maximumf %select_n3A_1622, %select_n3A_1641 : vector<128x128xf32>
    %ne3A_1644 = arith.xori %ne3A_1634, %ne3A_1628 : vector<128x128xi1>
    %select_n3A_1645 = arith.select %ne3A_1644, %max3A_1643, %min3A_1642 : vector<128x128xi1>, vector<128x128xf32>
    %and3A_1646 = arith.constant 4096 : i32
    %and3A_1647 = vector.broadcast %and3A_1646 : i32 to vector<128x128xi32>
    %and3A_1648 = arith.andi %add3A, %and3A_1647 : vector<128x128xi32>
    %ne3A_1649 = arith.constant 0 : i32
    %ne3A_1650 = vector.broadcast %ne3A_1649 : i32 to vector<128x128xi32>
    %ne3A_1651 = arith.cmpi ne, %and3A_1648, %ne3A_1650 : vector<128x128xi32>
    %slice3A_1652 = vector.extract_strided_slice %select_n3A_1645 {offsets = [0, 32], sizes = [128, 96], strides = [1, 1]} : vector<128x128xf32> to vector<128x96xf32>
    %slice3A_1653 = vector.extract_strided_slice %select_n3A_1645 {offsets = [0, 0], sizes = [128, 32], strides = [1, 1]} : vector<128x128xf32> to vector<128x32xf32>
    %concatenate3A_1654 = tpu.concatenate %slice3A_1652, %slice3A_1653 in 1 : vector<128x96xf32>, vector<128x32xf32> -> vector<128x128xf32>
    %slice3A_1655 = vector.extract_strided_slice %select_n3A_1645 {offsets = [0, 96], sizes = [128, 32], strides = [1, 1]} : vector<128x128xf32> to vector<128x32xf32>
    %slice3A_1656 = vector.extract_strided_slice %select_n3A_1645 {offsets = [0, 0], sizes = [128, 96], strides = [1, 1]} : vector<128x128xf32> to vector<128x96xf32>
    %concatenate3A_1657 = tpu.concatenate %slice3A_1655, %slice3A_1656 in 1 : vector<128x32xf32>, vector<128x96xf32> -> vector<128x128xf32>
    %select_n3A_1658 = arith.select %ne3A_1651, %concatenate3A_1657, %concatenate3A_1654 : vector<128x128xi1>, vector<128x128xf32>
    %min3A_1659 = arith.minimumf %select_n3A_1645, %select_n3A_1658 : vector<128x128xf32>
    %max3A_1660 = arith.maximumf %select_n3A_1645, %select_n3A_1658 : vector<128x128xf32>
    %ne3A_1661 = arith.xori %ne3A_1651, %ne3A_1628 : vector<128x128xi1>
    %select_n3A_1662 = arith.select %ne3A_1661, %max3A_1660, %min3A_1659 : vector<128x128xi1>, vector<128x128xf32>
    %and3A_1663 = arith.constant 2048 : i32
    %and3A_1664 = vector.broadcast %and3A_1663 : i32 to vector<128x128xi32>
    %and3A_1665 = arith.andi %add3A, %and3A_1664 : vector<128x128xi32>
    %ne3A_1666 = arith.constant 0 : i32
    %ne3A_1667 = vector.broadcast %ne3A_1666 : i32 to vector<128x128xi32>
    %ne3A_1668 = arith.cmpi ne, %and3A_1665, %ne3A_1667 : vector<128x128xi32>
    %slice3A_1669 = vector.extract_strided_slice %select_n3A_1662 {offsets = [0, 16], sizes = [128, 112], strides = [1, 1]} : vector<128x128xf32> to vector<128x112xf32>
    %slice3A_1670 = vector.extract_strided_slice %select_n3A_1662 {offsets = [0, 0], sizes = [128, 16], strides = [1, 1]} : vector<128x128xf32> to vector<128x16xf32>
    %concatenate3A_1671 = tpu.concatenate %slice3A_1669, %slice3A_1670 in 1 : vector<128x112xf32>, vector<128x16xf32> -> vector<128x128xf32>
    %slice3A_1672 = vector.extract_strided_slice %select_n3A_1662 {offsets = [0, 112], sizes = [128, 16], strides = [1, 1]} : vector<128x128xf32> to vector<128x16xf32>
    %slice3A_1673 = vector.extract_strided_slice %select_n3A_1662 {offsets = [0, 0], sizes = [128, 112], strides = [1, 1]} : vector<128x128xf32> to vector<128x112xf32>
    %concatenate3A_1674 = tpu.concatenate %slice3A_1672, %slice3A_1673 in 1 : vector<128x16xf32>, vector<128x112xf32> -> vector<128x128xf32>
    %select_n3A_1675 = arith.select %ne3A_1668, %concatenate3A_1674, %concatenate3A_1671 : vector<128x128xi1>, vector<128x128xf32>
    %min3A_1676 = arith.minimumf %select_n3A_1662, %select_n3A_1675 : vector<128x128xf32>
    %max3A_1677 = arith.maximumf %select_n3A_1662, %select_n3A_1675 : vector<128x128xf32>
    %ne3A_1678 = arith.xori %ne3A_1668, %ne3A_1628 : vector<128x128xi1>
    %select_n3A_1679 = arith.select %ne3A_1678, %max3A_1677, %min3A_1676 : vector<128x128xi1>, vector<128x128xf32>
    %and3A_1680 = arith.constant 1024 : i32
    %and3A_1681 = vector.broadcast %and3A_1680 : i32 to vector<128x128xi32>
    %and3A_1682 = arith.andi %add3A, %and3A_1681 : vector<128x128xi32>
    %ne3A_1683 = arith.constant 0 : i32
    %ne3A_1684 = vector.broadcast %ne3A_1683 : i32 to vector<128x128xi32>
    %ne3A_1685 = arith.cmpi ne, %and3A_1682, %ne3A_1684 : vector<128x128xi32>
    %slice3A_1686 = vector.extract_strided_slice %select_n3A_1679 {offsets = [0, 8], sizes = [128, 120], strides = [1, 1]} : vector<128x128xf32> to vector<128x120xf32>
    %slice3A_1687 = vector.extract_strided_slice %select_n3A_1679 {offsets = [0, 0], sizes = [128, 8], strides = [1, 1]} : vector<128x128xf32> to vector<128x8xf32>
    %concatenate3A_1688 = tpu.concatenate %slice3A_1686, %slice3A_1687 in 1 : vector<128x120xf32>, vector<128x8xf32> -> vector<128x128xf32>
    %slice3A_1689 = vector.extract_strided_slice %select_n3A_1679 {offsets = [0, 120], sizes = [128, 8], strides = [1, 1]} : vector<128x128xf32> to vector<128x8xf32>
    %slice3A_1690 = vector.extract_strided_slice %select_n3A_1679 {offsets = [0, 0], sizes = [128, 120], strides = [1, 1]} : vector<128x128xf32> to vector<128x120xf32>
    %concatenate3A_1691 = tpu.concatenate %slice3A_1689, %slice3A_1690 in 1 : vector<128x8xf32>, vector<128x120xf32> -> vector<128x128xf32>
    %select_n3A_1692 = arith.select %ne3A_1685, %concatenate3A_1691, %concatenate3A_1688 : vector<128x128xi1>, vector<128x128xf32>
    %min3A_1693 = arith.minimumf %select_n3A_1679, %select_n3A_1692 : vector<128x128xf32>
    %max3A_1694 = arith.maximumf %select_n3A_1679, %select_n3A_1692 : vector<128x128xf32>
    %ne3A_1695 = arith.xori %ne3A_1685, %ne3A_1628 : vector<128x128xi1>
    %select_n3A_1696 = arith.select %ne3A_1695, %max3A_1694, %min3A_1693 : vector<128x128xi1>, vector<128x128xf32>
    %and3A_1697 = arith.constant 512 : i32
    %and3A_1698 = vector.broadcast %and3A_1697 : i32 to vector<128x128xi32>
    %and3A_1699 = arith.andi %add3A, %and3A_1698 : vector<128x128xi32>
    %ne3A_1700 = arith.constant 0 : i32
    %ne3A_1701 = vector.broadcast %ne3A_1700 : i32 to vector<128x128xi32>
    %ne3A_1702 = arith.cmpi ne, %and3A_1699, %ne3A_1701 : vector<128x128xi32>
    %slice3A_1703 = vector.extract_strided_slice %select_n3A_1696 {offsets = [0, 4], sizes = [128, 124], strides = [1, 1]} : vector<128x128xf32> to vector<128x124xf32>
    %slice3A_1704 = vector.extract_strided_slice %select_n3A_1696 {offsets = [0, 0], sizes = [128, 4], strides = [1, 1]} : vector<128x128xf32> to vector<128x4xf32>
    %concatenate3A_1705 = tpu.concatenate %slice3A_1703, %slice3A_1704 in 1 : vector<128x124xf32>, vector<128x4xf32> -> vector<128x128xf32>
    %slice3A_1706 = vector.extract_strided_slice %select_n3A_1696 {offsets = [0, 124], sizes = [128, 4], strides = [1, 1]} : vector<128x128xf32> to vector<128x4xf32>
    %slice3A_1707 = vector.extract_strided_slice %select_n3A_1696 {offsets = [0, 0], sizes = [128, 124], strides = [1, 1]} : vector<128x128xf32> to vector<128x124xf32>
    %concatenate3A_1708 = tpu.concatenate %slice3A_1706, %slice3A_1707 in 1 : vector<128x4xf32>, vector<128x124xf32> -> vector<128x128xf32>
    %select_n3A_1709 = arith.select %ne3A_1702, %concatenate3A_1708, %concatenate3A_1705 : vector<128x128xi1>, vector<128x128xf32>
    %min3A_1710 = arith.minimumf %select_n3A_1696, %select_n3A_1709 : vector<128x128xf32>
    %max3A_1711 = arith.maximumf %select_n3A_1696, %select_n3A_1709 : vector<128x128xf32>
    %ne3A_1712 = arith.xori %ne3A_1702, %ne3A_1628 : vector<128x128xi1>
    %select_n3A_1713 = arith.select %ne3A_1712, %max3A_1711, %min3A_1710 : vector<128x128xi1>, vector<128x128xf32>
    %and3A_1714 = arith.constant 256 : i32
    %and3A_1715 = vector.broadcast %and3A_1714 : i32 to vector<128x128xi32>
    %and3A_1716 = arith.andi %add3A, %and3A_1715 : vector<128x128xi32>
    %ne3A_1717 = arith.constant 0 : i32
    %ne3A_1718 = vector.broadcast %ne3A_1717 : i32 to vector<128x128xi32>
    %ne3A_1719 = arith.cmpi ne, %and3A_1716, %ne3A_1718 : vector<128x128xi32>
    %slice3A_1720 = vector.extract_strided_slice %select_n3A_1713 {offsets = [0, 2], sizes = [128, 126], strides = [1, 1]} : vector<128x128xf32> to vector<128x126xf32>
    %slice3A_1721 = vector.extract_strided_slice %select_n3A_1713 {offsets = [0, 0], sizes = [128, 2], strides = [1, 1]} : vector<128x128xf32> to vector<128x2xf32>
    %concatenate3A_1722 = tpu.concatenate %slice3A_1720, %slice3A_1721 in 1 : vector<128x126xf32>, vector<128x2xf32> -> vector<128x128xf32>
    %slice3A_1723 = vector.extract_strided_slice %select_n3A_1713 {offsets = [0, 126], sizes = [128, 2], strides = [1, 1]} : vector<128x128xf32> to vector<128x2xf32>
    %slice3A_1724 = vector.extract_strided_slice %select_n3A_1713 {offsets = [0, 0], sizes = [128, 126], strides = [1, 1]} : vector<128x128xf32> to vector<128x126xf32>
    %concatenate3A_1725 = tpu.concatenate %slice3A_1723, %slice3A_1724 in 1 : vector<128x2xf32>, vector<128x126xf32> -> vector<128x128xf32>
    %select_n3A_1726 = arith.select %ne3A_1719, %concatenate3A_1725, %concatenate3A_1722 : vector<128x128xi1>, vector<128x128xf32>
    %min3A_1727 = arith.minimumf %select_n3A_1713, %select_n3A_1726 : vector<128x128xf32>
    %max3A_1728 = arith.maximumf %select_n3A_1713, %select_n3A_1726 : vector<128x128xf32>
    %ne3A_1729 = arith.xori %ne3A_1719, %ne3A_1628 : vector<128x128xi1>
    %select_n3A_1730 = arith.select %ne3A_1729, %max3A_1728, %min3A_1727 : vector<128x128xi1>, vector<128x128xf32>
    %and3A_1731 = arith.constant 128 : i32
    %and3A_1732 = vector.broadcast %and3A_1731 : i32 to vector<128x128xi32>
    %and3A_1733 = arith.andi %add3A, %and3A_1732 : vector<128x128xi32>
    %ne3A_1734 = arith.constant 0 : i32
    %ne3A_1735 = vector.broadcast %ne3A_1734 : i32 to vector<128x128xi32>
    %ne3A_1736 = arith.cmpi ne, %and3A_1733, %ne3A_1735 : vector<128x128xi32>
    %slice3A_1737 = vector.extract_strided_slice %select_n3A_1730 {offsets = [0, 1], sizes = [128, 127], strides = [1, 1]} : vector<128x128xf32> to vector<128x127xf32>
    %slice3A_1738 = vector.extract_strided_slice %select_n3A_1730 {offsets = [0, 0], sizes = [128, 1], strides = [1, 1]} : vector<128x128xf32> to vector<128x1xf32>
    %concatenate3A_1739 = tpu.concatenate %slice3A_1737, %slice3A_1738 in 1 : vector<128x127xf32>, vector<128x1xf32> -> vector<128x128xf32>
    %slice3A_1740 = vector.extract_strided_slice %select_n3A_1730 {offsets = [0, 127], sizes = [128, 1], strides = [1, 1]} : vector<128x128xf32> to vector<128x1xf32>
    %slice3A_1741 = vector.extract_strided_slice %select_n3A_1730 {offsets = [0, 0], sizes = [128, 127], strides = [1, 1]} : vector<128x128xf32> to vector<128x127xf32>
    %concatenate3A_1742 = tpu.concatenate %slice3A_1740, %slice3A_1741 in 1 : vector<128x1xf32>, vector<128x127xf32> -> vector<128x128xf32>
    %select_n3A_1743 = arith.select %ne3A_1736, %concatenate3A_1742, %concatenate3A_1739 : vector<128x128xi1>, vector<128x128xf32>
    %min3A_1744 = arith.minimumf %select_n3A_1730, %select_n3A_1743 : vector<128x128xf32>
    %max3A_1745 = arith.maximumf %select_n3A_1730, %select_n3A_1743 : vector<128x128xf32>
    %ne3A_1746 = arith.xori %ne3A_1736, %ne3A_1628 : vector<128x128xi1>
    %select_n3A_1747 = arith.select %ne3A_1746, %max3A_1745, %min3A_1744 : vector<128x128xi1>, vector<128x128xf32>
    %and3A_1748 = arith.constant 64 : i32
    %and3A_1749 = vector.broadcast %and3A_1748 : i32 to vector<128x128xi32>
    %and3A_1750 = arith.andi %add3A, %and3A_1749 : vector<128x128xi32>
    %ne3A_1751 = arith.constant 0 : i32
    %ne3A_1752 = vector.broadcast %ne3A_1751 : i32 to vector<128x128xi32>
    %ne3A_1753 = arith.cmpi ne, %and3A_1750, %ne3A_1752 : vector<128x128xi32>
    %slice3A_1754 = vector.extract_strided_slice %select_n3A_1747 {offsets = [64, 0], sizes = [64, 128], strides = [1, 1]} : vector<128x128xf32> to vector<64x128xf32>
    %slice3A_1755 = vector.extract_strided_slice %select_n3A_1747 {offsets = [0, 0], sizes = [64, 128], strides = [1, 1]} : vector<128x128xf32> to vector<64x128xf32>
    %concatenate3A_1756 = tpu.concatenate %slice3A_1754, %slice3A_1755 in 0 : vector<64x128xf32>, vector<64x128xf32> -> vector<128x128xf32>
    %slice3A_1757 = vector.extract_strided_slice %select_n3A_1747 {offsets = [64, 0], sizes = [64, 128], strides = [1, 1]} : vector<128x128xf32> to vector<64x128xf32>
    %slice3A_1758 = vector.extract_strided_slice %select_n3A_1747 {offsets = [0, 0], sizes = [64, 128], strides = [1, 1]} : vector<128x128xf32> to vector<64x128xf32>
    %concatenate3A_1759 = tpu.concatenate %slice3A_1757, %slice3A_1758 in 0 : vector<64x128xf32>, vector<64x128xf32> -> vector<128x128xf32>
    %select_n3A_1760 = arith.select %ne3A_1753, %concatenate3A_1759, %concatenate3A_1756 : vector<128x128xi1>, vector<128x128xf32>
    %min3A_1761 = arith.minimumf %select_n3A_1747, %select_n3A_1760 : vector<128x128xf32>
    %max3A_1762 = arith.maximumf %select_n3A_1747, %select_n3A_1760 : vector<128x128xf32>
    %ne3A_1763 = arith.xori %ne3A_1753, %ne3A_1628 : vector<128x128xi1>
    %select_n3A_1764 = arith.select %ne3A_1763, %max3A_1762, %min3A_1761 : vector<128x128xi1>, vector<128x128xf32>
    %and3A_1765 = arith.constant 32 : i32
    %and3A_1766 = vector.broadcast %and3A_1765 : i32 to vector<128x128xi32>
    %and3A_1767 = arith.andi %add3A, %and3A_1766 : vector<128x128xi32>
    %ne3A_1768 = arith.constant 0 : i32
    %ne3A_1769 = vector.broadcast %ne3A_1768 : i32 to vector<128x128xi32>
    %ne3A_1770 = arith.cmpi ne, %and3A_1767, %ne3A_1769 : vector<128x128xi32>
    %slice3A_1771 = vector.extract_strided_slice %select_n3A_1764 {offsets = [32, 0], sizes = [96, 128], strides = [1, 1]} : vector<128x128xf32> to vector<96x128xf32>
    %slice3A_1772 = vector.extract_strided_slice %select_n3A_1764 {offsets = [0, 0], sizes = [32, 128], strides = [1, 1]} : vector<128x128xf32> to vector<32x128xf32>
    %concatenate3A_1773 = tpu.concatenate %slice3A_1771, %slice3A_1772 in 0 : vector<96x128xf32>, vector<32x128xf32> -> vector<128x128xf32>
    %slice3A_1774 = vector.extract_strided_slice %select_n3A_1764 {offsets = [96, 0], sizes = [32, 128], strides = [1, 1]} : vector<128x128xf32> to vector<32x128xf32>
    %slice3A_1775 = vector.extract_strided_slice %select_n3A_1764 {offsets = [0, 0], sizes = [96, 128], strides = [1, 1]} : vector<128x128xf32> to vector<96x128xf32>
    %concatenate3A_1776 = tpu.concatenate %slice3A_1774, %slice3A_1775 in 0 : vector<32x128xf32>, vector<96x128xf32> -> vector<128x128xf32>
    %select_n3A_1777 = arith.select %ne3A_1770, %concatenate3A_1776, %concatenate3A_1773 : vector<128x128xi1>, vector<128x128xf32>
    %min3A_1778 = arith.minimumf %select_n3A_1764, %select_n3A_1777 : vector<128x128xf32>
    %max3A_1779 = arith.maximumf %select_n3A_1764, %select_n3A_1777 : vector<128x128xf32>
    %ne3A_1780 = arith.xori %ne3A_1770, %ne3A_1628 : vector<128x128xi1>
    %select_n3A_1781 = arith.select %ne3A_1780, %max3A_1779, %min3A_1778 : vector<128x128xi1>, vector<128x128xf32>
    %and3A_1782 = arith.constant 16 : i32
    %and3A_1783 = vector.broadcast %and3A_1782 : i32 to vector<128x128xi32>
    %and3A_1784 = arith.andi %add3A, %and3A_1783 : vector<128x128xi32>
    %ne3A_1785 = arith.constant 0 : i32
    %ne3A_1786 = vector.broadcast %ne3A_1785 : i32 to vector<128x128xi32>
    %ne3A_1787 = arith.cmpi ne, %and3A_1784, %ne3A_1786 : vector<128x128xi32>
    %slice3A_1788 = vector.extract_strided_slice %select_n3A_1781 {offsets = [16, 0], sizes = [112, 128], strides = [1, 1]} : vector<128x128xf32> to vector<112x128xf32>
    %slice3A_1789 = vector.extract_strided_slice %select_n3A_1781 {offsets = [0, 0], sizes = [16, 128], strides = [1, 1]} : vector<128x128xf32> to vector<16x128xf32>
    %concatenate3A_1790 = tpu.concatenate %slice3A_1788, %slice3A_1789 in 0 : vector<112x128xf32>, vector<16x128xf32> -> vector<128x128xf32>
    %slice3A_1791 = vector.extract_strided_slice %select_n3A_1781 {offsets = [112, 0], sizes = [16, 128], strides = [1, 1]} : vector<128x128xf32> to vector<16x128xf32>
    %slice3A_1792 = vector.extract_strided_slice %select_n3A_1781 {offsets = [0, 0], sizes = [112, 128], strides = [1, 1]} : vector<128x128xf32> to vector<112x128xf32>
    %concatenate3A_1793 = tpu.concatenate %slice3A_1791, %slice3A_1792 in 0 : vector<16x128xf32>, vector<112x128xf32> -> vector<128x128xf32>
    %select_n3A_1794 = arith.select %ne3A_1787, %concatenate3A_1793, %concatenate3A_1790 : vector<128x128xi1>, vector<128x128xf32>
    %min3A_1795 = arith.minimumf %select_n3A_1781, %select_n3A_1794 : vector<128x128xf32>
    %max3A_1796 = arith.maximumf %select_n3A_1781, %select_n3A_1794 : vector<128x128xf32>
    %ne3A_1797 = arith.xori %ne3A_1787, %ne3A_1628 : vector<128x128xi1>
    %select_n3A_1798 = arith.select %ne3A_1797, %max3A_1796, %min3A_1795 : vector<128x128xi1>, vector<128x128xf32>
    %and3A_1799 = arith.constant 8 : i32
    %and3A_1800 = vector.broadcast %and3A_1799 : i32 to vector<128x128xi32>
    %and3A_1801 = arith.andi %add3A, %and3A_1800 : vector<128x128xi32>
    %ne3A_1802 = arith.constant 0 : i32
    %ne3A_1803 = vector.broadcast %ne3A_1802 : i32 to vector<128x128xi32>
    %ne3A_1804 = arith.cmpi ne, %and3A_1801, %ne3A_1803 : vector<128x128xi32>
    %slice3A_1805 = vector.extract_strided_slice %select_n3A_1798 {offsets = [8, 0], sizes = [120, 128], strides = [1, 1]} : vector<128x128xf32> to vector<120x128xf32>
    %slice3A_1806 = vector.extract_strided_slice %select_n3A_1798 {offsets = [0, 0], sizes = [8, 128], strides = [1, 1]} : vector<128x128xf32> to vector<8x128xf32>
    %concatenate3A_1807 = tpu.concatenate %slice3A_1805, %slice3A_1806 in 0 : vector<120x128xf32>, vector<8x128xf32> -> vector<128x128xf32>
    %slice3A_1808 = vector.extract_strided_slice %select_n3A_1798 {offsets = [120, 0], sizes = [8, 128], strides = [1, 1]} : vector<128x128xf32> to vector<8x128xf32>
    %slice3A_1809 = vector.extract_strided_slice %select_n3A_1798 {offsets = [0, 0], sizes = [120, 128], strides = [1, 1]} : vector<128x128xf32> to vector<120x128xf32>
    %concatenate3A_1810 = tpu.concatenate %slice3A_1808, %slice3A_1809 in 0 : vector<8x128xf32>, vector<120x128xf32> -> vector<128x128xf32>
    %select_n3A_1811 = arith.select %ne3A_1804, %concatenate3A_1810, %concatenate3A_1807 : vector<128x128xi1>, vector<128x128xf32>
    %min3A_1812 = arith.minimumf %select_n3A_1798, %select_n3A_1811 : vector<128x128xf32>
    %max3A_1813 = arith.maximumf %select_n3A_1798, %select_n3A_1811 : vector<128x128xf32>
    %ne3A_1814 = arith.xori %ne3A_1804, %ne3A_1628 : vector<128x128xi1>
    %select_n3A_1815 = arith.select %ne3A_1814, %max3A_1813, %min3A_1812 : vector<128x128xi1>, vector<128x128xf32>
    %and3A_1816 = arith.constant 4 : i32
    %and3A_1817 = vector.broadcast %and3A_1816 : i32 to vector<128x128xi32>
    %and3A_1818 = arith.andi %add3A, %and3A_1817 : vector<128x128xi32>
    %ne3A_1819 = arith.constant 0 : i32
    %ne3A_1820 = vector.broadcast %ne3A_1819 : i32 to vector<128x128xi32>
    %ne3A_1821 = arith.cmpi ne, %and3A_1818, %ne3A_1820 : vector<128x128xi32>
    %slice3A_1822 = vector.extract_strided_slice %select_n3A_1815 {offsets = [4, 0], sizes = [124, 128], strides = [1, 1]} : vector<128x128xf32> to vector<124x128xf32>
    %slice3A_1823 = vector.extract_strided_slice %select_n3A_1815 {offsets = [0, 0], sizes = [4, 128], strides = [1, 1]} : vector<128x128xf32> to vector<4x128xf32>
    %concatenate3A_1824 = tpu.concatenate %slice3A_1822, %slice3A_1823 in 0 : vector<124x128xf32>, vector<4x128xf32> -> vector<128x128xf32>
    %slice3A_1825 = vector.extract_strided_slice %select_n3A_1815 {offsets = [124, 0], sizes = [4, 128], strides = [1, 1]} : vector<128x128xf32> to vector<4x128xf32>
    %slice3A_1826 = vector.extract_strided_slice %select_n3A_1815 {offsets = [0, 0], sizes = [124, 128], strides = [1, 1]} : vector<128x128xf32> to vector<124x128xf32>
    %concatenate3A_1827 = tpu.concatenate %slice3A_1825, %slice3A_1826 in 0 : vector<4x128xf32>, vector<124x128xf32> -> vector<128x128xf32>
    %select_n3A_1828 = arith.select %ne3A_1821, %concatenate3A_1827, %concatenate3A_1824 : vector<128x128xi1>, vector<128x128xf32>
    %min3A_1829 = arith.minimumf %select_n3A_1815, %select_n3A_1828 : vector<128x128xf32>
    %max3A_1830 = arith.maximumf %select_n3A_1815, %select_n3A_1828 : vector<128x128xf32>
    %ne3A_1831 = arith.xori %ne3A_1821, %ne3A_1628 : vector<128x128xi1>
    %select_n3A_1832 = arith.select %ne3A_1831, %max3A_1830, %min3A_1829 : vector<128x128xi1>, vector<128x128xf32>
    %and3A_1833 = arith.constant 2 : i32
    %and3A_1834 = vector.broadcast %and3A_1833 : i32 to vector<128x128xi32>
    %and3A_1835 = arith.andi %add3A, %and3A_1834 : vector<128x128xi32>
    %ne3A_1836 = arith.constant 0 : i32
    %ne3A_1837 = vector.broadcast %ne3A_1836 : i32 to vector<128x128xi32>
    %ne3A_1838 = arith.cmpi ne, %and3A_1835, %ne3A_1837 : vector<128x128xi32>
    %slice3A_1839 = vector.extract_strided_slice %select_n3A_1832 {offsets = [2, 0], sizes = [126, 128], strides = [1, 1]} : vector<128x128xf32> to vector<126x128xf32>
    %slice3A_1840 = vector.extract_strided_slice %select_n3A_1832 {offsets = [0, 0], sizes = [2, 128], strides = [1, 1]} : vector<128x128xf32> to vector<2x128xf32>
    %concatenate3A_1841 = tpu.concatenate %slice3A_1839, %slice3A_1840 in 0 : vector<126x128xf32>, vector<2x128xf32> -> vector<128x128xf32>
    %slice3A_1842 = vector.extract_strided_slice %select_n3A_1832 {offsets = [126, 0], sizes = [2, 128], strides = [1, 1]} : vector<128x128xf32> to vector<2x128xf32>
    %slice3A_1843 = vector.extract_strided_slice %select_n3A_1832 {offsets = [0, 0], sizes = [126, 128], strides = [1, 1]} : vector<128x128xf32> to vector<126x128xf32>
    %concatenate3A_1844 = tpu.concatenate %slice3A_1842, %slice3A_1843 in 0 : vector<2x128xf32>, vector<126x128xf32> -> vector<128x128xf32>
    %select_n3A_1845 = arith.select %ne3A_1838, %concatenate3A_1844, %concatenate3A_1841 : vector<128x128xi1>, vector<128x128xf32>
    %min3A_1846 = arith.minimumf %select_n3A_1832, %select_n3A_1845 : vector<128x128xf32>
    %max3A_1847 = arith.maximumf %select_n3A_1832, %select_n3A_1845 : vector<128x128xf32>
    %ne3A_1848 = arith.xori %ne3A_1838, %ne3A_1628 : vector<128x128xi1>
    %select_n3A_1849 = arith.select %ne3A_1848, %max3A_1847, %min3A_1846 : vector<128x128xi1>, vector<128x128xf32>
    %and3A_1850 = arith.constant 1 : i32
    %and3A_1851 = vector.broadcast %and3A_1850 : i32 to vector<128x128xi32>
    %and3A_1852 = arith.andi %add3A, %and3A_1851 : vector<128x128xi32>
    %ne3A_1853 = arith.constant 0 : i32
    %ne3A_1854 = vector.broadcast %ne3A_1853 : i32 to vector<128x128xi32>
    %ne3A_1855 = arith.cmpi ne, %and3A_1852, %ne3A_1854 : vector<128x128xi32>
    %slice3A_1856 = vector.extract_strided_slice %select_n3A_1849 {offsets = [1, 0], sizes = [127, 128], strides = [1, 1]} : vector<128x128xf32> to vector<127x128xf32>
    %slice3A_1857 = vector.extract_strided_slice %select_n3A_1849 {offsets = [0, 0], sizes = [1, 128], strides = [1, 1]} : vector<128x128xf32> to vector<1x128xf32>
    %concatenate3A_1858 = tpu.concatenate %slice3A_1856, %slice3A_1857 in 0 : vector<127x128xf32>, vector<1x128xf32> -> vector<128x128xf32>
    %slice3A_1859 = vector.extract_strided_slice %select_n3A_1849 {offsets = [127, 0], sizes = [1, 128], strides = [1, 1]} : vector<128x128xf32> to vector<1x128xf32>
    %slice3A_1860 = vector.extract_strided_slice %select_n3A_1849 {offsets = [0, 0], sizes = [127, 128], strides = [1, 1]} : vector<128x128xf32> to vector<127x128xf32>
    %concatenate3A_1861 = tpu.concatenate %slice3A_1859, %slice3A_1860 in 0 : vector<1x128xf32>, vector<127x128xf32> -> vector<128x128xf32>
    %select_n3A_1862 = arith.select %ne3A_1855, %concatenate3A_1861, %concatenate3A_1858 : vector<128x128xi1>, vector<128x128xf32>
    %min3A_1863 = arith.minimumf %select_n3A_1849, %select_n3A_1862 : vector<128x128xf32>
    %max3A_1864 = arith.maximumf %select_n3A_1849, %select_n3A_1862 : vector<128x128xf32>
    %ne3A_1865 = arith.xori %ne3A_1855, %ne3A_1628 : vector<128x128xi1>
    %select_n3A_1866 = arith.select %ne3A_1865, %max3A_1864, %min3A_1863 : vector<128x128xi1>, vector<128x128xf32>
    %transpose3A = tpu.transpose %select_n3A_1866, [1, 0] : vector<128x128xf32> -> vector<128x128xf32>
    %swap3A = arith.constant 0 : index
    %swap3A_1867 = arith.constant 0 : index
    %swap3A_1868 = vector.load %arg1[%swap3A, %swap3A_1867] : memref<128x128xf32, #tpu.memory_space<vmem>>, vector<128x128xf32>
    tpu.vector_store %arg1[%swap3A, %swap3A_1867], %transpose3A {strides = array<i32>} : memref<128x128xf32, #tpu.memory_space<vmem>>, vector<128x128xf32>,
    return
  }
}

</mosaic_0001>

<sc_bundles>
// kernel: kernel.4.cloned.1.call-start
scs
__scs_entry_jumppad:
0x0: {  	(pc) =	sbr.rel $0x88, $3  }
0x1: {  	(tag) =	ssettag $0x0;
	lr =	simm.s32 $0x1  }
0x2: {  	[smem:$0x3F9F] =	sst lr;
	_ =	strace $0xD0000000  }
0x3: {  	_ = 	snop  }
0x4: {  	_ = 	snop  }
0x5: {  	_ = 	snop  }
0x6: {  	_ = 	snop  }
0x7: {  	_ = 	snop  }
__scs_overlays_trampoline_lowered:
0x8: {  	[smem:$0x3FAE] =	sst s0  }
0x9: {  	[smem:$0x3FAF] =	sst s1  }
0xa: {  	[smem:$0x3FB0] =	sst s2  }
0xb: {  	[smem:$0x3FB1] =	sst s3  }
0xc: {  	[smem:$0x3FB2] =	sst s4  }
0xd: {  	[smem:$0x3FB3] =	sst s5  }
0xe: {  	[smem:$0x3FB4] =	sst s6  }
0xf: {  	[smem:$0x3FB5] =	sst s7  }
0x10: {  	[smem:$0x3FB6] =	sst s8  }
0x11: {  	[smem:$0x3FB7] =	sst s9;
	s0 =	simm.s32 @!p0 $0x0  }
0x12: {  	s1 =	sld [smem:$0x3F9D];
	s0 =	simm.s32 @p0 $0x1  }
0x13: {  	[smem:$0x3FB8] =	sst s0;
	s0 =	simm.s32 @!p1 $0x0  }
0x14: {  	s2 =	sld [smem:$0x3F9C];
	s0 =	simm.s32 @p1 $0x1  }
0x15: {  	[smem:$0x3FB9] =	sst s0;
	s0 =	simm.s32 @!p2 $0x0  }
0x16: {  	s3 =	sld [smem:$0x3FDB];
	s0 =	simm.s32 @p2 $0x1  }
0x17: {  	s4 =	simm.s32 $0x1BF5;
	[smem:$0x3FBB] =	sst s0  }
0x18: {  	s0 =	sld [smem:$0x3F9E];
	_ =	swait.ge [sflag:s4], $0x0  }
0x19: {  	s7 =	sld [smem:$0x3F9F]  }
0x1a: {  	s8 =	sadd.s32 $0xFFFFE003, lr  }
0x1b: {  	s9 =	sadd.s32 $0xFFFFFEF7, lr;
	s5 =	simm.s32 $0xFFFFFFFF;
	p2 =	slt.u32 s8, $0xFFFFF086  }
0x1c: {  	p1 =	slt.u32 s9, $0xF7A;
	s5 =	simm.s32 @!p2 $0x0  }
0x1d: {  	s5 =	simm.s32 @p1 $0x1;
	p0 =	seq.s32 s7, s2  }
0x1e: {  	s7 =	smul.u32 @!p0 $0xF7A, s2;
	p2 =	seq.s32 @!p0 s5, $0x0  }
0x1f: {  	s9 =	smul.u32 $0xF7A, s1;
	s8 =	simm.s32 @!p0 $0x1BF5;
	p2 =	por !p2, p0  }
0x20: {  	[sflag:s8] =	ssyncset.s32 @!p0 $0xFFFFF086;
	s6 =	sadd.s32 @!p0 s3, s7;
	s7 =	simm.s32 @!p0 $0x108  }
0x21: {  	s3 =	sadd.s32 s3, s9;
	s6 =	sadd.s32 @!p0 $0x88, s6;
	s7 =	simm.s32 @p2 $0x1082  }
0x22: {  	[simem:s7], [sflag:s8] =	dma.local @!p0 [hbm:s6], $0xF7A  }
0x23: {  	s9 =	sor.u32 $0xD0000000, s2;
	s6 =	simm.s32 $0x108;
	_ =	swait.ge @!p0 [sflag:s8], $0x0  }
0x24: {  	s3 =	sadd.s32 $0x88, s3;
	s6 =	simm.s32 @!p1 $0x1082;
	[sflag:s4] =	ssyncset.s32 $0xFFFFF086  }
0x25: {  	[simem:s6], [sflag:s4] =	dma.local [hbm:s3], $0xF7A  }
0x26: {  	[smem:$0x3F9F] =	sst s1;
	(tag) =	ssettag s2;
	_ =	strace s9  }
0x27: {  	s1 =	sld [smem:$0x3FAF]  }
0x28: {  	s2 =	sld [smem:$0x3FB0]  }
0x29: {  	s4 =	sld [smem:$0x3FB2]  }
0x2a: {  	p0 =	seq.s32 s5, $0x0;
	s5 =	sld [smem:$0x3FB3]  }
0x2b: {  	s6 =	sld [smem:$0x3FB4]  }
0x2c: {  	s7 =	sld [smem:$0x3FB5]  }
0x2d: {  	s3 =	simm.s32 $0x108;
	s8 =	sld [smem:$0x3FB6]  }
0x2e: {  	s3 =	simm.s32 @!p0 $0x1082;
	s9 =	sld [smem:$0x3FB7]  }
0x2f: {  	lr =	sadd.s32 s0, s3;
	s0 =	sld [smem:$0x3FAE]  }
0x30: {  	s3 =	sld [smem:$0x3FB1]  }
0x31: {  	[smem:$0x3FBA] =	sst s10  }
0x32: {  	s10 =	sld [smem:$0x3FB8];
	_ =	sdelay $0x3  }
0x33: {  	p0 =	seq.s32 s10, $0x1;
	s10 =	sld [smem:$0x3FBA];
	_ =	sdelay $0x3  }
0x34: {  	[smem:$0x3FBA] =	sst s10  }
0x35: {  	s10 =	sld [smem:$0x3FB9];
	_ =	sdelay $0x3  }
0x36: {  	p1 =	seq.s32 s10, $0x1;
	s10 =	sld [smem:$0x3FBA];
	_ =	sdelay $0x3  }
0x37: {  	[smem:$0x3FBA] =	sst s10  }
0x38: {  	s10 =	sld [smem:$0x3FBB]  }
0x39: {  	_ = 	snop;
	(pc) =	sbr.ind lr, $3  }
0x3a: {  	_ = 	snop  }
0x3b: {  	_ = 	snop  }
0x3c: {  	p2 =	seq.s32 s10, $0x1;
	s10 =	sld [smem:$0x3FBA]  }
0x3d: {  	_ =	shalt  }
0x3e: {  	_ =	shalt  }
0x3f: {  	_ =	shalt  }
0x40: {  	_ =	shalt  }
0x41: {  	_ =	shalt  }
0x42: {  	_ =	shalt  }
0x43: {  	_ =	shalt  }
0x44: {  	_ =	shalt  }
0x45: {  	_ =	shalt  }
0x46: {  	_ =	shalt  }
0x47: {  	_ =	shalt  }
0x48: {  	_ =	shalt  }
0x49: {  	_ =	shalt  }
0x4a: {  	_ =	shalt  }
0x4b: {  	_ =	shalt  }
0x4c: {  	_ =	shalt  }
0x4d: {  	_ =	shalt  }
0x4e: {  	_ =	shalt  }
0x4f: {  	_ =	shalt  }
0x50: {  	_ =	shalt  }
0x51: {  	_ =	shalt  }
0x52: {  	_ =	shalt  }
0x53: {  	_ =	shalt  }
0x54: {  	_ =	shalt  }
0x55: {  	_ =	shalt  }
0x56: {  	_ =	shalt  }
0x57: {  	_ =	shalt  }
0x58: {  	_ =	shalt  }
0x59: {  	_ =	shalt  }
0x5a: {  	_ =	shalt  }
0x5b: {  	_ =	shalt  }
0x5c: {  	_ =	shalt  }
0x5d: {  	_ =	shalt  }
0x5e: {  	_ =	shalt  }
0x5f: {  	_ =	shalt  }
0x60: {  	_ =	shalt  }
0x61: {  	_ =	shalt  }
0x62: {  	_ =	shalt  }
0x63: {  	_ =	shalt  }
0x64: {  	_ =	shalt  }
0x65: {  	_ =	shalt  }
0x66: {  	_ =	shalt  }
0x67: {  	_ =	shalt  }
0x68: {  	_ =	shalt  }
0x69: {  	_ =	shalt  }
0x6a: {  	_ =	shalt  }
0x6b: {  	_ =	shalt  }
0x6c: {  	_ =	shalt  }
0x6d: {  	_ =	shalt  }
0x6e: {  	_ =	shalt  }
0x6f: {  	_ =	shalt  }
0x70: {  	_ =	shalt  }
0x71: {  	_ =	shalt  }
0x72: {  	_ =	shalt  }
0x73: {  	_ =	shalt  }
0x74: {  	_ =	shalt  }
0x75: {  	_ =	shalt  }
0x76: {  	_ =	shalt  }
0x77: {  	_ =	shalt  }
0x78: {  	_ =	shalt  }
0x79: {  	_ =	shalt  }
0x7a: {  	_ =	shalt  }
0x7b: {  	_ =	shalt  }
0x7c: {  	_ =	shalt  }
0x7d: {  	_ =	shalt  }
0x7e: {  	_ =	shalt  }
0x7f: {  	_ =	shalt  }
0x80: {  	_ =	shalt  }
0x81: {  	_ =	shalt  }
0x82: {  	_ =	shalt  }
0x83: {  	_ =	shalt  }
0x84: {  	_ =	shalt  }
0x85: {  	_ =	shalt  }
0x86: {  	_ =	shalt  }
0x87: {  	_ =	shalt  }
.Lfunc_end0:
.L_simem_size_0:
called_computation_lowered:
.L_overlay_start_0:
0x88: {  	s2 =	sld [smem:$0x3FD9]  }
0x89: {  	s3 =	sld [smem:$0x3FFE];
	_ =	sdelay $0x1  }
0x8a: {  	s1 =	srdreg.scid  }
0x8b: {  	s0 =	sand.u32 $0x1, s1  }
0x8c: {  	s17 =	sshll.u32 s0, $0xA;
	s2 =	sadd.s32 s3, s2  }
0x8d: {  	s2 =	sadd.s32 s2, s17  }
0x8e: {  	[smem:$0x3FC6] =	sst s2  }
0x8f: {  	_ = 	snop  }
0x90: {  	s2 =	sld [smem:$0x3FC9]  }
0x91: {  	s18 =	sld [smem:$0x3FD0];
	(tm) =	ssettm $0x1  }
0x92: {  	s4 =	sld [smem:$0x3FFB];
	_ =	sdelay $0x3  }
0x93: {  	_ =	strace s4  }
0x94: {  	s4 =	sld [smem:$0x3FFC];
	_ =	sdelay $0x3  }
0x95: {  	_ =	strace s4  }
0x96: {  	s4 =	sld [smem:$0x3FFD];
	_ =	sdelay $0x3  }
0x97: {  	_ =	strace s4  }
0x98: {  	_ =	strace $0x8FFFFFFF  }
0x99: {  	s19 =	sld [smem:$0x3FDB];
	_ =	sdelay $0x1  }
0x9a: {  	s5 =	simm.s32 $_scs_section_size  }
0x9b: {  	s6 =	simm.s32 $_size__tile_overlayer_lowered;
	s7 =	simm.s32 $_tile_overlayer_lowered  }
0x9c: {  	s22 =	simm.s32 $0x1BFF;
	s21 =	sshll.u32 s7, $0x1;
	s4 =	sadd.s32 s5, s19  }
0x9d: {  	s8 =	simm.s32 $0x0;
	s20 =	sshll.u32 s6, $0x1;
	s6 =	sadd.s32 s21, s4  }
0x9e: {  	[timem:s8], [sflag:s22] =	dma.local [hbm:s6], s20  }
0x9f: {  	_ =	swait.ge [sflag:s22], s20  }
0xa0: {  	s5 =	ssub.s32 $0x0, s20;
	[sflag:s22] =	ssyncset.done $0x0  }
0xa1: {  	[sflag:s22] =	ssyncadd.s32 s5;
	_ =	sdelay $0x1  }
0xa2: {  	s23 =	simm.s32 $0x1B8B  }
0xa3: {  	_ =	swait.ge [sflag:s23], $0x1  }
0xa4: {  	[sflag:s23] =	ssyncset.done $0x0  }
0xa5: {  	s25 =	simm.s32 $0x1B8E;
	s24 =	sld [smem:$0x3FFE];
	[sflag:s23] =	ssyncadd.s32 $0xFFFFFFFF  }
0xa6: {  	s26 =	simm.s32 $execute0_lowered;
	[smem:$0x3FD2] =	sst s25  }
0xa7: {  	s6 =	sshll.u32 s26, $0x1;
	_ =	strace $0x80000046;
	[dreg:$0x1] =	wrdreg $0xFFFFFFFF  }
0xa8: {  	s28 =	simm.s32 $_size_execute0_lowered;
	s4 =	sadd.s32 s4, s6;
	[dreg:$0x0] =	wrdreg $0x0  }
0xa9: {  	s6 =	sshll.u32 s28, $0x1;
	[dreg:$0x2] =	wrdreg s4  }
0xaa: {  	[dreg:$0x3] =	wrdreg s6  }
0xab: {  	[dreg:$0x4] =	wrdreg $0xC0  }
0xac: {  	_ =	task [dreg:s8], $0x5FFFF  }
0xad: {  	[dreg:$0x1] =	wrdreg $0xFFFFFFFF  }
0xae: {  	[dreg:$0x0] =	wrdreg $0x60  }
0xaf: {  	[dreg:$0x2] =	wrdreg s18  }
0xb0: {  	[dreg:$0x3] =	wrdreg s2  }
0xb1: {  	[dreg:$0x4] =	wrdreg s24  }
0xb2: {  	[dreg:$0x5] =	wrdreg $0x80800  }
0xb3: {  	[dreg:$0x6] =	wrdreg $0x9  }
0xb4: {  	_ =	task.clear_ibuf [dreg:s8], $0x7FFFF;
	_ =	strace $0x90000046  }
0xb5: {  	s29 =	simm.s32 $0x9;
	_ =	strace $0x80000048  }
0xb6: {  	_ =	swait.ge [sflag:s29], $0x1  }
0xb7: {  	[sflag:s29] =	ssyncadd.s32 $0xFFFFFFFF  }
0xb8: {  	_ =	strace $0x90000048  }
0xb9: {  	_ =	sfence  }
0xba: {  	s30 =	sld [smem:$0x0];
	_ =	sdelay $0x2  }
0xbb: {  	s31 =	sshll.u32 s1, $0xD;
	s1 =	sshrl.u32 s1, $0x2  }
0xbc: {  	s3 =	sand.u32 $0x4000, s31;
	s1 =	sadd.s32 s1, s30  }
0xbd: {  	s0 =	sor.u32 s3, s0;
	s1 =	sshll.u32 s1, $0x11  }
0xbe: {  	s0 =	sor.u32 s1, s0  }
0xbf: {  	s0 =	sadd.s32 $0x8F2B, s0  }
0xc0: {  	[sflag:s0] =	ssyncadd.remote.s32 $0x1  }
0xc1: {  	_ =	sfence.sel $0xFFFF  }
0xc2: {  	[dreg:$0x0] =	wrdreg $0xFFFFFFFF;
	(pc) =	sbr.abs _section_cstart, $3  }
0xc3: {  	[dreg:$0x1] =	wrdreg $0xFFFFFFFF  }
0xc4: {  	_ =	task.clear_ibuf [dreg:s8], $0x2FFFF;
	_ =	strace $0x9FFFFFFF  }
0xc5: {  	(tm) =	ssettm $0x7FFFFFFF  }
tec
execute0_lowered:
.L_overlay_start_1:
0x0: {  	(tag) =	ssettag $0x1  }
0x1: {  	s0 =	rddreg [dreg:$0x0]  }
0x2: {  	s7 =	rddreg [dreg:$0x1]  }
0x3: {  	s1 =	srdreg.scid;
	s4 =	rddreg [dreg:$0x2]  }
0x4: {  	s10 =	stileid.u32;
	s2 =	rddreg [dreg:$0x3]  }
0x5: {  	s3 =	simm.s32 $0x0;
	s12 =	simm.s32 $0x2000;
	s13 =	simm.s32 $0x3000  }
0x6: {  	s14 =	simm.s32 $0x4000;
	s15 =	simm.s32 $0x2;
	s16 =	simm.s32 $0x1  }
0x7: {  	s17 =	simm.s32 $0x4080;
	s5 =	sand.u32 $0x1, s1;
	s1 =	rddreg [dreg:$0x4]  }
0x8: {  	s18 =	simm.s32 $0x0;
	s6 =	sshll.u32 s10, $0x8;
	[smem:$0x7FF] =	sst s3  }
0x9: {  	v0 =	vlaneseq.u32;
	p0 =	sne.s32 s10, $0x0;
	s8 =	sshll.u32 s5, $0x7;
	s5 =	ssub.s32 $0x2, s5  }
0xa: {  	v0 =	vmul.u32 $0x80, v0;
	_ =	strace $0x80000047;
	s6 =	sor.u32 s8, s6;
	s31 =	sshrl.u32 s5, $0x1  }
0xb: {  	s10 =	sshrl.u32 @!p0 s2, $0x3;
	s8 =	sshll.u32 s6, $0x4;
	s9 =	ssub.s32 s5, s31  }
0xc: {  	v1 =	vor.u32 $0x800, v0;
	s11 =	sshrl.u32 s6, $0x3;
	s5 =	sadd.s32 $0x2000, s2;
	s6 =	sadd.s32 $0x3000, s2  }
0xd: {  	v2 =	vor.u32 $0x1000, v0;
	v3 =	vor.u32 $0x1800, v0;
	v4 =	vor.u32 $0x2000, v0;
	s8 =	sadd.s32 s8, s4;
	s4 =	sadd.s32 $0x1000, s2;
	s7 =	sadd.s32 s7, s11  }
0xe: {  	v5 =	vor.u32 $0x2800, v0;
	v6 =	vor.u32 $0x3000, v0;
	v7 =	vor.u32 $0x3800, v0;
	s9 =	smax.u32 s9, $0x1;
	s11 =	simm.s32 $0x1000;
	s8 =	sadd.s32 $0x800, s8  }
.LBB2_1:
0xf: {  	s19 =	simm.s32 @!p0 $0x1C02  }
0x10: {  	[spmem:s10], [sflag:s19] =	dma.local @!p0 [hbm:s0], $0x800  }
0x11: {  	s19 =	simm.s32 @!p0 $0x2  }
0x12: {  	_ =	swait.ge @!p0 [sflag:s19], $0x800  }
0x13: {  	[sflag:s19] =	ssyncset.done @!p0 $0x0  }
0x14: {  	[sflag:s19] =	ssyncadd.s32 @!p0 $0xFFFFF800  }
0x15: {  	[bflag:$0x0] =	sbarrier.arrive $0xFFFF  }
0x16: {  	[tilespmem:s3], [sflag:$0x1] =	stream.linear.gather [spmem:s2], $0x1000, $0x38;
	[tilespmem:$0x8480] =	vst v63  }
0x17: {  	_ = 	snop  }
0x18: {  	[tilespmem:s11], [sflag:$0x1] =	stream.linear.gather [spmem:s4], $0x1000, $0x38;
	[tilespmem:$0x8480] =	vst v63  }
0x19: {  	_ = 	snop  }
0x1a: {  	[tilespmem:s12], [sflag:$0x1] =	stream.linear.gather [spmem:s5], $0x1000, $0x38;
	[tilespmem:$0x8480] =	vst v63  }
0x1b: {  	_ = 	snop  }
0x1c: {  	[tilespmem:s13], [sflag:$0x1] =	stream.linear.gather [spmem:s6], $0x1000, $0x38;
	[tilespmem:$0x8480] =	vst v63  }
0x1d: {  	_ = 	snop  }
0x1e: {  	[tilespmem:s14], [sflag:$0x2] =	stream.linear.gather [hbm4b:s7+s3], $0x80, $0x38;
	[tilespmem:$0x8480] =	vst v63  }
0x1f: {  	_ =	swait.ge [sflag:s15], $0x80  }
0x20: {  	[sflag:s15] =	ssyncset.done $0x0  }
0x21: {  	[sflag:s15] =	ssyncadd.s32 $0xFFFFFF80  }
0x22: {  	_ =	swait.ge [sflag:s16], $0x1000  }
0x23: {  	[sflag:s16] =	ssyncset.done $0x0  }
0x24: {  	[sflag:s16] =	ssyncadd.s32 $0xFFFFF000  }
0x25: {  	_ =	swait.ge [sflag:s16], $0x1000  }
0x26: {  	[sflag:s16] =	ssyncset.done $0x0  }
0x27: {  	[sflag:s16] =	ssyncadd.s32 $0xFFFFF000  }
0x28: {  	_ =	swait.ge [sflag:s16], $0x1000  }
0x29: {  	[sflag:s16] =	ssyncset.done $0x0  }
0x2a: {  	[sflag:s16] =	ssyncadd.s32 $0xFFFFF000  }
0x2b: {  	_ =	swait.ge [sflag:s16], $0x1000  }
0x2c: {  	[sflag:s16] =	ssyncset.done $0x0  }
0x2d: {  	v23 =	vimm.s32 $0x0;
	s29 =	simm.s32 $0x1FFF;
	[sflag:s16] =	ssyncadd.s32 $0xFFFFF000  }
0x2e: {  	v16 =	vadd.s32 s29, v23;
	v8 =	vld [tilespmem:$0x4000]  }
0x2f: {  	v9 =	vld [tilespmem:$0x4010]  }
0x30: {  	v10 =	vld [tilespmem:$0x4020]  }
0x31: {  	v11 =	vld [tilespmem:$0x4050]  }
0x32: {  	v12 =	vld [tilespmem:$0x4070]  }
0x33: {  	v15 =	vld.idx.msk [tilespmem:v16+s3+$0x0], $0xffff  }
0x34: {  	v17 =	vld.idx.msk [tilespmem:v16+s3+$0x0], $0xffff  }
0x35: {  	v13 =	vld [tilespmem:$0x4030]  }
0x36: {  	v14 =	vld [tilespmem:$0x4040]  }
0x37: {  	s30 =	simm.s32 $0x2000;
	v19 =	vld.idx.msk [tilespmem:v16+s3+$0x0], $0xffff  }
0x38: {  	v24 =	vmov s30;
	v20 =	vld.idx.msk [tilespmem:v16+s3+$0x0], $0xffff;
	vm0 =	vlt.f32 v15, v11  }
0x39: {  	v21 =	vld.idx.msk [tilespmem:v16+s3+$0x0], $0xffff;
	v18 =	vnsel vm0, $0x0, v24;
	vm0 =	vlt.f32 v17, v12  }
0x3a: {  	s21 =	simm.s32 $0xFFF;
	v25 =	vld.idx.msk [tilespmem:v16+s3+$0x0], $0xffff;
	v18 =	vadd.s32 v23, v18;
	v17 =	vnsel vm0, $0x0, v24  }
0x3b: {  	v27 =	vld.idx.msk [tilespmem:v16+s3+$0x0], $0xffff;
	v17 =	vadd.s32 v23, v17;
	v26 =	vadd.s32 s21, v18  }
0x3c: {  	v15 =	vld [tilespmem:$0x4060];
	vm0 =	vlt.f32 v19, v14;
	v19 =	vadd.s32 s21, v17  }
0x3d: {  	v28 =	vld.idx.msk [tilespmem:v16+s3+$0x0], $0xffff;
	vm1 =	vlt.f32 v20, v8;
	v16 =	vnsel vm0, $0x0, v24  }
0x3e: {  	v20 =	vnsel vm1, $0x0, v24;
	vm0 =	vlt.f32 v21, v10;
	v21 =	vadd.s32 v23, v16  }
0x3f: {  	v22 =	vadd.s32 v23, v20;
	v16 =	vnsel vm0, $0x0, v24;
	v29 =	vadd.s32 s21, v21  }
0x40: {  	v30 =	vadd.s32 s21, v22;
	vm0 =	vlt.f32 v25, v13;
	v16 =	vadd.s32 v23, v16;
	v26 =	vld.idx.msk [tilespmem:v26+s3+$0x0], $0xffff  }
0x41: {  	v31 =	vadd.s32 s21, v16;
	v32 =	vld.idx.msk [tilespmem:v19+s3+$0x0], $0xffff;
	v19 =	vnsel vm0, $0x0, v24;
	vm0 =	vlt.f32 v27, v15  }
0x42: {  	vm1 =	vlt.f32 v28, v9;
	v19 =	vadd.s32 v23, v19;
	v20 =	vnsel vm0, $0x0, v24  }
0x43: {  	v24 =	vnsel vm1, $0x0, v24;
	v20 =	vadd.s32 v23, v20;
	v28 =	vadd.s32 s21, v19  }
0x44: {  	s31 =	simm.s32 $0x1000;
	v25 =	vld.idx.msk [tilespmem:v29+s3+$0x0], $0xffff;
	v23 =	vadd.s32 v23, v24;
	v27 =	vadd.s32 s21, v20  }
0x45: {  	v29 =	vld.idx.msk [tilespmem:v30+s3+$0x0], $0xffff;
	v24 =	vmov s31;
	v30 =	vadd.s32 s21, v23;
	vm0 =	vlt.f32 v26, v11  }
0x46: {  	s20 =	simm.s32 $0x4;
	s19 =	simm.s32 $0x2;
	s21 =	simm.s32 $0x800;
	v26 =	vld.idx.msk [tilespmem:v31+s3+$0x0], $0xffff;
	v31 =	vnsel vm0, $0x0, v24;
	vm0 =	vlt.f32 v32, v12  }
.LBB2_2:
0x47: {  	p1 =	sne.s32 s20, $0xC  }
0x48: {  	s22 =	sadd.s32 $0xFFFFFFFF, s21;
	v28 =	vld.idx.msk [tilespmem:v28+s3+$0x0], $0xffff;
	v18 =	vadd.s32 v18, v31;
	v31 =	vnsel vm0, $0x0, v24;
	s23 =	smov.u32 s20;
	s20 =	sadd.s32 $0x2, s20  }
0x49: {  	v32 =	vadd.s32 s22, v18;
	v27 =	vld.idx.msk [tilespmem:v27+s3+$0x0], $0xffff;
	v17 =	vadd.s32 v17, v31  }
0x4a: {  	vm0 =	vlt.f32 v25, v14;
	v31 =	vadd.s32 s22, v17;
	v30 =	vld.idx.msk [tilespmem:v30+s3+$0x0], $0xffff  }
0x4b: {  	vm1 =	vlt.f32 v29, v8;
	v25 =	vnsel vm0, $0x0, v24  }
0x4c: {  	v29 =	vnsel vm1, $0x0, v24;
	vm0 =	vlt.f32 v26, v10;
	v21 =	vadd.s32 v21, v25  }
0x4d: {  	v25 =	vadd.s32 s22, v21;
	v22 =	vadd.s32 v22, v29;
	v26 =	vnsel vm0, $0x0, v24  }
0x4e: {  	v29 =	vadd.s32 s22, v22;
	v16 =	vadd.s32 v16, v26;
	vm0 =	vlt.f32 v28, v13;
	v32 =	vld.idx.msk [tilespmem:v32+s3+$0x0], $0xffff  }
0x4f: {  	v26 =	vadd.s32 s22, v16;
	v28 =	vld.idx.msk [tilespmem:v31+s3+$0x0], $0xffff;
	v31 =	vnsel vm0, $0x0, v24;
	vm0 =	vlt.f32 v27, v15  }
0x50: {  	vm1 =	vlt.f32 v30, v9;
	v19 =	vadd.s32 v19, v31;
	v27 =	vnsel vm0, $0x0, v24  }
0x51: {  	v24 =	vnsel vm1, $0x0, v24;
	v30 =	vadd.s32 s22, v19;
	v20 =	vadd.s32 v20, v27  }
0x52: {  	v23 =	vadd.s32 v23, v24;
	v27 =	vadd.s32 s22, v20;
	v25 =	vld.idx.msk [tilespmem:v25+s3+$0x0], $0xffff  }
0x53: {  	v24 =	vadd.s32 s22, v23;
	v29 =	vld.idx.msk [tilespmem:v29+s3+$0x0], $0xffff  }
0x54: {  	v31 =	vmov s21;
	vm0 =	vlt.f32 v32, v11;
	v26 =	vld.idx.msk [tilespmem:v26+s3+$0x0], $0xffff  }
0x55: {  	s21 =	sshrl.u32 s11, s19;
	s19 =	smov.u32 s23;
	v32 =	vnsel vm0, $0x0, v31;
	vm0 =	vlt.f32 v28, v12  }
0x56: {  	s22 =	sadd.s32 $0xFFFFFFFF, s21;
	v18 =	vadd.s32 v18, v32;
	v28 =	vld.idx.msk [tilespmem:v30+s3+$0x0], $0xffff;
	v30 =	vnsel vm0, $0x0, v31  }
0x57: {  	v27 =	vld.idx.msk [tilespmem:v27+s3+$0x0], $0xffff;
	v17 =	vadd.s32 v17, v30;
	v30 =	vadd.s32 s22, v18  }
0x58: {  	vm0 =	vlt.f32 v25, v14;
	v24 =	vld.idx.msk [tilespmem:v24+s3+$0x0], $0xffff;
	v25 =	vadd.s32 s22, v17  }
0x59: {  	vm1 =	vlt.f32 v29, v8;
	v29 =	vnsel vm0, $0x0, v31  }
0x5a: {  	v32 =	vnsel vm1, $0x0, v31;
	vm0 =	vlt.f32 v26, v10;
	v21 =	vadd.s32 v21, v29  }
0x5b: {  	v22 =	vadd.s32 v22, v32;
	v26 =	vnsel vm0, $0x0, v31;
	v29 =	vadd.s32 s22, v21  }
0x5c: {  	v16 =	vadd.s32 v16, v26;
	vm0 =	vlt.f32 v28, v13;
	v26 =	vadd.s32 s22, v22;
	v32 =	vld.idx.msk [tilespmem:v30+s3+$0x0], $0xffff  }
0x5d: {  	v28 =	vnsel vm0, $0x0, v31;
	vm0 =	vlt.f32 v27, v15;
	v33 =	vadd.s32 s22, v16;
	v34 =	vld.idx.msk [tilespmem:v25+s3+$0x0], $0xffff  }
0x5e: {  	vm1 =	vlt.f32 v24, v9;
	v19 =	vadd.s32 v19, v28;
	v24 =	vnsel vm0, $0x0, v31  }
.Ltmp0:
0x5f: {  	v25 =	vnsel vm1, $0x0, v31;
	v20 =	vadd.s32 v20, v24;
	v28 =	vadd.s32 s22, v19;
	(pc) =	sbr.rel @p1 .LBB2_2-.Ltmp0, $4  }
0x60: {  	v23 =	vadd.s32 v23, v25;
	v27 =	vadd.s32 s22, v20;
	v25 =	vld.idx.msk [tilespmem:v29+s3+$0x0], $0xffff  }
0x61: {  	v30 =	vadd.s32 s22, v23;
	v29 =	vld.idx.msk [tilespmem:v26+s3+$0x0], $0xffff  }
0x62: {  	v24 =	vmov s21;
	vm0 =	vlt.f32 v32, v11;
	v26 =	vld.idx.msk [tilespmem:v33+s3+$0x0], $0xffff  }
0x63: {  	s21 =	sshrl.u32 s12, s19;
	v31 =	vnsel vm0, $0x0, v24;
	vm0 =	vlt.f32 v34, v12  }
0x64: {  	_ =	sdelay $0x2  }
0x65: {  	vm1 =	vlt.f32 v29, v8  }
0x66: {  	v29 =	vld.idx.msk [tilespmem:v30+s3+$0x0], $0xffff;
	v30 =	vnsel vm1, $0x0, v24  }
0x67: {  	s20 =	sadd.s32 $0xFFFFFFFF, s21;
	v22 =	vadd.s32 v22, v30  }
0x68: {  	v18 =	vadd.s32 v18, v31;
	v30 =	vadd.s32 s20, v22  }
0x69: {  	v28 =	vld.idx.msk [tilespmem:v28+s3+$0x0], $0xffff;
	v31 =	vnsel vm0, $0x0, v24;
	v32 =	vadd.s32 s20, v18;
	vm12 =	vlt.f32 v25, v14  }
0x6a: {  	v27 =	vld.idx.msk [tilespmem:v27+s3+$0x0], $0xffff;
	v17 =	vadd.s32 v17, v31;
	v31 =	vnsel vm12, $0x0, v24  }
0x6b: {  	v25 =	vadd.s32 s20, v17;
	v21 =	vadd.s32 v21, v31;
	vm13 =	vlt.f32 v29, v9  }
0x6c: {  	vm14 =	vlt.f32 v26, v10;
	v26 =	vadd.s32 s20, v21;
	v29 =	vnsel vm13, $0x0, v24  }
0x6d: {  	v23 =	vadd.s32 v23, v29;
	v29 =	vld.idx.msk [tilespmem:v30+s3+$0x0], $0xffff;
	v30 =	vnsel vm14, $0x0, v24  }
0x6e: {  	vm15 =	vlt.f32 v28, v13;
	v31 =	vld.idx.msk [tilespmem:v32+s3+$0x0], $0xffff;
	v28 =	vadd.s32 s20, v23;
	v16 =	vadd.s32 v16, v30  }
0x6f: {  	vm4 =	vlt.f32 v27, v15;
	v30 =	vnsel vm15, $0x0, v24;
	v27 =	vadd.s32 s20, v16  }
0x70: {  	v25 =	vld.idx.msk [tilespmem:v25+s3+$0x0], $0xffff;
	v24 =	vnsel vm4, $0x0, v24;
	v19 =	vadd.s32 v19, v30  }
0x71: {  	v26 =	vld.idx.msk [tilespmem:v26+s3+$0x0], $0xffff;
	v20 =	vadd.s32 v20, v24;
	v30 =	vadd.s32 s20, v19  }
0x72: {  	v43 =	vmov s21;
	v24 =	vadd.s32 s20, v20;
	vm5 =	vlt.f32 v29, v8  }
0x73: {  	s19 =	sshrl.u32 s11, s19;
	vm6 =	vlt.f32 v31, v11;
	v28 =	vld.idx.msk [tilespmem:v28+s3+$0x0], $0xffff;
	v29 =	vnsel vm5, $0x0, v43  }
0x74: {  	s31 =	sadd.s32 $0xFFFFFFFF, s19;
	v22 =	vadd.s32 v22, v29;
	v27 =	vld.idx.msk [tilespmem:v27+s3+$0x0], $0xffff;
	v29 =	vnsel vm6, $0x0, v43  }
0x75: {  	vm7 =	vlt.f32 v25, v12;
	v25 =	vadd.s32 s31, v22;
	v18 =	vadd.s32 v18, v29  }
0x76: {  	v31 =	vnsel vm7, $0x0, v43;
	vm8 =	vlt.f32 v26, v14;
	v30 =	vld.idx.msk [tilespmem:v30+s3+$0x0], $0xffff;
	v26 =	vadd.s32 s31, v18  }
0x77: {  	v17 =	vadd.s32 v17, v31;
	v24 =	vld.idx.msk [tilespmem:v24+s3+$0x0], $0xffff  }
0x78: {  	v29 =	vnsel vm8, $0x0, v43;
	vm9 =	vlt.f32 v28, v9;
	v28 =	vadd.s32 s31, v17  }
0x79: {  	v21 =	vadd.s32 v21, v29;
	v29 =	vnsel vm9, $0x0, v43;
	vm10 =	vlt.f32 v27, v10  }
0x7a: {  	v27 =	vadd.s32 s31, v21;
	v23 =	vadd.s32 v23, v29;
	v25 =	vld.idx.msk [tilespmem:v25+s3+$0x0], $0xffff;
	v29 =	vnsel vm10, $0x0, v43  }
0x7b: {  	v31 =	vadd.s32 s31, v23;
	vm11 =	vlt.f32 v30, v13;
	v29 =	vadd.s32 v16, v29;
	v16 =	vld.idx.msk [tilespmem:v26+s3+$0x0], $0xffff  }
0x7c: {  	vm12 =	vlt.f32 v24, v15;
	v24 =	vnsel vm11, $0x0, v43;
	v26 =	vadd.s32 s31, v29  }
0x7d: {  	v28 =	vld.idx.msk [tilespmem:v28+s3+$0x0], $0xffff;
	v19 =	vadd.s32 v19, v24  }
0x7e: {  	v30 =	vnsel vm12, $0x0, v43;
	v24 =	vadd.s32 s31, v19  }
0x7f: {  	v20 =	vadd.s32 v20, v30;
	v30 =	vmov s19;
	v27 =	vld.idx.msk [tilespmem:v27+s3+$0x0], $0xffff;
	vm13 =	vlt.f32 v25, v8  }
0x80: {  	v31 =	vld.idx.msk [tilespmem:v31+s3+$0x0], $0xffff;
	v44 =	vnsel vm13, $0x0, v30;
	vm14 =	vlt.f32 v16, v11  }
0x81: {  	v25 =	vadd.s32 s31, v20;
	v32 =	vadd.s32 v22, v44;
	v22 =	vld.idx.msk [tilespmem:v26+s3+$0x0], $0xffff;
	v26 =	vnsel vm14, $0x0, v30  }
0x82: {  	vm15 =	vlt.f32 v28, v12;
	v16 =	vadd.s32 $0xFFFFFFFF, v32;
	v33 =	vadd.s32 v18, v26  }
0x83: {  	v24 =	vld.idx.msk [tilespmem:v24+s3+$0x0], $0xffff;
	v18 =	vnsel vm15, $0x0, v30;
	vm7 =	vlt.s32 v32, $0x3FFF;
	vm4 =	vgt.s32 v16, $0x0  }
0x84: {  	v37 =	vadd.s32 v17, v18;
	vm5 =	vlt.f32 v27, v14;
	vm15 =	vgt.s32 v16, $0xFFFFFFFF  }
0x85: {  	v26 =	vnsel vm4, $0x0, v16;
	vm6 =	vlt.f32 v31, v9;
	v17 =	vnsel vm5, $0x0, v30  }
0x86: {  	v25 =	vld.idx.msk [tilespmem:v25+s3+$0x0], $0xffff;
	v18 =	vnsel vm6, $0x0, v30;
	v31 =	vadd.s32 v21, v17;
	vm6 =	vlt.s32 v32, $0x4000  }
0x87: {  	vm8 =	vlt.f32 v22, v10;
	v27 =	vadd.s32 v23, v18;
	v22 =	vnsel vm7, $0x3FFF, v32  }
0x88: {  	v18 =	vnsel vm8, $0x0, v30;
	v17 =	vadd.s32 $0xFFFFFFFF, v27;
	vm9 =	vlt.f32 v24, v13  }
0x89: {  	vm12 =	vlt.s32 v27, $0x3FFF;
	vm8 =	vlt.s32 v31, $0x3FFF;
	v28 =	vadd.s32 v29, v18  }
0x8a: {  	vm10 =	vgt.s32 v17, $0x0;
	v18 =	vnsel vm9, $0x0, v30;
	vm9 =	vgt.s32 v17, $0xFFFFFFFF  }
0x8b: {  	v47 =	vnsel vm8, $0x3FFF, v31;
	vm8 =	vlt.s32 v31, $0x4000;
	vm11 =	vlt.f32 v25, v15  }
0x8c: {  	v23 =	vnsel vm10, $0x0, v17;
	v29 =	vadd.s32 v19, v18;
	v25 =	vnsel vm12, $0x3FFF, v27  }
0x8d: {  	vm14 =	vlt.s32 v28, $0x3FFF;
	vm12 =	vlt.s32 v27, $0x4000;
	v18 =	vnsel vm11, $0x0, v30  }
0x8e: {  	v19 =	vadd.s32 $0xFFFFFFFF, v29;
	v36 =	vnsel vm14, $0x3FFF, v28;
	vm5 =	vlt.s32 v29, $0x3FFF  }
0x8f: {  	vm11 =	vlt.s32 v33, $0x3FFF;
	vm14 =	vlt.s32 v28, $0x4000;
	vm2 =	vlt.s32 v29, $0x4000  }
0x90: {  	v21 =	vld.idx.msk [tilespmem:v26+s3+$0x0], $0xffff;
	v34 =	vadd.s32 v20, v18;
	v18 =	vadd.s32 $0xFFFFFFFF, v28;
	v20 =	vadd.s32 $0xFFFFFFFF, v31  }
0x91: {  	vm4 =	vgt.s32 v19, $0x0;
	v40 =	vnsel vm5, $0x3FFF, v29;
	v48 =	vnsel vm11, $0x3FFF, v33  }
0x92: {  	v24 =	vld.idx.msk [tilespmem:v22+s3+$0x0], $0xffff;
	vm5 =	vlt.s32 v37, $0x3FFF;
	vm13 =	vgt.s32 v18, $0x0;
	v22 =	vadd.s32 $0xFFFFFFFF, v34  }
0x93: {  	v39 =	vnsel vm4, $0x0, v19;
	vm7 =	vgt.s32 v20, $0x0;
	v30 =	vnsel vm13, $0x0, v18  }
0x94: {  	[tilespmem:v0+s17+$0x0] =	vst.idx.msk $0xffff, v8;
	v44 =	vnsel vm5, $0x3FFF, v37;
	vm11 =	vlt.s32 v34, $0x4000;
	v46 =	vnsel vm7, $0x0, v20  }
0x95: {  	vm13 =	vgt.s32 v22, $0x0;
	vm7 =	vgt.s32 v19, $0xFFFFFFFF;
	v26 =	vsub.f32 v8, v21;
	v35 =	vld.idx.msk [tilespmem:v23+s3+$0x0], $0xffff  }
0x96: {  	v21 =	vadd.s32 $0xFFFFFFFF, v33;
	v38 =	vld.idx.msk [tilespmem:v25+s3+$0x0], $0xffff;
	[tilespmem:v1+s17+$0x0] =	vst.idx.msk $0xffff, v9;
	v42 =	vnsel vm13, $0x0, v22;
	vm13 =	vgt.s32 v22, $0xFFFFFFFF  }
0x97: {  	v45 =	vld.idx.msk [tilespmem:v36+s3+$0x0], $0xffff;
	vm10 =	vgt.s32 v21, $0x0;
	v23 =	vand.u32 $0x7FFFFFFF, v26;
	v26 =	vsub.f32 v8, v24  }
0x98: {  	v24 =	vadd.s32 $0xFFFFFFFF, v37;
	v41 =	vnsel vm10, $0x0, v21;
	vm10 =	vlt.s32 v33, $0x4000;
	v30 =	vld.idx.msk [tilespmem:v30+s3+$0x0], $0xffff;
	[tilespmem:v2+s17+$0x0] =	vst.idx.msk $0xffff, v10  }
0x99: {  	v23 =	vnsel vm15, $0x7F7FC99E, v23;
	vm15 =	vlt.s32 v34, $0x3FFF;
	vm4 =	vgt.s32 v24, $0x0;
	v39 =	vld.idx.msk [tilespmem:v39+s3+$0x0], $0xffff  }
0x9a: {  	v25 =	vand.u32 $0x7FFFFFFF, v26;
	v49 =	vnsel vm15, $0x3FFF, v34;
	v26 =	vsub.f32 v9, v35;
	v40 =	vld.idx.msk [tilespmem:v40+s3+$0x0], $0xffff;
	[tilespmem:v3+s17+$0x0] =	vst.idx.msk $0xffff, v13  }
0x9b: {  	v43 =	vnsel vm4, $0x0, v24;
	vm15 =	vlt.s32 v37, $0x4000;
	v38 =	vsub.f32 v9, v38;
	v35 =	vld.idx.msk [tilespmem:v46+s3+$0x0], $0xffff  }
0x9c: {  	v25 =	vnsel vm6, $0x7F7FC99E, v25;
	vm6 =	vgt.s32 v18, $0xFFFFFFFF;
	v36 =	vld.idx.msk [tilespmem:v47+s3+$0x0], $0xffff;
	[tilespmem:v4+s17+$0x0] =	vst.idx.msk $0xffff, v14;
	v26 =	vand.u32 $0x7FFFFFFF, v26  }
0x9d: {  	v28 =	vsub.f32 v10, v45;
	v27 =	vand.u32 $0x7FFFFFFF, v38;
	v41 =	vld.idx.msk [tilespmem:v41+s3+$0x0], $0xffff;
	v26 =	vnsel vm9, $0x7F7FC99E, v26  }
0x9e: {  	v38 =	vld.idx.msk [tilespmem:v48+s3+$0x0], $0xffff;
	[tilespmem:v5+s17+$0x0] =	vst.idx.msk $0xffff, v11;
	v27 =	vnsel vm12, $0x7F7FC99E, v27;
	vm9 =	vgt.s32 v20, $0xFFFFFFFF;
	v30 =	vsub.f32 v10, v30  }
0x9f: {  	v42 =	vld.idx.msk [tilespmem:v42+s3+$0x0], $0xffff;
	vm12 =	vgt.s32 v21, $0xFFFFFFFF;
	v39 =	vsub.f32 v13, v39;
	v40 =	vsub.f32 v13, v40  }
0xa0: {  	v51 =	vld.idx.msk [tilespmem:v49+s3+$0x0], $0xffff;
	[tilespmem:v6+s17+$0x0] =	vst.idx.msk $0xffff, v15;
	v29 =	vand.u32 $0x7FFFFFFF, v30;
	v30 =	vand.u32 $0x7FFFFFFF, v28;
	v35 =	vsub.f32 v14, v35  }
0xa1: {  	v54 =	vld.idx.msk [tilespmem:v43+s3+$0x0], $0xffff;
	v53 =	vsub.f32 v14, v36;
	v28 =	vnsel vm6, $0x7F7FC99E, v29;
	v29 =	vnsel vm14, $0x7F7FC99E, v30  }
0xa2: {  	v56 =	vld.idx.msk [tilespmem:v44+s3+$0x0], $0xffff;
	v30 =	vand.u32 $0x7FFFFFFF, v39;
	v50 =	vand.u32 $0x7FFFFFFF, v40;
	v55 =	vsub.f32 v11, v41  }
0xa3: {  	v58 =	vsub.f32 v11, v38;
	vm14 =	vgt.s32 v24, $0xFFFFFFFF;
	v30 =	vnsel vm7, $0x7F7FC99E, v30  }
0xa4: {  	v31 =	vnsel vm2, $0x7F7FC99E, v50;
	v52 =	vand.u32 $0x7FFFFFFF, v35;
	v57 =	vand.u32 $0x7FFFFFFF, v53  }
0xa5: {  	v60 =	vsub.f32 v15, v42;
	v32 =	vnsel vm9, $0x7F7FC99E, v52;
	v33 =	vnsel vm8, $0x7F7FC99E, v57  }
0xa6: {  	v59 =	vand.u32 $0x7FFFFFFF, v55;
	v35 =	vand.u32 $0x7FFFFFFF, v58;
	v61 =	vsub.f32 v15, v51  }
0xa7: {  	v38 =	vand.u32 $0x7FFFFFFF, v60;
	v62 =	vsub.f32 v12, v54;
	v41 =	vsub.f32 v12, v56  }
0xa8: {  	v34 =	vnsel vm12, $0x7F7FC99E, v59;
	v35 =	vnsel vm10, $0x7F7FC99E, v35;
	v36 =	vnsel vm13, $0x7F7FC99E, v38  }
0xa9: {  	v63 =	vand.u32 $0x7FFFFFFF, v61;
	v40 =	vand.u32 $0x7FFFFFFF, v62;
	v41 =	vand.u32 $0x7FFFFFFF, v41  }
0xaa: {  	s19 =	simm.s32 $0x2;
	[tilespmem:v7+s17+$0x0] =	vst.idx.msk $0xffff, v12;
	v39 =	vnsel vm11, $0x7F7FC99E, v63;
	v37 =	vnsel vm14, $0x7F7FC99E, v40;
	v38 =	vnsel vm15, $0x7F7FC99E, v41  }
.LBB2_4:
0xab: {  	vm7 =	vle.f32 v23, v25;
	vm6 =	vle.f32 v26, v27;
	vm5 =	vle.f32 v28, v29  }
0xac: {  	vm4 =	vle.f32 v30, v31;
	vm3 =	vle.f32 v32, v33;
	vm2 =	vle.f32 v34, v35  }
0xad: {  	s20 =	sadd.s32 $0xFFFFFFFF, s19;
	vm1 =	vle.f32 v36, v39;
	vm0 =	vle.f32 v37, v38;
	v56 =	vadd.s32 $0xFFFFFFFF, v16  }
0xae: {  	v57 =	vadd.s32 $0xFFFFFFFF, v17;
	v58 =	vadd.s32 $0xFFFFFFFF, v18;
	v40 =	vmov s20  }
0xaf: {  	v59 =	vadd.s32 $0xFFFFFFFF, v21;
	v41 =	vsel vm7, v23, v25;
	v40 =	vand.u32 $0x7F, v40  }
0xb0: {  	v43 =	vsel vm6, v26, v27;
	v45 =	vsel vm5, v28, v29;
	v40 =	vbroadcast v40, $0x0  }
0xb1: {  	v47 =	vsel vm4, v30, v31;
	v49 =	vsel vm3, v32, v33;
	v51 =	vsel vm2, v34, v35  }
0xb2: {  	v53 =	vsel vm1, v36, v39;
	v55 =	vsel vm0, v37, v38;
	v42 =	vor.u32 v0, v40  }
0xb3: {  	v16 =	vsel vm7, v56, v16;
	v17 =	vsel vm6, v57, v17;
	v18 =	vsel vm5, v58, v18  }
0xb4: {  	v21 =	vsel vm2, v59, v21;
	v60 =	vadd.s32 s19, v16;
	v44 =	vor.u32 v1, v40  }
0xb5: {  	vm10 =	vmneg vm7;
	v56 =	vsel vm7, v56, v60;
	v46 =	vor.u32 v2, v40  }
0xb6: {  	vm8 =	vgt.s32 v56, $0x0;
	v48 =	vor.u32 v3, v40;
	v50 =	vor.u32 v4, v40  }
0xb7: {  	v52 =	vor.u32 v5, v40;
	v54 =	vor.u32 v6, v40;
	[tilespmem:v42+s17+$0x0] =	vst.idx.msk $0xffff, v41;
	v41 =	vadd.s32 $0xFFFFFFFF, v19  }
0xb8: {  	v40 =	vor.u32 v7, v40;
	v42 =	vadd.s32 $0xFFFFFFFF, v20;
	v19 =	vsel vm4, v41, v19  }
0xb9: {  	v20 =	vsel vm3, v42, v20;
	[tilespmem:v44+s17+$0x0] =	vst.idx.msk $0xffff, v43;
	v43 =	vadd.s32 $0xFFFFFFFF, v22;
	v44 =	vadd.s32 $0xFFFFFFFF, v24  }
0xba: {  	v62 =	vnsel vm8, $0x0, v56;
	v22 =	vsel vm1, v43, v22;
	v24 =	vsel vm0, v44, v24;
	[tilespmem:v46+s17+$0x0] =	vst.idx.msk $0xffff, v45  }
0xbb: {  	v45 =	vadd.s32 s19, v17;
	v46 =	vadd.s32 s19, v18;
	[tilespmem:v48+s17+$0x0] =	vst.idx.msk $0xffff, v47;
	v48 =	vadd.s32 s19, v19  }
0xbc: {  	v63 =	vsel vm6, v57, v45;
	v47 =	vmin.u32 v62, $0x3FFF;
	v62 =	vsel vm5, v58, v46  }
0xbd: {  	[tilespmem:v50+s17+$0x0] =	vst.idx.msk $0xffff, v49;
	v49 =	vadd.s32 s19, v20;
	vm15 =	vgt.s32 v63, $0x0;
	v50 =	vadd.s32 s19, v21  }
0xbe: {  	v41 =	vsel vm4, v41, v48;
	vm12 =	vgt.s32 v62, $0x0;
	v61 =	vnsel vm15, $0x0, v63  }
0xbf: {  	[tilespmem:v52+s17+$0x0] =	vst.idx.msk $0xffff, v51;
	v52 =	vadd.s32 s19, v22;
	v42 =	vsel vm3, v42, v49;
	v63 =	vsel vm2, v59, v50  }
0xc0: {  	vm9 =	vgt.s32 v41, $0x0;
	v62 =	vnsel vm12, $0x0, v62;
	vm12 =	vgt.s32 v16, $0xFFFFFFFF  }
0xc1: {  	[tilespmem:v54+s17+$0x0] =	vst.idx.msk $0xffff, v53;
	v53 =	vadd.s32 s19, v24;
	v43 =	vsel vm1, v43, v52;
	v61 =	vmin.u32 v61, $0x3FFF  }
0xc2: {  	v41 =	vnsel vm9, $0x0, v41;
	v51 =	vmin.u32 v62, $0x3FFF;
	vm13 =	vgt.s32 v42, $0x0;
	[tilespmem:v40+s17+$0x0] =	vst.idx.msk $0xffff, v55  }
0xc3: {  	vm14 =	vgt.s32 v63, $0x0;
	v41 =	vmin.u32 v41, $0x3FFF;
	v42 =	vnsel vm13, $0x0, v42;
	v47 =	vld.idx.msk [tilespmem:v47+s3+$0x0], $0xffff  }
0xc4: {  	vm8 =	vmand vm7, vm12;
	v63 =	vnsel vm14, $0x0, v63;
	v42 =	vmin.u32 v42, $0x3FFF  }
0xc5: {  	vm12 =	vlt.s32 v45, $0x4000;
	vm15 =	vgt.s32 v43, $0x0;
	v54 =	vmin.u32 v63, $0x3FFF  }
0xc6: {  	v44 =	vsel vm0, v44, v53;
	vm13 =	vlt.s32 v60, $0x4000;
	v43 =	vnsel vm15, $0x0, v43;
	v40 =	vld.idx.msk [tilespmem:v61+s3+$0x0], $0xffff  }
0xc7: {  	vm9 =	vmand vm10, vm13;
	vm14 =	vgt.s32 v44, $0x0;
	vm15 =	vgt.s32 v17, $0xFFFFFFFF;
	v51 =	vld.idx.msk [tilespmem:v51+s3+$0x0], $0xffff  }
0xc8: {  	vm13 =	vmneg vm6;
	v43 =	vmin.u32 v43, $0x3FFF;
	v41 =	vld.idx.msk [tilespmem:v41+s3+$0x0], $0xffff;
	v47 =	vsub.f32 v8, v47  }
0xc9: {  	vm10 =	vmneg vm3;
	v44 =	vnsel vm14, $0x0, v44;
	vm8 =	vmor vm8, vm9;
	v42 =	vld.idx.msk [tilespmem:v42+s3+$0x0], $0xffff  }
0xca: {  	vm9 =	vmand vm13, vm12;
	v44 =	vmin.u32 v44, $0x3FFF;
	v54 =	vld.idx.msk [tilespmem:v54+s3+$0x0], $0xffff;
	v47 =	vand.u32 $0x7FFFFFFF, v47  }
0xcb: {  	vm12 =	vlt.s32 v46, $0x4000;
	vm13 =	vmneg vm5;
	v47 =	vnsel vm8, $0x7F7FC99E, v47  }
0xcc: {  	v40 =	vsub.f32 v9, v40;
	vm8 =	vmand vm6, vm15;
	vm15 =	vgt.s32 v18, $0xFFFFFFFF  }
0xcd: {  	v58 =	vld.idx.msk [tilespmem:v43+s3+$0x0], $0xffff;
	v51 =	vsub.f32 v10, v51;
	v23 =	vsel vm7, v47, v23;
	v25 =	vsel vm7, v25, v47  }
0xce: {  	vm14 =	vmor vm8, vm9;
	v41 =	vsub.f32 v13, v41;
	v40 =	vand.u32 $0x7FFFFFFF, v40  }
0xcf: {  	v59 =	vld.idx.msk [tilespmem:v44+s3+$0x0], $0xffff;
	v45 =	vand.u32 $0x7FFFFFFF, v51;
	v56 =	vsub.f32 v14, v42;
	v57 =	vsub.f32 v11, v54  }
0xd0: {  	v40 =	vnsel vm14, $0x7F7FC99E, v40;
	vm14 =	vmand vm5, vm15;
	vm15 =	vmand vm13, vm12  }
0xd1: {  	vm12 =	vgt.s32 v19, $0xFFFFFFFF;
	vm13 =	vlt.s32 v48, $0x4000;
	v41 =	vand.u32 $0x7FFFFFFF, v41  }
0xd2: {  	v61 =	vsub.f32 v15, v58;
	vm7 =	vmor vm14, vm15;
	vm14 =	vmneg vm4  }
0xd3: {  	v26 =	vsel vm6, v40, v26;
	vm8 =	vmand vm4, vm12;
	v27 =	vsel vm6, v27, v40  }
0xd4: {  	vm15 =	vgt.s32 v20, $0xFFFFFFFF;
	v40 =	vand.u32 $0x7FFFFFFF, v56;
	v62 =	vsub.f32 v12, v59  }
0xd5: {  	vm9 =	vmand vm14, vm13;
	v55 =	vnsel vm7, $0x7F7FC99E, v45;
	vm11 =	vmand vm3, vm15  }
0xd6: {  	vm13 =	vgt.s32 v21, $0xFFFFFFFF;
	vm14 =	vlt.s32 v50, $0x4000;
	vm15 =	vmneg vm2  }
0xd7: {  	vm8 =	vmor vm8, vm9;
	v28 =	vsel vm5, v55, v28;
	v29 =	vsel vm5, v29, v55  }
0xd8: {  	vm9 =	vlt.s32 v49, $0x4000;
	vm5 =	vmand vm2, vm13;
	vm6 =	vmand vm15, vm14  }
0xd9: {  	vm13 =	vlt.s32 v53, $0x4000;
	vm14 =	vmneg vm0;
	v42 =	vand.u32 $0x7FFFFFFF, v62  }
0xda: {  	v41 =	vnsel vm8, $0x7F7FC99E, v41;
	vm12 =	vmand vm10, vm9;
	vm8 =	vmor vm5, vm6  }
0xdb: {  	vm9 =	vgt.s32 v22, $0xFFFFFFFF;
	vm10 =	vlt.s32 v52, $0x4000;
	vm5 =	vmand vm14, vm13  }
0xdc: {  	v30 =	vsel vm4, v41, v30;
	v31 =	vsel vm4, v31, v41;
	vm4 =	vmor vm11, vm12  }
0xdd: {  	v41 =	vand.u32 $0x7FFFFFFF, v57;
	vm11 =	vmneg vm1;
	vm12 =	vgt.s32 v24, $0xFFFFFFFF  }
0xde: {  	p1 =	sne.s32 s19, $0x8;
	v40 =	vnsel vm4, $0x7F7FC99E, v40;
	v60 =	vnsel vm8, $0x7F7FC99E, v41;
	vm4 =	vmand vm11, vm10  }
.Ltmp1:
0xdf: {  	v32 =	vsel vm3, v40, v32;
	v33 =	vsel vm3, v33, v40;
	vm3 =	vmand vm1, vm9;
	(pc) =	sbr.rel @p1 .LBB2_4-.Ltmp1, $4  }
0xe0: {  	v41 =	vand.u32 $0x7FFFFFFF, v61;
	vm3 =	vmor vm3, vm4;
	vm4 =	vmand vm0, vm12  }
0xe1: {  	v34 =	vsel vm2, v60, v34;
	v41 =	vnsel vm3, $0x7F7FC99E, v41;
	vm15 =	vmor vm4, vm5  }
0xe2: {  	v35 =	vsel vm2, v35, v60;
	v36 =	vsel vm1, v41, v36;
	v63 =	vnsel vm15, $0x7F7FC99E, v42  }
0xe3: {  	s19 =	sadd.s32 $0x1, s19;
	v39 =	vsel vm1, v39, v41;
	v37 =	vsel vm0, v63, v37;
	v38 =	vsel vm0, v38, v63  }
0xe4: {  	v8 =	vor.u32 $0x8, v0  }
0xe5: {  	v9 =	vor.u32 $0x808, v0  }
0xe6: {  	v10 =	vor.u32 $0x1008, v0  }
0xe7: {  	vm0 =	vle.f32 v23, v25;
	v11 =	vor.u32 $0x1808, v0  }
0xe8: {  	vm9 =	vle.f32 v26, v27;
	v13 =	vor.u32 $0x2008, v0;
	v12 =	vsel vm0, v23, v25  }
0xe9: {  	vm10 =	vle.f32 v28, v29;
	v61 =	vor.u32 $0x2808, v0;
	[tilespmem:v8+s17+$0x0] =	vst.idx.msk $0xffff, v12;
	v8 =	vsel vm9, v26, v27  }
0xea: {  	vm11 =	vle.f32 v30, v31;
	v62 =	vor.u32 $0x3008, v0;
	[tilespmem:v9+s17+$0x0] =	vst.idx.msk $0xffff, v8;
	v8 =	vsel vm10, v28, v29  }
0xeb: {  	vm12 =	vle.f32 v32, v33;
	v63 =	vor.u32 $0x3808, v0;
	[tilespmem:v10+s17+$0x0] =	vst.idx.msk $0xffff, v8;
	v8 =	vsel vm11, v30, v31  }
0xec: {  	vm13 =	vle.f32 v34, v35;
	[tilespmem:v11+s17+$0x0] =	vst.idx.msk $0xffff, v8;
	v8 =	vsel vm12, v32, v33  }
0xed: {  	vm14 =	vle.f32 v36, v39;
	[tilespmem:v13+s17+$0x0] =	vst.idx.msk $0xffff, v8;
	v8 =	vsel vm13, v34, v35  }
0xee: {  	vm15 =	vle.f32 v37, v38;
	s18 =	sadd.s32 $0x1, s18;
	[tilespmem:v61+s17+$0x0] =	vst.idx.msk $0xffff, v8;
	v8 =	vsel vm14, v36, v39  }
0xef: {  	p1 =	sne.s32 s18, s9;
	[tilespmem:v62+s17+$0x0] =	vst.idx.msk $0xffff, v8;
	v8 =	vsel vm15, v37, v38  }
.Ltmp2:
0xf0: {  	[tilespmem:v63+s17+$0x0] =	vst.idx.msk $0xffff, v8;
	(pc) =	sbr.rel @p1 .LBB2_1-.Ltmp2, $4  }
0xf1: {  	[hbm4b:s8+s3] =	stream.linear.scatter [tilespmem:s17], [sflag:$0x2], $0x4000, $0x38;
	[tilespmem:$0x8480] =	vst v63  }
0xf2: {  	_ =	swait.ge [sflag:s15], $0x4000  }
0xf3: {  	[sflag:s15] =	ssyncset.done $0x0  }
0xf4: {  	[sflag:s15] =	ssyncadd.s32 $0xFFFFC000  }
0xf5: {  	_ =	sfence.sel $0x180000  }
0xf6: {  	[bflag:$0x0] =	sbarrier.arrive $0xFFFF  }
0xf7: {  	_ =	strace $0x90000047  }
0xf8: {  	s0 =	sadd.s32 @!p0 $0x100000, s1;
	[bflag:$0x2] =	sbarrier.arrive $0xFFFF  }
0xf9: {  	[sflag:s0] =	ssyncadd.tile.s32 @!p0 $0x1;
	_ =	shalt  }
.Lfunc_end2:
_tile_overlayer_lowered:
.L_overlay_start_2:
0xfa: {  	(tag) =	ssettag $0x2  }
0xfb: {  	s0 =	rddreg [dreg:$0x0];
	s2 =	stileid.u32  }
0xfc: {  	s1 =	rddreg [dreg:$0x1];
	p0 =	sne.s32 s2, $0x0  }
0xfd: {  	s3 =	rddreg [dreg:$0x2];
	[bflag:$0x3] =	sbarrier.arrive $0xFFFF;
	s2 =	simm.s32 @!p0 $0x1C02  }
0xfe: {  	[timem:s3], [sflag:s2] =	dma.local @!p0 [hbm:s0], s1  }
0xff: {  	s0 =	simm.s32 @!p0 $0x2  }
0x100: {  	_ =	swait.ge @!p0 [sflag:s0], s1  }
0x101: {  	s1 =	ssub.s32 @!p0 $0x0, s1;
	[sflag:s0] =	ssyncset.done @!p0 $0x0  }
0x102: {  	[sflag:s0] =	ssyncadd.s32 @!p0 s1  }
0x103: {  	[bflag:$0x3] =	sbarrier.arrive $0xFFFF  }
0x104: {  	_ =	shalt  }

</sc_bundles>
